<compile_context>
chip_gen: v7x
topology: tpu7x:2x2x1
jax: 0.10.2.dev20260603
libtpu: 0.0.44.dev20260713+nightly
codegen_flags: <defaults>
</compile_context>

<pallas_src>
import functools

import jax
import jax.numpy as jnp
from jax import lax
from jax.experimental import pallas as pl
from jax.experimental.pallas import tpu as pltpu
from jax.experimental.pallas import tpu_sc as plsc

_MARGIN = 0.1
_NNEG = 5
_TRIPLET = _NNEG + 2
_NC, _NS = 2, 16


def _sc_mask_body(nrow, l, epw, nq,
                  trow_hbm, qidx_hbm, qidxs_hbm, labels_hbm, pos_hbm, neg_hbm,
                  qv, qidx_v, post_v, rowv, lutp_v, lutn_v,
                  trow_v, pout_v, nout_v, sem, sem_q, sem_t):
    cid = lax.axis_index("c")
    sid = lax.axis_index("s")
    wid = sid * _NC + cid

    base = wid * epw
    d_trow = pltpu.async_copy(trow_hbm.at[pl.ds(base, epw)], trow_v, sem_t)
    d_qv = pltpu.async_copy(qidxs_hbm, qv, sem_q)
    d_qi = pltpu.async_copy(qidx_hbm, qidx_v, sem_q)

    lsplat = jnp.full((16,), l, jnp.int32)

    def tinit(i, _):
        post_v[pl.ds(i * 16, 16)] = lsplat
        return 0

    lax.fori_loop(0, (l + 16) // 16, tinit, 0)
    d_qv.wait()
    d_qi.wait()

    def tbody(i, _):
        vec = qv[pl.ds(i * 16, 16)]
        plsc.store_scatter(post_v, [vec], lax.iota(jnp.int32, 16) + i * 16)
        return 0

    lax.fori_loop(0, l // 16, tbody, 0)
    qiv = qidx_v[...]
    valid = (qiv >= 0) & (qiv < l)
    diag = jnp.where(valid,
                     plsc.load_gather(post_v, [jnp.where(valid, qiv, 0)]),
                     lsplat)
    qloc_c = jnp.minimum(diag, l - 1)

    descs = [pltpu.async_copy(labels_hbm.at[qloc_c[qq]], rowv.at[qq], sem)
             for qq in range(nq)]
    z16 = jnp.zeros((16,), jnp.int32)

    def zbody(i, _):
        lutp_v[pl.ds(i * 16, 16)] = z16
        lutn_v[pl.ds(i * 16, 16)] = z16
        return 0

    lax.fori_loop(0, (l + 16) // 16, zbody, 0)
    for d in descs:
        d.wait()
    zero16 = jnp.zeros((16,), jnp.int32)
    lsplat = jnp.full((16,), l, jnp.int32)
    for qq in range(nq):
        hit_q = diag[qq] < l
        bit = jnp.full((16,), 1 << qq, jnp.int32)
        lp = rowv[qq, 0:16]
        ln = rowv[qq, 16:32]
        lpc = jnp.where((lp >= 0) & hit_q, lp, lsplat)
        lnc = jnp.where((ln >= 0) & hit_q, ln, lsplat)
        cur = plsc.load_gather(lutp_v, [lpc])
        plsc.store_scatter(lutp_v, [lpc],
                           cur | jnp.where(lpc < l, bit, zero16))
        cur = plsc.load_gather(lutn_v, [lnc])
        plsc.store_scatter(lutn_v, [lnc],
                           cur | jnp.where(lnc < l, bit, zero16))

    d_trow.wait()

    def gbody(i, _):
        tv = trow_v[pl.ds(i * 16, 16)]
        pout_v[pl.ds(i * 16, 16)] = plsc.load_gather(lutp_v, [tv])
        nout_v[pl.ds(i * 16, 16)] = plsc.load_gather(lutn_v, [tv])
        return 0

    lax.fori_loop(0, epw // 16, gbody, 0)
    pltpu.sync_copy(pout_v, pos_hbm.at[pl.ds(base, epw)])
    pltpu.sync_copy(nout_v, neg_hbm.at[pl.ds(base, epw)])


def _sc_masks(targets_row, qidx16, qidxs, labels):
    nrow = targets_row.shape[0]
    l = qidxs.shape[0]
    nw = _NC * _NS
    epw = nrow // nw
    nq = qidx16.shape[0]
    mesh = plsc.VectorSubcoreMesh(core_axis_name="c", subcore_axis_name="s")
    f = pl.kernel(
        functools.partial(_sc_mask_body, nrow, l, epw, nq),
        out_type=(jax.ShapeDtypeStruct((nrow,), jnp.int32),
                  jax.ShapeDtypeStruct((nrow,), jnp.int32)),
        mesh=mesh,
        scratch_types=[
            pltpu.VMEM((l,), jnp.int32),
            pltpu.VMEM((16,), jnp.int32),
            pltpu.VMEM((l + 16,), jnp.int32),
            pltpu.VMEM((16, 128), jnp.int32),
            pltpu.VMEM((l + 16,), jnp.int32),
            pltpu.VMEM((l + 16,), jnp.int32),
            pltpu.VMEM((epw,), jnp.int32),
            pltpu.VMEM((epw,), jnp.int32),
            pltpu.VMEM((epw,), jnp.int32),
            pltpu.SemaphoreType.DMA,
            pltpu.SemaphoreType.DMA,
            pltpu.SemaphoreType.DMA,
        ],
        compiler_params=pltpu.CompilerParams(needs_layout_passes=False),
    )
    return f(targets_row, qidx16, qidxs, labels)


def _tc_body(nq, nchunk, chunk,
             q_ref, rows_ref, pb_ref, nb_ref, out_ref,
             posval_s, negval_s, pmax_s, nmax_s, pcnt_s):
    c = pl.program_id(0)

    @pl.when(c == 0)
    def _init():
        pmax_s[...] = jnp.full((nq, 1), -jnp.inf, jnp.float32)
        nmax_s[...] = jnp.full((nq, 1), -jnp.inf, jnp.float32)
        pcnt_s[...] = jnp.zeros((nq, 1), jnp.float32)

    rows = rows_ref[...]
    q = q_ref[...]
    q_hi = q.astype(jnp.bfloat16)
    q_lo = (q - q_hi.astype(jnp.float32)).astype(jnp.bfloat16)
    r_hi = rows.astype(jnp.bfloat16)
    r_lo = (rows - r_hi.astype(jnp.float32)).astype(jnp.bfloat16)
    dn = (((1,), (1,)), ((), ()))
    sim = (lax.dot_general(q_hi, r_hi, dn, preferred_element_type=jnp.float32)
           + (lax.dot_general(q_hi, r_lo, dn, preferred_element_type=jnp.float32)
              + lax.dot_general(q_lo, r_hi, dn,
                                preferred_element_type=jnp.float32)))

    qbit = lax.broadcasted_iota(jnp.int32, (nq, 1), 0)
    pos = (lax.shift_right_logical(pb_ref[0], qbit) & 1) > 0
    neg = (lax.shift_right_logical(nb_ref[0], qbit) & 1) == 0

    posv = jnp.where(pos, sim, jnp.inf)
    negv = jnp.where(neg, sim, -jnp.inf)
    posval_s[:, pl.ds(c * chunk, chunk)] = posv
    negval_s[:, pl.ds(c * chunk, chunk)] = negv
    pmax_s[...] = jnp.maximum(
        pmax_s[...],
        jnp.max(jnp.where(pos, sim, -jnp.inf), axis=1, keepdims=True))
    nmax_s[...] = jnp.maximum(nmax_s[...], jnp.max(negv, axis=1, keepdims=True))
    pcnt_s[...] += jnp.sum(pos.astype(jnp.float32), axis=1, keepdims=True)

    @pl.when(c == nchunk - 1)
    def _finale():
        pmax = pmax_s[...]
        nmax = nmax_s[...]
        pcnt = pcnt_s[...]
        pt = nmax + _MARGIN
        nt = jnp.maximum(0.4, pmax) - _MARGIN
        zero = jnp.zeros((nq, 1), jnp.float32)
        pos_n = zero
        pos_sum = zero
        neg_n = zero
        neg_sum = zero
        for k in range(nchunk):
            pv = posval_s[:, k * chunk:(k + 1) * chunk]
            nv = negval_s[:, k * chunk:(k + 1) * chunk]
            selp = pv < pt
            seln = nv > nt
            pos_n = pos_n + jnp.sum(selp.astype(jnp.float32), axis=1, keepdims=True)
            pos_sum = pos_sum + jnp.sum(jnp.where(selp, 1.0 - pv, 0.0), axis=1,
                                        keepdims=True)
            neg_n = neg_n + jnp.sum(seln.astype(jnp.float32), axis=1, keepdims=True)
            neg_sum = neg_sum + jnp.sum(jnp.where(seln, nv, 0.0), axis=1,
                                        keepdims=True)
        pos_loss = jnp.where(pos_n > 0, pos_sum / jnp.maximum(pos_n, 1.0), 0.0)
        neg_loss = jnp.where(neg_n > 0, neg_sum / jnp.maximum(neg_n, 1.0), 0.0)
        contrib = jnp.where(pcnt > 0, pos_loss + neg_loss, 0.0)
        out_ref[...] = (jnp.sum(contrib) / nq).reshape(1, 1)


@jax.jit
def kernel(inputs_col, targets_col, inputs_row, targets_row, qidxs, pidxs, nnegs):
    n, d = inputs_col.shape
    nrow = inputs_row.shape[0]
    l = qidxs.shape[0]
    nlabel = pidxs.shape[1]
    nq = n // _TRIPLET

    chunk = 4096
    nchunk = nrow // chunk

    q = inputs_col[::_TRIPLET]
    qidx16 = targets_col[::_TRIPLET]
    pad = jnp.full((l, 16 - nlabel), -1, jnp.int32)
    bigpad = jnp.full((l, 96), -1, jnp.int32)
    labels = jnp.concatenate([pidxs, pad, nnegs, pad, bigpad], axis=1)

    posbits, negbits = _sc_masks(targets_row, qidx16, qidxs, labels)
    pb3 = posbits.reshape(nchunk, 1, chunk)
    nb3 = negbits.reshape(nchunk, 1, chunk)

    out = pl.pallas_call(
        functools.partial(_tc_body, nq, nchunk, chunk),
        grid=(nchunk,),
        in_specs=[
            pl.BlockSpec((nq, d), lambda c: (0, 0)),
            pl.BlockSpec((chunk, d), lambda c: (c, 0)),
            pl.BlockSpec((1, 1, chunk), lambda c: (c, 0, 0)),
            pl.BlockSpec((1, 1, chunk), lambda c: (c, 0, 0)),
        ],
        out_specs=pl.BlockSpec((1, 1), lambda c: (0, 0)),
        out_shape=jax.ShapeDtypeStruct((1, 1), jnp.float32),
        scratch_shapes=[
            pltpu.VMEM((nq, nrow), jnp.float32),
            pltpu.VMEM((nq, nrow), jnp.float32),
            pltpu.VMEM((nq, 1), jnp.float32),
            pltpu.VMEM((nq, 1), jnp.float32),
            pltpu.VMEM((nq, 1), jnp.float32),
        ],
    )(q, inputs_row, pb3, nb3)
    return out.reshape(1)

# --- scband reference (transcript-rebuilt; emitter-appended) ---
"""Pipeline reference for scband-xbm-triplet-loss-32298154066255 (READ-ONLY COPY).

The authoritative reference and input builder live on the scoring server;
editing this copy changes nothing except your own understanding.
"""

import jax, jax.numpy as jnp
import numpy as np

MARGIN = 0.1
NNEG = 5
N_COL = 112
N_ROW = 65536
D = 128
L = 4096
P = 10
NN = 10

def setup_inputs(seed: int = 0):
    key = jax.random.key(seed)
    k1, k2, k3, k4, k5 = jax.random.split(key, 5)
    inputs_col = jax.random.normal(k1, (N_COL, D), dtype=jnp.float32)
    targets_col = jnp.arange(N_COL, dtype=jnp.int32)
    inputs_row = jax.random.normal(k2, (N_ROW, D), dtype=jnp.float32)
    targets_row = jax.random.randint(k3, (N_ROW,), 0, L, dtype=jnp.int32)
    qidxs = jnp.arange(L, dtype=jnp.int32)
    pidxs = jax.random.randint(k4, (L, P), 0, L, dtype=jnp.int32)
    nnegs = jax.random.randint(k5, (L, NN), 0, L, dtype=jnp.int32)
    return {"inputs_col": inputs_col, "targets_col": targets_col,
            "inputs_row": inputs_row, "targets_row": targets_row,
            "qidxs": qidxs, "pidxs": pidxs, "nnegs": nnegs}

def reference(inputs_col, targets_col, inputs_row, targets_row, qidxs, pidxs, nnegs):
    n = inputs_col.shape[0]
    sim_mat = inputs_col @ inputs_row.T
    triplet_len = NNEG + 2
    query_list = np.arange(0, n, triplet_len)
    query_idx = targets_col[query_list]
    if targets_col.shape == targets_row.shape:
        from_batch = jnp.all(targets_col == targets_row)
    else:
        from_batch = jnp.asarray(False)
    ql = jnp.asarray(query_list)
    trow_copy = jnp.where(from_batch, targets_row.at[ql].set(-1), targets_row)
    loss = jnp.float32(0.0)
    for i in range(len(query_list)):
        idx = int(query_list[i])
        qidx = query_idx[i]
        hit_mask = qidxs == qidx
        has_hit = jnp.any(hit_mask)
        qloc = jnp.argmax(hit_mask)
        this_pidx = pidxs[qloc]
        this_nneg = nnegs[qloc]
        row = sim_mat[idx]
        pos_mask = jnp.isin(targets_row, this_pidx)
        pos_cnt = jnp.sum(pos_mask)
        neg_mask = ~jnp.isin(trow_copy, this_nneg)
        neg_mask = jnp.where(from_batch, neg_mask.at[ql].set(False), neg_mask)
        pos_sorted = jnp.sort(jnp.where(pos_mask, row, jnp.inf))
        neg_sorted = jnp.sort(jnp.where(neg_mask, row, -jnp.inf))
        neg_max = neg_sorted[-1]
        pos_max = jnp.max(jnp.where(pos_mask, row, -jnp.inf))
        sel_pos = pos_sorted < neg_max + MARGIN
        sel_neg = neg_sorted > jnp.maximum(0.4, pos_max) - MARGIN
        pos_n = jnp.sum(sel_pos)
        neg_n = jnp.sum(sel_neg)
        pos_loss = jnp.where(
            pos_n > 0,
            jnp.sum(jnp.where(sel_pos, 1.0 - pos_sorted, 0.0)) / jnp.maximum(pos_n, 1).astype(jnp.float32),
            jnp.float32(0.0))
        neg_loss = jnp.where(
            neg_n > 0,
            jnp.sum(jnp.where(sel_neg, neg_sorted, 0.0)) / jnp.maximum(neg_n, 1).astype(jnp.float32),
            jnp.float32(0.0))
        contrib = jnp.where(has_hit & (pos_cnt > 0), pos_loss + neg_loss, jnp.float32(0.0))
        loss = loss + contrib
    return loss / jnp.asarray([len(query_list)], dtype=jnp.float32)

if __name__ == "__main__":
    import jax
    _d = setup_inputs()
    print(jax.jit(kernel)(*tuple(_d.values())))

</pallas_src>

<mosaic_0001>
#map = affine_map<(d0, d1) -> (0)>
#map1 = affine_map<(d0, d1) -> (0, 0)>
module attributes {stable_mosaic.version = 14 : i64} {
  func.func @_sc_mask_body(%arg0: i32, %arg1: i32, %arg2: memref<65536xi32, #tpu.memory_space<hbm>>, %arg3: memref<16xi32, #tpu.memory_space<hbm>>, %arg4: memref<4096xi32, #tpu.memory_space<hbm>>, %arg5: memref<4096x128xi32, #tpu.memory_space<hbm>>, %arg6: memref<65536xi32, #tpu.memory_space<hbm>>, %arg7: memref<65536xi32, #tpu.memory_space<hbm>>, %arg8: memref<4096xi32, #tpu.memory_space<vmem>>, %arg9: memref<16xi32, #tpu.memory_space<vmem>>, %arg10: memref<4112xi32, #tpu.memory_space<vmem>>, %arg11: memref<16x128xi32, #tpu.memory_space<vmem>>, %arg12: memref<4112xi32, #tpu.memory_space<vmem>>, %arg13: memref<4112xi32, #tpu.memory_space<vmem>>, %arg14: memref<2048xi32, #tpu.memory_space<vmem>>, %arg15: memref<2048xi32, #tpu.memory_space<vmem>>, %arg16: memref<2048xi32, #tpu.memory_space<vmem>>, %arg17: memref<!tpu.dma_semaphore, #tpu.memory_space<semaphore_mem>>, %arg18: memref<!tpu.dma_semaphore, #tpu.memory_space<semaphore_mem>>, %arg19: memref<!tpu.dma_semaphore, #tpu.memory_space<semaphore_mem>>) attributes {dimension_semantics = [#tpu.dimension_semantics<core_parallel>, #tpu.dimension_semantics<subcore_parallel>], iteration_bounds = array<i64: 2, 16>, scalar_prefetch = 0 : i64, scratch_operands = 12 : i64, tpu.core_type = #tpu.core_type<sc_vector_subcore>, window_params = [{transform_indices = #map}, {transform_indices = #map}, {transform_indices = #map}, {transform_indices = #map1}, {transform_indices = #map}, {transform_indices = #map}]} {
    %mul3A = arith.constant 2 : i32
    %mul3A_0 = arith.muli %arg1, %mul3A : i32
    %add3A = arith.addi %mul3A_0, %arg0 : i32
    %mul3A_1 = arith.constant 2048 : i32
    %mul3A_2 = arith.muli %add3A, %mul3A_1 : i32
    %dma_start3A = tpu.memref_slice %arg2[%mul3A_2] : memref<65536xi32, #tpu.memory_space<hbm>> -> memref<2048xi32, #tpu.memory_space<hbm>>
    %dma_start3A_3 = tpu.memref_slice %arg2[%mul3A_2] : memref<65536xi32, #tpu.memory_space<hbm>> -> memref<2048xi32, #tpu.memory_space<hbm>>
    tpu.enqueue_dma source(%dma_start3A_3 : memref<2048xi32, #tpu.memory_space<hbm>>) target(%arg14 : memref<2048xi32, #tpu.memory_space<vmem>>) target_semaphore(%arg19 : memref<!tpu.dma_semaphore, #tpu.memory_space<semaphore_mem>>)
    tpu.enqueue_dma source(%arg4 : memref<4096xi32, #tpu.memory_space<hbm>>) target(%arg8 : memref<4096xi32, #tpu.memory_space<vmem>>) target_semaphore(%arg18 : memref<!tpu.dma_semaphore, #tpu.memory_space<semaphore_mem>>)
    tpu.enqueue_dma source(%arg3 : memref<16xi32, #tpu.memory_space<hbm>>) target(%arg9 : memref<16xi32, #tpu.memory_space<vmem>>) target_semaphore(%arg18 : memref<!tpu.dma_semaphore, #tpu.memory_space<semaphore_mem>>)
    %broadcast_in_dim3A = arith.constant 4096 : i32
    %broadcast_in_dim3A_4 = vector.broadcast %broadcast_in_dim3A : i32 to vector<16xi32>
    %scan3A = arith.constant 0 : i32
    %scan3A_5 = arith.constant 0 : i32
    %scan3A_6 = arith.constant 257 : i32
    %scan3A_7 = arith.addi %scan3A_5, %scan3A_6 : i32
    %scan3A_8 = arith.constant 1 : i32
    %scan3A_9 = scf.for %scan3A_1101 = %scan3A_5 to %scan3A_7 step %scan3A_8 iter_args(%scan3A_1102 = %scan3A) -> (i32)  : i32 {
      %mul3A_1103 = arith.constant 16 : i32
      %mul3A_1104 = arith.muli %scan3A_1101, %mul3A_1103 : i32
      %swap3A = arith.index_cast %mul3A_1104 : i32 to index
      %swap3A_1105 = tpu.vector_load %arg10[%swap3A] {strides = array<i32>} : memref<4112xi32, #tpu.memory_space<vmem>>, vector<16xi32>,
      tpu.vector_store %arg10[%swap3A], %broadcast_in_dim3A_4 {strides = array<i32>} : memref<4112xi32, #tpu.memory_space<vmem>>, vector<16xi32>,
      %scan3A_1106 = arith.constant 0 : i32
      scf.yield %scan3A_1106 : i32
    }
    %scan3A_10 = arith.constant 257 : i32
    tpu.wait_dma2 semaphore(%arg18 : memref<!tpu.dma_semaphore, #tpu.memory_space<semaphore_mem>>) src(%arg4 : memref<4096xi32, #tpu.memory_space<hbm>>) dst(%arg8 : memref<4096xi32, #tpu.memory_space<vmem>>)
    tpu.wait_dma2 semaphore(%arg18 : memref<!tpu.dma_semaphore, #tpu.memory_space<semaphore_mem>>) src(%arg3 : memref<16xi32, #tpu.memory_space<hbm>>) dst(%arg9 : memref<16xi32, #tpu.memory_space<vmem>>)
    %scan3A_11 = arith.constant 0 : i32
    %scan3A_12 = arith.constant 0 : i32
    %scan3A_13 = arith.constant 256 : i32
    %scan3A_14 = arith.addi %scan3A_12, %scan3A_13 : i32
    %scan3A_15 = arith.constant 1 : i32
    %scan3A_16 = scf.for %scan3A_1101 = %scan3A_12 to %scan3A_14 step %scan3A_15 iter_args(%scan3A_1102 = %scan3A_11) -> (i32)  : i32 {
      %mul3A_1103 = arith.constant 16 : i32
      %mul3A_1104 = arith.muli %scan3A_1101, %mul3A_1103 : i32
      %get3A_1105 = arith.index_cast %mul3A_1104 : i32 to index
      %get3A_1106 = tpu.vector_load %arg8[%get3A_1105] {strides = array<i32>} : memref<4096xi32, #tpu.memory_space<vmem>>, vector<16xi32>,
      %iota3A = tpu.iota {dimensions = array<i32: 0>} : vector<16xi32>
      %mul3A_1107 = arith.constant 16 : i32
      %mul3A_1108 = arith.muli %scan3A_1101, %mul3A_1107 : i32
      %add3A_1109 = vector.broadcast %mul3A_1108 : i32 to vector<16xi32>
      %add3A_1110 = arith.addi %iota3A, %add3A_1109 : vector<16xi32>
      tpu.vector_store_idx %arg10[%get3A_1106], %add3A_1110 : memref<4112xi32, #tpu.memory_space<vmem>>[vector<16xi32>], vector<16xi32>,
      %scan3A_1111 = arith.constant 0 : i32
      scf.yield %scan3A_1111 : i32
    }
    %scan3A_17 = arith.constant 256 : i32
    %get3A = arith.constant 0 : index
    %get3A_18 = tpu.vector_load %arg9[%get3A] {strides = array<i32>} : memref<16xi32, #tpu.memory_space<vmem>>, vector<16xi32>,
    %ge3A = arith.constant 0 : i32
    %ge3A_19 = vector.broadcast %ge3A : i32 to vector<16xi32>
    %ge3A_20 = arith.cmpi sge, %get3A_18, %ge3A_19 : vector<16xi32>
    %lt3A = arith.constant 4096 : i32
    %lt3A_21 = vector.broadcast %lt3A : i32 to vector<16xi32>
    %lt3A_22 = arith.cmpi slt, %get3A_18, %lt3A_21 : vector<16xi32>
    %and3A = arith.andi %ge3A_20, %lt3A_22 : vector<16xi1>
    %jit3A = arith.constant 0 : i32
    %broadcast_in_dim3A_23 = vector.broadcast %jit3A : i32 to vector<16xi32>
    %select_n3A = arith.select %and3A, %get3A_18, %broadcast_in_dim3A_23 : vector<16xi1>, vector<16xi32>
    %gather3A = tpu.vector_load_idx %arg10[%select_n3A] : memref<4112xi32, #tpu.memory_space<vmem>>[vector<16xi32>], vector<16xi32>,
    %select_n3A_24 = arith.select %and3A, %gather3A, %broadcast_in_dim3A_4 : vector<16xi1>, vector<16xi32>
    %min3A = arith.constant 4095 : i32
    %min3A_25 = vector.broadcast %min3A : i32 to vector<16xi32>
    %min3A_26 = arith.minsi %select_n3A_24, %min3A_25 : vector<16xi32>
    %slice3A = vector.extract_strided_slice %min3A_26 {offsets = [0], sizes = [1], strides = [1]} : vector<16xi32> to vector<1xi32>
    %squeeze3A = vector.extract %slice3A[0] : i32 from vector<1xi32>
    %dma_start3A_27 = arith.constant 0 : i32
    %dma_start3A_28 = arith.constant 0 : i32
    %dma_start3A_29 = tpu.memref_slice %arg11[%dma_start3A_27, %dma_start3A_28] : memref<16x128xi32, #tpu.memory_space<vmem>> -> memref<1x128xi32, #tpu.memory_space<vmem>>
    %dma_start3A_30 = tpu.memref_squeeze %dma_start3A_29 : memref<1x128xi32, #tpu.memory_space<vmem>> -> memref<128xi32, #tpu.memory_space<vmem>>
    %dma_start3A_31 = arith.constant 0 : i32
    %dma_start3A_32 = tpu.memref_slice %arg5[%squeeze3A, %dma_start3A_31] : memref<4096x128xi32, #tpu.memory_space<hbm>> -> memref<1x128xi32, #tpu.memory_space<hbm>>
    %dma_start3A_33 = tpu.memref_squeeze %dma_start3A_32 : memref<1x128xi32, #tpu.memory_space<hbm>> -> memref<128xi32, #tpu.memory_space<hbm>>
    %dma_start3A_34 = arith.constant 0 : i32
    %dma_start3A_35 = tpu.memref_slice %arg11[%dma_start3A_27, %dma_start3A_34] : memref<16x128xi32, #tpu.memory_space<vmem>> -> memref<1x128xi32, #tpu.memory_space<vmem>>
    %dma_start3A_36 = tpu.memref_squeeze %dma_start3A_35 : memref<1x128xi32, #tpu.memory_space<vmem>> -> memref<128xi32, #tpu.memory_space<vmem>>
    %dma_start3A_37 = arith.constant 0 : i32
    %dma_start3A_38 = tpu.memref_slice %arg5[%squeeze3A, %dma_start3A_37] : memref<4096x128xi32, #tpu.memory_space<hbm>> -> memref<1x128xi32, #tpu.memory_space<hbm>>
    %dma_start3A_39 = tpu.memref_squeeze %dma_start3A_38 : memref<1x128xi32, #tpu.memory_space<hbm>> -> memref<128xi32, #tpu.memory_space<hbm>>
    tpu.enqueue_dma source(%dma_start3A_39 : memref<128xi32, #tpu.memory_space<hbm>>) target(%dma_start3A_36 : memref<128xi32, #tpu.memory_space<vmem>>) target_semaphore(%arg17 : memref<!tpu.dma_semaphore, #tpu.memory_space<semaphore_mem>>)
    %slice3A_40 = vector.extract_strided_slice %min3A_26 {offsets = [1], sizes = [1], strides = [1]} : vector<16xi32> to vector<1xi32>
    %squeeze3A_41 = vector.extract %slice3A_40[0] : i32 from vector<1xi32>
    %dma_start3A_42 = arith.constant 1 : i32
    %dma_start3A_43 = arith.constant 0 : i32
    %dma_start3A_44 = tpu.memref_slice %arg11[%dma_start3A_42, %dma_start3A_43] : memref<16x128xi32, #tpu.memory_space<vmem>> -> memref<1x128xi32, #tpu.memory_space<vmem>>
    %dma_start3A_45 = tpu.memref_squeeze %dma_start3A_44 : memref<1x128xi32, #tpu.memory_space<vmem>> -> memref<128xi32, #tpu.memory_space<vmem>>
    %dma_start3A_46 = arith.constant 0 : i32
    %dma_start3A_47 = tpu.memref_slice %arg5[%squeeze3A_41, %dma_start3A_46] : memref<4096x128xi32, #tpu.memory_space<hbm>> -> memref<1x128xi32, #tpu.memory_space<hbm>>
    %dma_start3A_48 = tpu.memref_squeeze %dma_start3A_47 : memref<1x128xi32, #tpu.memory_space<hbm>> -> memref<128xi32, #tpu.memory_space<hbm>>
    %dma_start3A_49 = arith.constant 0 : i32
    %dma_start3A_50 = tpu.memref_slice %arg11[%dma_start3A_42, %dma_start3A_49] : memref<16x128xi32, #tpu.memory_space<vmem>> -> memref<1x128xi32, #tpu.memory_space<vmem>>
    %dma_start3A_51 = tpu.memref_squeeze %dma_start3A_50 : memref<1x128xi32, #tpu.memory_space<vmem>> -> memref<128xi32, #tpu.memory_space<vmem>>
    %dma_start3A_52 = arith.constant 0 : i32
    %dma_start3A_53 = tpu.memref_slice %arg5[%squeeze3A_41, %dma_start3A_52] : memref<4096x128xi32, #tpu.memory_space<hbm>> -> memref<1x128xi32, #tpu.memory_space<hbm>>
    %dma_start3A_54 = tpu.memref_squeeze %dma_start3A_53 : memref<1x128xi32, #tpu.memory_space<hbm>> -> memref<128xi32, #tpu.memory_space<hbm>>
    tpu.enqueue_dma source(%dma_start3A_54 : memref<128xi32, #tpu.memory_space<hbm>>) target(%dma_start3A_51 : memref<128xi32, #tpu.memory_space<vmem>>) target_semaphore(%arg17 : memref<!tpu.dma_semaphore, #tpu.memory_space<semaphore_mem>>)
    %slice3A_55 = vector.extract_strided_slice %min3A_26 {offsets = [2], sizes = [1], strides = [1]} : vector<16xi32> to vector<1xi32>
    %squeeze3A_56 = vector.extract %slice3A_55[0] : i32 from vector<1xi32>
    %dma_start3A_57 = arith.constant 2 : i32
    %dma_start3A_58 = arith.constant 0 : i32
    %dma_start3A_59 = tpu.memref_slice %arg11[%dma_start3A_57, %dma_start3A_58] : memref<16x128xi32, #tpu.memory_space<vmem>> -> memref<1x128xi32, #tpu.memory_space<vmem>>
    %dma_start3A_60 = tpu.memref_squeeze %dma_start3A_59 : memref<1x128xi32, #tpu.memory_space<vmem>> -> memref<128xi32, #tpu.memory_space<vmem>>
    %dma_start3A_61 = arith.constant 0 : i32
    %dma_start3A_62 = tpu.memref_slice %arg5[%squeeze3A_56, %dma_start3A_61] : memref<4096x128xi32, #tpu.memory_space<hbm>> -> memref<1x128xi32, #tpu.memory_space<hbm>>
    %dma_start3A_63 = tpu.memref_squeeze %dma_start3A_62 : memref<1x128xi32, #tpu.memory_space<hbm>> -> memref<128xi32, #tpu.memory_space<hbm>>
    %dma_start3A_64 = arith.constant 0 : i32
    %dma_start3A_65 = tpu.memref_slice %arg11[%dma_start3A_57, %dma_start3A_64] : memref<16x128xi32, #tpu.memory_space<vmem>> -> memref<1x128xi32, #tpu.memory_space<vmem>>
    %dma_start3A_66 = tpu.memref_squeeze %dma_start3A_65 : memref<1x128xi32, #tpu.memory_space<vmem>> -> memref<128xi32, #tpu.memory_space<vmem>>
    %dma_start3A_67 = arith.constant 0 : i32
    %dma_start3A_68 = tpu.memref_slice %arg5[%squeeze3A_56, %dma_start3A_67] : memref<4096x128xi32, #tpu.memory_space<hbm>> -> memref<1x128xi32, #tpu.memory_space<hbm>>
    %dma_start3A_69 = tpu.memref_squeeze %dma_start3A_68 : memref<1x128xi32, #tpu.memory_space<hbm>> -> memref<128xi32, #tpu.memory_space<hbm>>
    tpu.enqueue_dma source(%dma_start3A_69 : memref<128xi32, #tpu.memory_space<hbm>>) target(%dma_start3A_66 : memref<128xi32, #tpu.memory_space<vmem>>) target_semaphore(%arg17 : memref<!tpu.dma_semaphore, #tpu.memory_space<semaphore_mem>>)
    %slice3A_70 = vector.extract_strided_slice %min3A_26 {offsets = [3], sizes = [1], strides = [1]} : vector<16xi32> to vector<1xi32>
    %squeeze3A_71 = vector.extract %slice3A_70[0] : i32 from vector<1xi32>
    %dma_start3A_72 = arith.constant 3 : i32
    %dma_start3A_73 = arith.constant 0 : i32
    %dma_start3A_74 = tpu.memref_slice %arg11[%dma_start3A_72, %dma_start3A_73] : memref<16x128xi32, #tpu.memory_space<vmem>> -> memref<1x128xi32, #tpu.memory_space<vmem>>
    %dma_start3A_75 = tpu.memref_squeeze %dma_start3A_74 : memref<1x128xi32, #tpu.memory_space<vmem>> -> memref<128xi32, #tpu.memory_space<vmem>>
    %dma_start3A_76 = arith.constant 0 : i32
    %dma_start3A_77 = tpu.memref_slice %arg5[%squeeze3A_71, %dma_start3A_76] : memref<4096x128xi32, #tpu.memory_space<hbm>> -> memref<1x128xi32, #tpu.memory_space<hbm>>
    %dma_start3A_78 = tpu.memref_squeeze %dma_start3A_77 : memref<1x128xi32, #tpu.memory_space<hbm>> -> memref<128xi32, #tpu.memory_space<hbm>>
    %dma_start3A_79 = arith.constant 0 : i32
    %dma_start3A_80 = tpu.memref_slice %arg11[%dma_start3A_72, %dma_start3A_79] : memref<16x128xi32, #tpu.memory_space<vmem>> -> memref<1x128xi32, #tpu.memory_space<vmem>>
    %dma_start3A_81 = tpu.memref_squeeze %dma_start3A_80 : memref<1x128xi32, #tpu.memory_space<vmem>> -> memref<128xi32, #tpu.memory_space<vmem>>
    %dma_start3A_82 = arith.constant 0 : i32
    %dma_start3A_83 = tpu.memref_slice %arg5[%squeeze3A_71, %dma_start3A_82] : memref<4096x128xi32, #tpu.memory_space<hbm>> -> memref<1x128xi32, #tpu.memory_space<hbm>>
    %dma_start3A_84 = tpu.memref_squeeze %dma_start3A_83 : memref<1x128xi32, #tpu.memory_space<hbm>> -> memref<128xi32, #tpu.memory_space<hbm>>
    tpu.enqueue_dma source(%dma_start3A_84 : memref<128xi32, #tpu.memory_space<hbm>>) target(%dma_start3A_81 : memref<128xi32, #tpu.memory_space<vmem>>) target_semaphore(%arg17 : memref<!tpu.dma_semaphore, #tpu.memory_space<semaphore_mem>>)
    %slice3A_85 = vector.extract_strided_slice %min3A_26 {offsets = [4], sizes = [1], strides = [1]} : vector<16xi32> to vector<1xi32>
    %squeeze3A_86 = vector.extract %slice3A_85[0] : i32 from vector<1xi32>
    %dma_start3A_87 = arith.constant 4 : i32
    %dma_start3A_88 = arith.constant 0 : i32
    %dma_start3A_89 = tpu.memref_slice %arg11[%dma_start3A_87, %dma_start3A_88] : memref<16x128xi32, #tpu.memory_space<vmem>> -> memref<1x128xi32, #tpu.memory_space<vmem>>
    %dma_start3A_90 = tpu.memref_squeeze %dma_start3A_89 : memref<1x128xi32, #tpu.memory_space<vmem>> -> memref<128xi32, #tpu.memory_space<vmem>>
    %dma_start3A_91 = arith.constant 0 : i32
    %dma_start3A_92 = tpu.memref_slice %arg5[%squeeze3A_86, %dma_start3A_91] : memref<4096x128xi32, #tpu.memory_space<hbm>> -> memref<1x128xi32, #tpu.memory_space<hbm>>
    %dma_start3A_93 = tpu.memref_squeeze %dma_start3A_92 : memref<1x128xi32, #tpu.memory_space<hbm>> -> memref<128xi32, #tpu.memory_space<hbm>>
    %dma_start3A_94 = arith.constant 0 : i32
    %dma_start3A_95 = tpu.memref_slice %arg11[%dma_start3A_87, %dma_start3A_94] : memref<16x128xi32, #tpu.memory_space<vmem>> -> memref<1x128xi32, #tpu.memory_space<vmem>>
    %dma_start3A_96 = tpu.memref_squeeze %dma_start3A_95 : memref<1x128xi32, #tpu.memory_space<vmem>> -> memref<128xi32, #tpu.memory_space<vmem>>
    %dma_start3A_97 = arith.constant 0 : i32
    %dma_start3A_98 = tpu.memref_slice %arg5[%squeeze3A_86, %dma_start3A_97] : memref<4096x128xi32, #tpu.memory_space<hbm>> -> memref<1x128xi32, #tpu.memory_space<hbm>>
    %dma_start3A_99 = tpu.memref_squeeze %dma_start3A_98 : memref<1x128xi32, #tpu.memory_space<hbm>> -> memref<128xi32, #tpu.memory_space<hbm>>
    tpu.enqueue_dma source(%dma_start3A_99 : memref<128xi32, #tpu.memory_space<hbm>>) target(%dma_start3A_96 : memref<128xi32, #tpu.memory_space<vmem>>) target_semaphore(%arg17 : memref<!tpu.dma_semaphore, #tpu.memory_space<semaphore_mem>>)
    %slice3A_100 = vector.extract_strided_slice %min3A_26 {offsets = [5], sizes = [1], strides = [1]} : vector<16xi32> to vector<1xi32>
    %squeeze3A_101 = vector.extract %slice3A_100[0] : i32 from vector<1xi32>
    %dma_start3A_102 = arith.constant 5 : i32
    %dma_start3A_103 = arith.constant 0 : i32
    %dma_start3A_104 = tpu.memref_slice %arg11[%dma_start3A_102, %dma_start3A_103] : memref<16x128xi32, #tpu.memory_space<vmem>> -> memref<1x128xi32, #tpu.memory_space<vmem>>
    %dma_start3A_105 = tpu.memref_squeeze %dma_start3A_104 : memref<1x128xi32, #tpu.memory_space<vmem>> -> memref<128xi32, #tpu.memory_space<vmem>>
    %dma_start3A_106 = arith.constant 0 : i32
    %dma_start3A_107 = tpu.memref_slice %arg5[%squeeze3A_101, %dma_start3A_106] : memref<4096x128xi32, #tpu.memory_space<hbm>> -> memref<1x128xi32, #tpu.memory_space<hbm>>
    %dma_start3A_108 = tpu.memref_squeeze %dma_start3A_107 : memref<1x128xi32, #tpu.memory_space<hbm>> -> memref<128xi32, #tpu.memory_space<hbm>>
    %dma_start3A_109 = arith.constant 0 : i32
    %dma_start3A_110 = tpu.memref_slice %arg11[%dma_start3A_102, %dma_start3A_109] : memref<16x128xi32, #tpu.memory_space<vmem>> -> memref<1x128xi32, #tpu.memory_space<vmem>>
    %dma_start3A_111 = tpu.memref_squeeze %dma_start3A_110 : memref<1x128xi32, #tpu.memory_space<vmem>> -> memref<128xi32, #tpu.memory_space<vmem>>
    %dma_start3A_112 = arith.constant 0 : i32
    %dma_start3A_113 = tpu.memref_slice %arg5[%squeeze3A_101, %dma_start3A_112] : memref<4096x128xi32, #tpu.memory_space<hbm>> -> memref<1x128xi32, #tpu.memory_space<hbm>>
    %dma_start3A_114 = tpu.memref_squeeze %dma_start3A_113 : memref<1x128xi32, #tpu.memory_space<hbm>> -> memref<128xi32, #tpu.memory_space<hbm>>
    tpu.enqueue_dma source(%dma_start3A_114 : memref<128xi32, #tpu.memory_space<hbm>>) target(%dma_start3A_111 : memref<128xi32, #tpu.memory_space<vmem>>) target_semaphore(%arg17 : memref<!tpu.dma_semaphore, #tpu.memory_space<semaphore_mem>>)
    %slice3A_115 = vector.extract_strided_slice %min3A_26 {offsets = [6], sizes = [1], strides = [1]} : vector<16xi32> to vector<1xi32>
    %squeeze3A_116 = vector.extract %slice3A_115[0] : i32 from vector<1xi32>
    %dma_start3A_117 = arith.constant 6 : i32
    %dma_start3A_118 = arith.constant 0 : i32
    %dma_start3A_119 = tpu.memref_slice %arg11[%dma_start3A_117, %dma_start3A_118] : memref<16x128xi32, #tpu.memory_space<vmem>> -> memref<1x128xi32, #tpu.memory_space<vmem>>
    %dma_start3A_120 = tpu.memref_squeeze %dma_start3A_119 : memref<1x128xi32, #tpu.memory_space<vmem>> -> memref<128xi32, #tpu.memory_space<vmem>>
    %dma_start3A_121 = arith.constant 0 : i32
    %dma_start3A_122 = tpu.memref_slice %arg5[%squeeze3A_116, %dma_start3A_121] : memref<4096x128xi32, #tpu.memory_space<hbm>> -> memref<1x128xi32, #tpu.memory_space<hbm>>
    %dma_start3A_123 = tpu.memref_squeeze %dma_start3A_122 : memref<1x128xi32, #tpu.memory_space<hbm>> -> memref<128xi32, #tpu.memory_space<hbm>>
    %dma_start3A_124 = arith.constant 0 : i32
    %dma_start3A_125 = tpu.memref_slice %arg11[%dma_start3A_117, %dma_start3A_124] : memref<16x128xi32, #tpu.memory_space<vmem>> -> memref<1x128xi32, #tpu.memory_space<vmem>>
    %dma_start3A_126 = tpu.memref_squeeze %dma_start3A_125 : memref<1x128xi32, #tpu.memory_space<vmem>> -> memref<128xi32, #tpu.memory_space<vmem>>
    %dma_start3A_127 = arith.constant 0 : i32
    %dma_start3A_128 = tpu.memref_slice %arg5[%squeeze3A_116, %dma_start3A_127] : memref<4096x128xi32, #tpu.memory_space<hbm>> -> memref<1x128xi32, #tpu.memory_space<hbm>>
    %dma_start3A_129 = tpu.memref_squeeze %dma_start3A_128 : memref<1x128xi32, #tpu.memory_space<hbm>> -> memref<128xi32, #tpu.memory_space<hbm>>
    tpu.enqueue_dma source(%dma_start3A_129 : memref<128xi32, #tpu.memory_space<hbm>>) target(%dma_start3A_126 : memref<128xi32, #tpu.memory_space<vmem>>) target_semaphore(%arg17 : memref<!tpu.dma_semaphore, #tpu.memory_space<semaphore_mem>>)
    %slice3A_130 = vector.extract_strided_slice %min3A_26 {offsets = [7], sizes = [1], strides = [1]} : vector<16xi32> to vector<1xi32>
    %squeeze3A_131 = vector.extract %slice3A_130[0] : i32 from vector<1xi32>
    %dma_start3A_132 = arith.constant 7 : i32
    %dma_start3A_133 = arith.constant 0 : i32
    %dma_start3A_134 = tpu.memref_slice %arg11[%dma_start3A_132, %dma_start3A_133] : memref<16x128xi32, #tpu.memory_space<vmem>> -> memref<1x128xi32, #tpu.memory_space<vmem>>
    %dma_start3A_135 = tpu.memref_squeeze %dma_start3A_134 : memref<1x128xi32, #tpu.memory_space<vmem>> -> memref<128xi32, #tpu.memory_space<vmem>>
    %dma_start3A_136 = arith.constant 0 : i32
    %dma_start3A_137 = tpu.memref_slice %arg5[%squeeze3A_131, %dma_start3A_136] : memref<4096x128xi32, #tpu.memory_space<hbm>> -> memref<1x128xi32, #tpu.memory_space<hbm>>
    %dma_start3A_138 = tpu.memref_squeeze %dma_start3A_137 : memref<1x128xi32, #tpu.memory_space<hbm>> -> memref<128xi32, #tpu.memory_space<hbm>>
    %dma_start3A_139 = arith.constant 0 : i32
    %dma_start3A_140 = tpu.memref_slice %arg11[%dma_start3A_132, %dma_start3A_139] : memref<16x128xi32, #tpu.memory_space<vmem>> -> memref<1x128xi32, #tpu.memory_space<vmem>>
    %dma_start3A_141 = tpu.memref_squeeze %dma_start3A_140 : memref<1x128xi32, #tpu.memory_space<vmem>> -> memref<128xi32, #tpu.memory_space<vmem>>
    %dma_start3A_142 = arith.constant 0 : i32
    %dma_start3A_143 = tpu.memref_slice %arg5[%squeeze3A_131, %dma_start3A_142] : memref<4096x128xi32, #tpu.memory_space<hbm>> -> memref<1x128xi32, #tpu.memory_space<hbm>>
    %dma_start3A_144 = tpu.memref_squeeze %dma_start3A_143 : memref<1x128xi32, #tpu.memory_space<hbm>> -> memref<128xi32, #tpu.memory_space<hbm>>
    tpu.enqueue_dma source(%dma_start3A_144 : memref<128xi32, #tpu.memory_space<hbm>>) target(%dma_start3A_141 : memref<128xi32, #tpu.memory_space<vmem>>) target_semaphore(%arg17 : memref<!tpu.dma_semaphore, #tpu.memory_space<semaphore_mem>>)
    %slice3A_145 = vector.extract_strided_slice %min3A_26 {offsets = [8], sizes = [1], strides = [1]} : vector<16xi32> to vector<1xi32>
    %squeeze3A_146 = vector.extract %slice3A_145[0] : i32 from vector<1xi32>
    %dma_start3A_147 = arith.constant 8 : i32
    %dma_start3A_148 = arith.constant 0 : i32
    %dma_start3A_149 = tpu.memref_slice %arg11[%dma_start3A_147, %dma_start3A_148] : memref<16x128xi32, #tpu.memory_space<vmem>> -> memref<1x128xi32, #tpu.memory_space<vmem>>
    %dma_start3A_150 = tpu.memref_squeeze %dma_start3A_149 : memref<1x128xi32, #tpu.memory_space<vmem>> -> memref<128xi32, #tpu.memory_space<vmem>>
    %dma_start3A_151 = arith.constant 0 : i32
    %dma_start3A_152 = tpu.memref_slice %arg5[%squeeze3A_146, %dma_start3A_151] : memref<4096x128xi32, #tpu.memory_space<hbm>> -> memref<1x128xi32, #tpu.memory_space<hbm>>
    %dma_start3A_153 = tpu.memref_squeeze %dma_start3A_152 : memref<1x128xi32, #tpu.memory_space<hbm>> -> memref<128xi32, #tpu.memory_space<hbm>>
    %dma_start3A_154 = arith.constant 0 : i32
    %dma_start3A_155 = tpu.memref_slice %arg11[%dma_start3A_147, %dma_start3A_154] : memref<16x128xi32, #tpu.memory_space<vmem>> -> memref<1x128xi32, #tpu.memory_space<vmem>>
    %dma_start3A_156 = tpu.memref_squeeze %dma_start3A_155 : memref<1x128xi32, #tpu.memory_space<vmem>> -> memref<128xi32, #tpu.memory_space<vmem>>
    %dma_start3A_157 = arith.constant 0 : i32
    %dma_start3A_158 = tpu.memref_slice %arg5[%squeeze3A_146, %dma_start3A_157] : memref<4096x128xi32, #tpu.memory_space<hbm>> -> memref<1x128xi32, #tpu.memory_space<hbm>>
    %dma_start3A_159 = tpu.memref_squeeze %dma_start3A_158 : memref<1x128xi32, #tpu.memory_space<hbm>> -> memref<128xi32, #tpu.memory_space<hbm>>
    tpu.enqueue_dma source(%dma_start3A_159 : memref<128xi32, #tpu.memory_space<hbm>>) target(%dma_start3A_156 : memref<128xi32, #tpu.memory_space<vmem>>) target_semaphore(%arg17 : memref<!tpu.dma_semaphore, #tpu.memory_space<semaphore_mem>>)
    %slice3A_160 = vector.extract_strided_slice %min3A_26 {offsets = [9], sizes = [1], strides = [1]} : vector<16xi32> to vector<1xi32>
    %squeeze3A_161 = vector.extract %slice3A_160[0] : i32 from vector<1xi32>
    %dma_start3A_162 = arith.constant 9 : i32
    %dma_start3A_163 = arith.constant 0 : i32
    %dma_start3A_164 = tpu.memref_slice %arg11[%dma_start3A_162, %dma_start3A_163] : memref<16x128xi32, #tpu.memory_space<vmem>> -> memref<1x128xi32, #tpu.memory_space<vmem>>
    %dma_start3A_165 = tpu.memref_squeeze %dma_start3A_164 : memref<1x128xi32, #tpu.memory_space<vmem>> -> memref<128xi32, #tpu.memory_space<vmem>>
    %dma_start3A_166 = arith.constant 0 : i32
    %dma_start3A_167 = tpu.memref_slice %arg5[%squeeze3A_161, %dma_start3A_166] : memref<4096x128xi32, #tpu.memory_space<hbm>> -> memref<1x128xi32, #tpu.memory_space<hbm>>
    %dma_start3A_168 = tpu.memref_squeeze %dma_start3A_167 : memref<1x128xi32, #tpu.memory_space<hbm>> -> memref<128xi32, #tpu.memory_space<hbm>>
    %dma_start3A_169 = arith.constant 0 : i32
    %dma_start3A_170 = tpu.memref_slice %arg11[%dma_start3A_162, %dma_start3A_169] : memref<16x128xi32, #tpu.memory_space<vmem>> -> memref<1x128xi32, #tpu.memory_space<vmem>>
    %dma_start3A_171 = tpu.memref_squeeze %dma_start3A_170 : memref<1x128xi32, #tpu.memory_space<vmem>> -> memref<128xi32, #tpu.memory_space<vmem>>
    %dma_start3A_172 = arith.constant 0 : i32
    %dma_start3A_173 = tpu.memref_slice %arg5[%squeeze3A_161, %dma_start3A_172] : memref<4096x128xi32, #tpu.memory_space<hbm>> -> memref<1x128xi32, #tpu.memory_space<hbm>>
    %dma_start3A_174 = tpu.memref_squeeze %dma_start3A_173 : memref<1x128xi32, #tpu.memory_space<hbm>> -> memref<128xi32, #tpu.memory_space<hbm>>
    tpu.enqueue_dma source(%dma_start3A_174 : memref<128xi32, #tpu.memory_space<hbm>>) target(%dma_start3A_171 : memref<128xi32, #tpu.memory_space<vmem>>) target_semaphore(%arg17 : memref<!tpu.dma_semaphore, #tpu.memory_space<semaphore_mem>>)
    %slice3A_175 = vector.extract_strided_slice %min3A_26 {offsets = [10], sizes = [1], strides = [1]} : vector<16xi32> to vector<1xi32>
    %squeeze3A_176 = vector.extract %slice3A_175[0] : i32 from vector<1xi32>
    %dma_start3A_177 = arith.constant 10 : i32
    %dma_start3A_178 = arith.constant 0 : i32
    %dma_start3A_179 = tpu.memref_slice %arg11[%dma_start3A_177, %dma_start3A_178] : memref<16x128xi32, #tpu.memory_space<vmem>> -> memref<1x128xi32, #tpu.memory_space<vmem>>
    %dma_start3A_180 = tpu.memref_squeeze %dma_start3A_179 : memref<1x128xi32, #tpu.memory_space<vmem>> -> memref<128xi32, #tpu.memory_space<vmem>>
    %dma_start3A_181 = arith.constant 0 : i32
    %dma_start3A_182 = tpu.memref_slice %arg5[%squeeze3A_176, %dma_start3A_181] : memref<4096x128xi32, #tpu.memory_space<hbm>> -> memref<1x128xi32, #tpu.memory_space<hbm>>
    %dma_start3A_183 = tpu.memref_squeeze %dma_start3A_182 : memref<1x128xi32, #tpu.memory_space<hbm>> -> memref<128xi32, #tpu.memory_space<hbm>>
    %dma_start3A_184 = arith.constant 0 : i32
    %dma_start3A_185 = tpu.memref_slice %arg11[%dma_start3A_177, %dma_start3A_184] : memref<16x128xi32, #tpu.memory_space<vmem>> -> memref<1x128xi32, #tpu.memory_space<vmem>>
    %dma_start3A_186 = tpu.memref_squeeze %dma_start3A_185 : memref<1x128xi32, #tpu.memory_space<vmem>> -> memref<128xi32, #tpu.memory_space<vmem>>
    %dma_start3A_187 = arith.constant 0 : i32
    %dma_start3A_188 = tpu.memref_slice %arg5[%squeeze3A_176, %dma_start3A_187] : memref<4096x128xi32, #tpu.memory_space<hbm>> -> memref<1x128xi32, #tpu.memory_space<hbm>>
    %dma_start3A_189 = tpu.memref_squeeze %dma_start3A_188 : memref<1x128xi32, #tpu.memory_space<hbm>> -> memref<128xi32, #tpu.memory_space<hbm>>
    tpu.enqueue_dma source(%dma_start3A_189 : memref<128xi32, #tpu.memory_space<hbm>>) target(%dma_start3A_186 : memref<128xi32, #tpu.memory_space<vmem>>) target_semaphore(%arg17 : memref<!tpu.dma_semaphore, #tpu.memory_space<semaphore_mem>>)
    %slice3A_190 = vector.extract_strided_slice %min3A_26 {offsets = [11], sizes = [1], strides = [1]} : vector<16xi32> to vector<1xi32>
    %squeeze3A_191 = vector.extract %slice3A_190[0] : i32 from vector<1xi32>
    %dma_start3A_192 = arith.constant 11 : i32
    %dma_start3A_193 = arith.constant 0 : i32
    %dma_start3A_194 = tpu.memref_slice %arg11[%dma_start3A_192, %dma_start3A_193] : memref<16x128xi32, #tpu.memory_space<vmem>> -> memref<1x128xi32, #tpu.memory_space<vmem>>
    %dma_start3A_195 = tpu.memref_squeeze %dma_start3A_194 : memref<1x128xi32, #tpu.memory_space<vmem>> -> memref<128xi32, #tpu.memory_space<vmem>>
    %dma_start3A_196 = arith.constant 0 : i32
    %dma_start3A_197 = tpu.memref_slice %arg5[%squeeze3A_191, %dma_start3A_196] : memref<4096x128xi32, #tpu.memory_space<hbm>> -> memref<1x128xi32, #tpu.memory_space<hbm>>
    %dma_start3A_198 = tpu.memref_squeeze %dma_start3A_197 : memref<1x128xi32, #tpu.memory_space<hbm>> -> memref<128xi32, #tpu.memory_space<hbm>>
    %dma_start3A_199 = arith.constant 0 : i32
    %dma_start3A_200 = tpu.memref_slice %arg11[%dma_start3A_192, %dma_start3A_199] : memref<16x128xi32, #tpu.memory_space<vmem>> -> memref<1x128xi32, #tpu.memory_space<vmem>>
    %dma_start3A_201 = tpu.memref_squeeze %dma_start3A_200 : memref<1x128xi32, #tpu.memory_space<vmem>> -> memref<128xi32, #tpu.memory_space<vmem>>
    %dma_start3A_202 = arith.constant 0 : i32
    %dma_start3A_203 = tpu.memref_slice %arg5[%squeeze3A_191, %dma_start3A_202] : memref<4096x128xi32, #tpu.memory_space<hbm>> -> memref<1x128xi32, #tpu.memory_space<hbm>>
    %dma_start3A_204 = tpu.memref_squeeze %dma_start3A_203 : memref<1x128xi32, #tpu.memory_space<hbm>> -> memref<128xi32, #tpu.memory_space<hbm>>
    tpu.enqueue_dma source(%dma_start3A_204 : memref<128xi32, #tpu.memory_space<hbm>>) target(%dma_start3A_201 : memref<128xi32, #tpu.memory_space<vmem>>) target_semaphore(%arg17 : memref<!tpu.dma_semaphore, #tpu.memory_space<semaphore_mem>>)
    %slice3A_205 = vector.extract_strided_slice %min3A_26 {offsets = [12], sizes = [1], strides = [1]} : vector<16xi32> to vector<1xi32>
    %squeeze3A_206 = vector.extract %slice3A_205[0] : i32 from vector<1xi32>
    %dma_start3A_207 = arith.constant 12 : i32
    %dma_start3A_208 = arith.constant 0 : i32
    %dma_start3A_209 = tpu.memref_slice %arg11[%dma_start3A_207, %dma_start3A_208] : memref<16x128xi32, #tpu.memory_space<vmem>> -> memref<1x128xi32, #tpu.memory_space<vmem>>
    %dma_start3A_210 = tpu.memref_squeeze %dma_start3A_209 : memref<1x128xi32, #tpu.memory_space<vmem>> -> memref<128xi32, #tpu.memory_space<vmem>>
    %dma_start3A_211 = arith.constant 0 : i32
    %dma_start3A_212 = tpu.memref_slice %arg5[%squeeze3A_206, %dma_start3A_211] : memref<4096x128xi32, #tpu.memory_space<hbm>> -> memref<1x128xi32, #tpu.memory_space<hbm>>
    %dma_start3A_213 = tpu.memref_squeeze %dma_start3A_212 : memref<1x128xi32, #tpu.memory_space<hbm>> -> memref<128xi32, #tpu.memory_space<hbm>>
    %dma_start3A_214 = arith.constant 0 : i32
    %dma_start3A_215 = tpu.memref_slice %arg11[%dma_start3A_207, %dma_start3A_214] : memref<16x128xi32, #tpu.memory_space<vmem>> -> memref<1x128xi32, #tpu.memory_space<vmem>>
    %dma_start3A_216 = tpu.memref_squeeze %dma_start3A_215 : memref<1x128xi32, #tpu.memory_space<vmem>> -> memref<128xi32, #tpu.memory_space<vmem>>
    %dma_start3A_217 = arith.constant 0 : i32
    %dma_start3A_218 = tpu.memref_slice %arg5[%squeeze3A_206, %dma_start3A_217] : memref<4096x128xi32, #tpu.memory_space<hbm>> -> memref<1x128xi32, #tpu.memory_space<hbm>>
    %dma_start3A_219 = tpu.memref_squeeze %dma_start3A_218 : memref<1x128xi32, #tpu.memory_space<hbm>> -> memref<128xi32, #tpu.memory_space<hbm>>
    tpu.enqueue_dma source(%dma_start3A_219 : memref<128xi32, #tpu.memory_space<hbm>>) target(%dma_start3A_216 : memref<128xi32, #tpu.memory_space<vmem>>) target_semaphore(%arg17 : memref<!tpu.dma_semaphore, #tpu.memory_space<semaphore_mem>>)
    %slice3A_220 = vector.extract_strided_slice %min3A_26 {offsets = [13], sizes = [1], strides = [1]} : vector<16xi32> to vector<1xi32>
    %squeeze3A_221 = vector.extract %slice3A_220[0] : i32 from vector<1xi32>
    %dma_start3A_222 = arith.constant 13 : i32
    %dma_start3A_223 = arith.constant 0 : i32
    %dma_start3A_224 = tpu.memref_slice %arg11[%dma_start3A_222, %dma_start3A_223] : memref<16x128xi32, #tpu.memory_space<vmem>> -> memref<1x128xi32, #tpu.memory_space<vmem>>
    %dma_start3A_225 = tpu.memref_squeeze %dma_start3A_224 : memref<1x128xi32, #tpu.memory_space<vmem>> -> memref<128xi32, #tpu.memory_space<vmem>>
    %dma_start3A_226 = arith.constant 0 : i32
    %dma_start3A_227 = tpu.memref_slice %arg5[%squeeze3A_221, %dma_start3A_226] : memref<4096x128xi32, #tpu.memory_space<hbm>> -> memref<1x128xi32, #tpu.memory_space<hbm>>
    %dma_start3A_228 = tpu.memref_squeeze %dma_start3A_227 : memref<1x128xi32, #tpu.memory_space<hbm>> -> memref<128xi32, #tpu.memory_space<hbm>>
    %dma_start3A_229 = arith.constant 0 : i32
    %dma_start3A_230 = tpu.memref_slice %arg11[%dma_start3A_222, %dma_start3A_229] : memref<16x128xi32, #tpu.memory_space<vmem>> -> memref<1x128xi32, #tpu.memory_space<vmem>>
    %dma_start3A_231 = tpu.memref_squeeze %dma_start3A_230 : memref<1x128xi32, #tpu.memory_space<vmem>> -> memref<128xi32, #tpu.memory_space<vmem>>
    %dma_start3A_232 = arith.constant 0 : i32
    %dma_start3A_233 = tpu.memref_slice %arg5[%squeeze3A_221, %dma_start3A_232] : memref<4096x128xi32, #tpu.memory_space<hbm>> -> memref<1x128xi32, #tpu.memory_space<hbm>>
    %dma_start3A_234 = tpu.memref_squeeze %dma_start3A_233 : memref<1x128xi32, #tpu.memory_space<hbm>> -> memref<128xi32, #tpu.memory_space<hbm>>
    tpu.enqueue_dma source(%dma_start3A_234 : memref<128xi32, #tpu.memory_space<hbm>>) target(%dma_start3A_231 : memref<128xi32, #tpu.memory_space<vmem>>) target_semaphore(%arg17 : memref<!tpu.dma_semaphore, #tpu.memory_space<semaphore_mem>>)
    %slice3A_235 = vector.extract_strided_slice %min3A_26 {offsets = [14], sizes = [1], strides = [1]} : vector<16xi32> to vector<1xi32>
    %squeeze3A_236 = vector.extract %slice3A_235[0] : i32 from vector<1xi32>
    %dma_start3A_237 = arith.constant 14 : i32
    %dma_start3A_238 = arith.constant 0 : i32
    %dma_start3A_239 = tpu.memref_slice %arg11[%dma_start3A_237, %dma_start3A_238] : memref<16x128xi32, #tpu.memory_space<vmem>> -> memref<1x128xi32, #tpu.memory_space<vmem>>
    %dma_start3A_240 = tpu.memref_squeeze %dma_start3A_239 : memref<1x128xi32, #tpu.memory_space<vmem>> -> memref<128xi32, #tpu.memory_space<vmem>>
    %dma_start3A_241 = arith.constant 0 : i32
    %dma_start3A_242 = tpu.memref_slice %arg5[%squeeze3A_236, %dma_start3A_241] : memref<4096x128xi32, #tpu.memory_space<hbm>> -> memref<1x128xi32, #tpu.memory_space<hbm>>
    %dma_start3A_243 = tpu.memref_squeeze %dma_start3A_242 : memref<1x128xi32, #tpu.memory_space<hbm>> -> memref<128xi32, #tpu.memory_space<hbm>>
    %dma_start3A_244 = arith.constant 0 : i32
    %dma_start3A_245 = tpu.memref_slice %arg11[%dma_start3A_237, %dma_start3A_244] : memref<16x128xi32, #tpu.memory_space<vmem>> -> memref<1x128xi32, #tpu.memory_space<vmem>>
    %dma_start3A_246 = tpu.memref_squeeze %dma_start3A_245 : memref<1x128xi32, #tpu.memory_space<vmem>> -> memref<128xi32, #tpu.memory_space<vmem>>
    %dma_start3A_247 = arith.constant 0 : i32
    %dma_start3A_248 = tpu.memref_slice %arg5[%squeeze3A_236, %dma_start3A_247] : memref<4096x128xi32, #tpu.memory_space<hbm>> -> memref<1x128xi32, #tpu.memory_space<hbm>>
    %dma_start3A_249 = tpu.memref_squeeze %dma_start3A_248 : memref<1x128xi32, #tpu.memory_space<hbm>> -> memref<128xi32, #tpu.memory_space<hbm>>
    tpu.enqueue_dma source(%dma_start3A_249 : memref<128xi32, #tpu.memory_space<hbm>>) target(%dma_start3A_246 : memref<128xi32, #tpu.memory_space<vmem>>) target_semaphore(%arg17 : memref<!tpu.dma_semaphore, #tpu.memory_space<semaphore_mem>>)
    %slice3A_250 = vector.extract_strided_slice %min3A_26 {offsets = [15], sizes = [1], strides = [1]} : vector<16xi32> to vector<1xi32>
    %squeeze3A_251 = vector.extract %slice3A_250[0] : i32 from vector<1xi32>
    %dma_start3A_252 = arith.constant 15 : i32
    %dma_start3A_253 = arith.constant 0 : i32
    %dma_start3A_254 = tpu.memref_slice %arg11[%dma_start3A_252, %dma_start3A_253] : memref<16x128xi32, #tpu.memory_space<vmem>> -> memref<1x128xi32, #tpu.memory_space<vmem>>
    %dma_start3A_255 = tpu.memref_squeeze %dma_start3A_254 : memref<1x128xi32, #tpu.memory_space<vmem>> -> memref<128xi32, #tpu.memory_space<vmem>>
    %dma_start3A_256 = arith.constant 0 : i32
    %dma_start3A_257 = tpu.memref_slice %arg5[%squeeze3A_251, %dma_start3A_256] : memref<4096x128xi32, #tpu.memory_space<hbm>> -> memref<1x128xi32, #tpu.memory_space<hbm>>
    %dma_start3A_258 = tpu.memref_squeeze %dma_start3A_257 : memref<1x128xi32, #tpu.memory_space<hbm>> -> memref<128xi32, #tpu.memory_space<hbm>>
    %dma_start3A_259 = arith.constant 0 : i32
    %dma_start3A_260 = tpu.memref_slice %arg11[%dma_start3A_252, %dma_start3A_259] : memref<16x128xi32, #tpu.memory_space<vmem>> -> memref<1x128xi32, #tpu.memory_space<vmem>>
    %dma_start3A_261 = tpu.memref_squeeze %dma_start3A_260 : memref<1x128xi32, #tpu.memory_space<vmem>> -> memref<128xi32, #tpu.memory_space<vmem>>
    %dma_start3A_262 = arith.constant 0 : i32
    %dma_start3A_263 = tpu.memref_slice %arg5[%squeeze3A_251, %dma_start3A_262] : memref<4096x128xi32, #tpu.memory_space<hbm>> -> memref<1x128xi32, #tpu.memory_space<hbm>>
    %dma_start3A_264 = tpu.memref_squeeze %dma_start3A_263 : memref<1x128xi32, #tpu.memory_space<hbm>> -> memref<128xi32, #tpu.memory_space<hbm>>
    tpu.enqueue_dma source(%dma_start3A_264 : memref<128xi32, #tpu.memory_space<hbm>>) target(%dma_start3A_261 : memref<128xi32, #tpu.memory_space<vmem>>) target_semaphore(%arg17 : memref<!tpu.dma_semaphore, #tpu.memory_space<semaphore_mem>>)
    %broadcast_in_dim3A_265 = arith.constant 0 : i32
    %broadcast_in_dim3A_266 = vector.broadcast %broadcast_in_dim3A_265 : i32 to vector<16xi32>
    %scan3A_267 = arith.constant 0 : i32
    %scan3A_268 = arith.constant 0 : i32
    %scan3A_269 = arith.constant 257 : i32
    %scan3A_270 = arith.addi %scan3A_268, %scan3A_269 : i32
    %scan3A_271 = arith.constant 1 : i32
    %scan3A_272 = scf.for %scan3A_1101 = %scan3A_268 to %scan3A_270 step %scan3A_271 iter_args(%scan3A_1102 = %scan3A_267) -> (i32)  : i32 {
      %mul3A_1103 = arith.constant 16 : i32
      %mul3A_1104 = arith.muli %scan3A_1101, %mul3A_1103 : i32
      %swap3A = arith.index_cast %mul3A_1104 : i32 to index
      %swap3A_1105 = tpu.vector_load %arg12[%swap3A] {strides = array<i32>} : memref<4112xi32, #tpu.memory_space<vmem>>, vector<16xi32>,
      tpu.vector_store %arg12[%swap3A], %broadcast_in_dim3A_266 {strides = array<i32>} : memref<4112xi32, #tpu.memory_space<vmem>>, vector<16xi32>,
      %mul3A_1106 = arith.constant 16 : i32
      %mul3A_1107 = arith.muli %scan3A_1101, %mul3A_1106 : i32
      %swap3A_1108 = arith.index_cast %mul3A_1107 : i32 to index
      %swap3A_1109 = tpu.vector_load %arg13[%swap3A_1108] {strides = array<i32>} : memref<4112xi32, #tpu.memory_space<vmem>>, vector<16xi32>,
      tpu.vector_store %arg13[%swap3A_1108], %broadcast_in_dim3A_266 {strides = array<i32>} : memref<4112xi32, #tpu.memory_space<vmem>>, vector<16xi32>,
      %scan3A_1110 = arith.constant 0 : i32
      scf.yield %scan3A_1110 : i32
    }
    %scan3A_273 = arith.constant 257 : i32
    %dma_wait3A = arith.constant 0 : i32
    %dma_wait3A_274 = arith.constant 0 : i32
    %dma_wait3A_275 = tpu.memref_slice %arg11[%dma_wait3A, %dma_wait3A_274] : memref<16x128xi32, #tpu.memory_space<vmem>> -> memref<1x128xi32, #tpu.memory_space<vmem>>
    %dma_wait3A_276 = tpu.memref_squeeze %dma_wait3A_275 : memref<1x128xi32, #tpu.memory_space<vmem>> -> memref<128xi32, #tpu.memory_space<vmem>>
    %dma_wait3A_277 = arith.constant 0 : i32
    %dma_wait3A_278 = tpu.memref_slice %arg5[%squeeze3A, %dma_wait3A_277] : memref<4096x128xi32, #tpu.memory_space<hbm>> -> memref<1x128xi32, #tpu.memory_space<hbm>>
    %dma_wait3A_279 = tpu.memref_squeeze %dma_wait3A_278 : memref<1x128xi32, #tpu.memory_space<hbm>> -> memref<128xi32, #tpu.memory_space<hbm>>
    %dma_wait3A_280 = arith.constant 0 : i32
    %dma_wait3A_281 = tpu.memref_slice %arg11[%dma_wait3A, %dma_wait3A_280] : memref<16x128xi32, #tpu.memory_space<vmem>> -> memref<1x128xi32, #tpu.memory_space<vmem>>
    %dma_wait3A_282 = tpu.memref_squeeze %dma_wait3A_281 : memref<1x128xi32, #tpu.memory_space<vmem>> -> memref<128xi32, #tpu.memory_space<vmem>>
    %dma_wait3A_283 = arith.constant 0 : i32
    %dma_wait3A_284 = tpu.memref_slice %arg5[%squeeze3A, %dma_wait3A_283] : memref<4096x128xi32, #tpu.memory_space<hbm>> -> memref<1x128xi32, #tpu.memory_space<hbm>>
    %dma_wait3A_285 = tpu.memref_squeeze %dma_wait3A_284 : memref<1x128xi32, #tpu.memory_space<hbm>> -> memref<128xi32, #tpu.memory_space<hbm>>
    tpu.wait_dma2 semaphore(%arg17 : memref<!tpu.dma_semaphore, #tpu.memory_space<semaphore_mem>>) src(%dma_wait3A_285 : memref<128xi32, #tpu.memory_space<hbm>>) dst(%dma_wait3A_282 : memref<128xi32, #tpu.memory_space<vmem>>)
    %dma_wait3A_286 = arith.constant 1 : i32
    %dma_wait3A_287 = arith.constant 0 : i32
    %dma_wait3A_288 = tpu.memref_slice %arg11[%dma_wait3A_286, %dma_wait3A_287] : memref<16x128xi32, #tpu.memory_space<vmem>> -> memref<1x128xi32, #tpu.memory_space<vmem>>
    %dma_wait3A_289 = tpu.memref_squeeze %dma_wait3A_288 : memref<1x128xi32, #tpu.memory_space<vmem>> -> memref<128xi32, #tpu.memory_space<vmem>>
    %dma_wait3A_290 = arith.constant 0 : i32
    %dma_wait3A_291 = tpu.memref_slice %arg5[%squeeze3A_41, %dma_wait3A_290] : memref<4096x128xi32, #tpu.memory_space<hbm>> -> memref<1x128xi32, #tpu.memory_space<hbm>>
    %dma_wait3A_292 = tpu.memref_squeeze %dma_wait3A_291 : memref<1x128xi32, #tpu.memory_space<hbm>> -> memref<128xi32, #tpu.memory_space<hbm>>
    %dma_wait3A_293 = arith.constant 0 : i32
    %dma_wait3A_294 = tpu.memref_slice %arg11[%dma_wait3A_286, %dma_wait3A_293] : memref<16x128xi32, #tpu.memory_space<vmem>> -> memref<1x128xi32, #tpu.memory_space<vmem>>
    %dma_wait3A_295 = tpu.memref_squeeze %dma_wait3A_294 : memref<1x128xi32, #tpu.memory_space<vmem>> -> memref<128xi32, #tpu.memory_space<vmem>>
    %dma_wait3A_296 = arith.constant 0 : i32
    %dma_wait3A_297 = tpu.memref_slice %arg5[%squeeze3A_41, %dma_wait3A_296] : memref<4096x128xi32, #tpu.memory_space<hbm>> -> memref<1x128xi32, #tpu.memory_space<hbm>>
    %dma_wait3A_298 = tpu.memref_squeeze %dma_wait3A_297 : memref<1x128xi32, #tpu.memory_space<hbm>> -> memref<128xi32, #tpu.memory_space<hbm>>
    tpu.wait_dma2 semaphore(%arg17 : memref<!tpu.dma_semaphore, #tpu.memory_space<semaphore_mem>>) src(%dma_wait3A_298 : memref<128xi32, #tpu.memory_space<hbm>>) dst(%dma_wait3A_295 : memref<128xi32, #tpu.memory_space<vmem>>)
    %dma_wait3A_299 = arith.constant 2 : i32
    %dma_wait3A_300 = arith.constant 0 : i32
    %dma_wait3A_301 = tpu.memref_slice %arg11[%dma_wait3A_299, %dma_wait3A_300] : memref<16x128xi32, #tpu.memory_space<vmem>> -> memref<1x128xi32, #tpu.memory_space<vmem>>
    %dma_wait3A_302 = tpu.memref_squeeze %dma_wait3A_301 : memref<1x128xi32, #tpu.memory_space<vmem>> -> memref<128xi32, #tpu.memory_space<vmem>>
    %dma_wait3A_303 = arith.constant 0 : i32
    %dma_wait3A_304 = tpu.memref_slice %arg5[%squeeze3A_56, %dma_wait3A_303] : memref<4096x128xi32, #tpu.memory_space<hbm>> -> memref<1x128xi32, #tpu.memory_space<hbm>>
    %dma_wait3A_305 = tpu.memref_squeeze %dma_wait3A_304 : memref<1x128xi32, #tpu.memory_space<hbm>> -> memref<128xi32, #tpu.memory_space<hbm>>
    %dma_wait3A_306 = arith.constant 0 : i32
    %dma_wait3A_307 = tpu.memref_slice %arg11[%dma_wait3A_299, %dma_wait3A_306] : memref<16x128xi32, #tpu.memory_space<vmem>> -> memref<1x128xi32, #tpu.memory_space<vmem>>
    %dma_wait3A_308 = tpu.memref_squeeze %dma_wait3A_307 : memref<1x128xi32, #tpu.memory_space<vmem>> -> memref<128xi32, #tpu.memory_space<vmem>>
    %dma_wait3A_309 = arith.constant 0 : i32
    %dma_wait3A_310 = tpu.memref_slice %arg5[%squeeze3A_56, %dma_wait3A_309] : memref<4096x128xi32, #tpu.memory_space<hbm>> -> memref<1x128xi32, #tpu.memory_space<hbm>>
    %dma_wait3A_311 = tpu.memref_squeeze %dma_wait3A_310 : memref<1x128xi32, #tpu.memory_space<hbm>> -> memref<128xi32, #tpu.memory_space<hbm>>
    tpu.wait_dma2 semaphore(%arg17 : memref<!tpu.dma_semaphore, #tpu.memory_space<semaphore_mem>>) src(%dma_wait3A_311 : memref<128xi32, #tpu.memory_space<hbm>>) dst(%dma_wait3A_308 : memref<128xi32, #tpu.memory_space<vmem>>)
    %dma_wait3A_312 = arith.constant 3 : i32
    %dma_wait3A_313 = arith.constant 0 : i32
    %dma_wait3A_314 = tpu.memref_slice %arg11[%dma_wait3A_312, %dma_wait3A_313] : memref<16x128xi32, #tpu.memory_space<vmem>> -> memref<1x128xi32, #tpu.memory_space<vmem>>
    %dma_wait3A_315 = tpu.memref_squeeze %dma_wait3A_314 : memref<1x128xi32, #tpu.memory_space<vmem>> -> memref<128xi32, #tpu.memory_space<vmem>>
    %dma_wait3A_316 = arith.constant 0 : i32
    %dma_wait3A_317 = tpu.memref_slice %arg5[%squeeze3A_71, %dma_wait3A_316] : memref<4096x128xi32, #tpu.memory_space<hbm>> -> memref<1x128xi32, #tpu.memory_space<hbm>>
    %dma_wait3A_318 = tpu.memref_squeeze %dma_wait3A_317 : memref<1x128xi32, #tpu.memory_space<hbm>> -> memref<128xi32, #tpu.memory_space<hbm>>
    %dma_wait3A_319 = arith.constant 0 : i32
    %dma_wait3A_320 = tpu.memref_slice %arg11[%dma_wait3A_312, %dma_wait3A_319] : memref<16x128xi32, #tpu.memory_space<vmem>> -> memref<1x128xi32, #tpu.memory_space<vmem>>
    %dma_wait3A_321 = tpu.memref_squeeze %dma_wait3A_320 : memref<1x128xi32, #tpu.memory_space<vmem>> -> memref<128xi32, #tpu.memory_space<vmem>>
    %dma_wait3A_322 = arith.constant 0 : i32
    %dma_wait3A_323 = tpu.memref_slice %arg5[%squeeze3A_71, %dma_wait3A_322] : memref<4096x128xi32, #tpu.memory_space<hbm>> -> memref<1x128xi32, #tpu.memory_space<hbm>>
    %dma_wait3A_324 = tpu.memref_squeeze %dma_wait3A_323 : memref<1x128xi32, #tpu.memory_space<hbm>> -> memref<128xi32, #tpu.memory_space<hbm>>
    tpu.wait_dma2 semaphore(%arg17 : memref<!tpu.dma_semaphore, #tpu.memory_space<semaphore_mem>>) src(%dma_wait3A_324 : memref<128xi32, #tpu.memory_space<hbm>>) dst(%dma_wait3A_321 : memref<128xi32, #tpu.memory_space<vmem>>)
    %dma_wait3A_325 = arith.constant 4 : i32
    %dma_wait3A_326 = arith.constant 0 : i32
    %dma_wait3A_327 = tpu.memref_slice %arg11[%dma_wait3A_325, %dma_wait3A_326] : memref<16x128xi32, #tpu.memory_space<vmem>> -> memref<1x128xi32, #tpu.memory_space<vmem>>
    %dma_wait3A_328 = tpu.memref_squeeze %dma_wait3A_327 : memref<1x128xi32, #tpu.memory_space<vmem>> -> memref<128xi32, #tpu.memory_space<vmem>>
    %dma_wait3A_329 = arith.constant 0 : i32
    %dma_wait3A_330 = tpu.memref_slice %arg5[%squeeze3A_86, %dma_wait3A_329] : memref<4096x128xi32, #tpu.memory_space<hbm>> -> memref<1x128xi32, #tpu.memory_space<hbm>>
    %dma_wait3A_331 = tpu.memref_squeeze %dma_wait3A_330 : memref<1x128xi32, #tpu.memory_space<hbm>> -> memref<128xi32, #tpu.memory_space<hbm>>
    %dma_wait3A_332 = arith.constant 0 : i32
    %dma_wait3A_333 = tpu.memref_slice %arg11[%dma_wait3A_325, %dma_wait3A_332] : memref<16x128xi32, #tpu.memory_space<vmem>> -> memref<1x128xi32, #tpu.memory_space<vmem>>
    %dma_wait3A_334 = tpu.memref_squeeze %dma_wait3A_333 : memref<1x128xi32, #tpu.memory_space<vmem>> -> memref<128xi32, #tpu.memory_space<vmem>>
    %dma_wait3A_335 = arith.constant 0 : i32
    %dma_wait3A_336 = tpu.memref_slice %arg5[%squeeze3A_86, %dma_wait3A_335] : memref<4096x128xi32, #tpu.memory_space<hbm>> -> memref<1x128xi32, #tpu.memory_space<hbm>>
    %dma_wait3A_337 = tpu.memref_squeeze %dma_wait3A_336 : memref<1x128xi32, #tpu.memory_space<hbm>> -> memref<128xi32, #tpu.memory_space<hbm>>
    tpu.wait_dma2 semaphore(%arg17 : memref<!tpu.dma_semaphore, #tpu.memory_space<semaphore_mem>>) src(%dma_wait3A_337 : memref<128xi32, #tpu.memory_space<hbm>>) dst(%dma_wait3A_334 : memref<128xi32, #tpu.memory_space<vmem>>)
    %dma_wait3A_338 = arith.constant 5 : i32
    %dma_wait3A_339 = arith.constant 0 : i32
    %dma_wait3A_340 = tpu.memref_slice %arg11[%dma_wait3A_338, %dma_wait3A_339] : memref<16x128xi32, #tpu.memory_space<vmem>> -> memref<1x128xi32, #tpu.memory_space<vmem>>
    %dma_wait3A_341 = tpu.memref_squeeze %dma_wait3A_340 : memref<1x128xi32, #tpu.memory_space<vmem>> -> memref<128xi32, #tpu.memory_space<vmem>>
    %dma_wait3A_342 = arith.constant 0 : i32
    %dma_wait3A_343 = tpu.memref_slice %arg5[%squeeze3A_101, %dma_wait3A_342] : memref<4096x128xi32, #tpu.memory_space<hbm>> -> memref<1x128xi32, #tpu.memory_space<hbm>>
    %dma_wait3A_344 = tpu.memref_squeeze %dma_wait3A_343 : memref<1x128xi32, #tpu.memory_space<hbm>> -> memref<128xi32, #tpu.memory_space<hbm>>
    %dma_wait3A_345 = arith.constant 0 : i32
    %dma_wait3A_346 = tpu.memref_slice %arg11[%dma_wait3A_338, %dma_wait3A_345] : memref<16x128xi32, #tpu.memory_space<vmem>> -> memref<1x128xi32, #tpu.memory_space<vmem>>
    %dma_wait3A_347 = tpu.memref_squeeze %dma_wait3A_346 : memref<1x128xi32, #tpu.memory_space<vmem>> -> memref<128xi32, #tpu.memory_space<vmem>>
    %dma_wait3A_348 = arith.constant 0 : i32
    %dma_wait3A_349 = tpu.memref_slice %arg5[%squeeze3A_101, %dma_wait3A_348] : memref<4096x128xi32, #tpu.memory_space<hbm>> -> memref<1x128xi32, #tpu.memory_space<hbm>>
    %dma_wait3A_350 = tpu.memref_squeeze %dma_wait3A_349 : memref<1x128xi32, #tpu.memory_space<hbm>> -> memref<128xi32, #tpu.memory_space<hbm>>
    tpu.wait_dma2 semaphore(%arg17 : memref<!tpu.dma_semaphore, #tpu.memory_space<semaphore_mem>>) src(%dma_wait3A_350 : memref<128xi32, #tpu.memory_space<hbm>>) dst(%dma_wait3A_347 : memref<128xi32, #tpu.memory_space<vmem>>)
    %dma_wait3A_351 = arith.constant 6 : i32
    %dma_wait3A_352 = arith.constant 0 : i32
    %dma_wait3A_353 = tpu.memref_slice %arg11[%dma_wait3A_351, %dma_wait3A_352] : memref<16x128xi32, #tpu.memory_space<vmem>> -> memref<1x128xi32, #tpu.memory_space<vmem>>
    %dma_wait3A_354 = tpu.memref_squeeze %dma_wait3A_353 : memref<1x128xi32, #tpu.memory_space<vmem>> -> memref<128xi32, #tpu.memory_space<vmem>>
    %dma_wait3A_355 = arith.constant 0 : i32
    %dma_wait3A_356 = tpu.memref_slice %arg5[%squeeze3A_116, %dma_wait3A_355] : memref<4096x128xi32, #tpu.memory_space<hbm>> -> memref<1x128xi32, #tpu.memory_space<hbm>>
    %dma_wait3A_357 = tpu.memref_squeeze %dma_wait3A_356 : memref<1x128xi32, #tpu.memory_space<hbm>> -> memref<128xi32, #tpu.memory_space<hbm>>
    %dma_wait3A_358 = arith.constant 0 : i32
    %dma_wait3A_359 = tpu.memref_slice %arg11[%dma_wait3A_351, %dma_wait3A_358] : memref<16x128xi32, #tpu.memory_space<vmem>> -> memref<1x128xi32, #tpu.memory_space<vmem>>
    %dma_wait3A_360 = tpu.memref_squeeze %dma_wait3A_359 : memref<1x128xi32, #tpu.memory_space<vmem>> -> memref<128xi32, #tpu.memory_space<vmem>>
    %dma_wait3A_361 = arith.constant 0 : i32
    %dma_wait3A_362 = tpu.memref_slice %arg5[%squeeze3A_116, %dma_wait3A_361] : memref<4096x128xi32, #tpu.memory_space<hbm>> -> memref<1x128xi32, #tpu.memory_space<hbm>>
    %dma_wait3A_363 = tpu.memref_squeeze %dma_wait3A_362 : memref<1x128xi32, #tpu.memory_space<hbm>> -> memref<128xi32, #tpu.memory_space<hbm>>
    tpu.wait_dma2 semaphore(%arg17 : memref<!tpu.dma_semaphore, #tpu.memory_space<semaphore_mem>>) src(%dma_wait3A_363 : memref<128xi32, #tpu.memory_space<hbm>>) dst(%dma_wait3A_360 : memref<128xi32, #tpu.memory_space<vmem>>)
    %dma_wait3A_364 = arith.constant 7 : i32
    %dma_wait3A_365 = arith.constant 0 : i32
    %dma_wait3A_366 = tpu.memref_slice %arg11[%dma_wait3A_364, %dma_wait3A_365] : memref<16x128xi32, #tpu.memory_space<vmem>> -> memref<1x128xi32, #tpu.memory_space<vmem>>
    %dma_wait3A_367 = tpu.memref_squeeze %dma_wait3A_366 : memref<1x128xi32, #tpu.memory_space<vmem>> -> memref<128xi32, #tpu.memory_space<vmem>>
    %dma_wait3A_368 = arith.constant 0 : i32
    %dma_wait3A_369 = tpu.memref_slice %arg5[%squeeze3A_131, %dma_wait3A_368] : memref<4096x128xi32, #tpu.memory_space<hbm>> -> memref<1x128xi32, #tpu.memory_space<hbm>>
    %dma_wait3A_370 = tpu.memref_squeeze %dma_wait3A_369 : memref<1x128xi32, #tpu.memory_space<hbm>> -> memref<128xi32, #tpu.memory_space<hbm>>
    %dma_wait3A_371 = arith.constant 0 : i32
    %dma_wait3A_372 = tpu.memref_slice %arg11[%dma_wait3A_364, %dma_wait3A_371] : memref<16x128xi32, #tpu.memory_space<vmem>> -> memref<1x128xi32, #tpu.memory_space<vmem>>
    %dma_wait3A_373 = tpu.memref_squeeze %dma_wait3A_372 : memref<1x128xi32, #tpu.memory_space<vmem>> -> memref<128xi32, #tpu.memory_space<vmem>>
    %dma_wait3A_374 = arith.constant 0 : i32
    %dma_wait3A_375 = tpu.memref_slice %arg5[%squeeze3A_131, %dma_wait3A_374] : memref<4096x128xi32, #tpu.memory_space<hbm>> -> memref<1x128xi32, #tpu.memory_space<hbm>>
    %dma_wait3A_376 = tpu.memref_squeeze %dma_wait3A_375 : memref<1x128xi32, #tpu.memory_space<hbm>> -> memref<128xi32, #tpu.memory_space<hbm>>
    tpu.wait_dma2 semaphore(%arg17 : memref<!tpu.dma_semaphore, #tpu.memory_space<semaphore_mem>>) src(%dma_wait3A_376 : memref<128xi32, #tpu.memory_space<hbm>>) dst(%dma_wait3A_373 : memref<128xi32, #tpu.memory_space<vmem>>)
    %dma_wait3A_377 = arith.constant 8 : i32
    %dma_wait3A_378 = arith.constant 0 : i32
    %dma_wait3A_379 = tpu.memref_slice %arg11[%dma_wait3A_377, %dma_wait3A_378] : memref<16x128xi32, #tpu.memory_space<vmem>> -> memref<1x128xi32, #tpu.memory_space<vmem>>
    %dma_wait3A_380 = tpu.memref_squeeze %dma_wait3A_379 : memref<1x128xi32, #tpu.memory_space<vmem>> -> memref<128xi32, #tpu.memory_space<vmem>>
    %dma_wait3A_381 = arith.constant 0 : i32
    %dma_wait3A_382 = tpu.memref_slice %arg5[%squeeze3A_146, %dma_wait3A_381] : memref<4096x128xi32, #tpu.memory_space<hbm>> -> memref<1x128xi32, #tpu.memory_space<hbm>>
    %dma_wait3A_383 = tpu.memref_squeeze %dma_wait3A_382 : memref<1x128xi32, #tpu.memory_space<hbm>> -> memref<128xi32, #tpu.memory_space<hbm>>
    %dma_wait3A_384 = arith.constant 0 : i32
    %dma_wait3A_385 = tpu.memref_slice %arg11[%dma_wait3A_377, %dma_wait3A_384] : memref<16x128xi32, #tpu.memory_space<vmem>> -> memref<1x128xi32, #tpu.memory_space<vmem>>
    %dma_wait3A_386 = tpu.memref_squeeze %dma_wait3A_385 : memref<1x128xi32, #tpu.memory_space<vmem>> -> memref<128xi32, #tpu.memory_space<vmem>>
    %dma_wait3A_387 = arith.constant 0 : i32
    %dma_wait3A_388 = tpu.memref_slice %arg5[%squeeze3A_146, %dma_wait3A_387] : memref<4096x128xi32, #tpu.memory_space<hbm>> -> memref<1x128xi32, #tpu.memory_space<hbm>>
    %dma_wait3A_389 = tpu.memref_squeeze %dma_wait3A_388 : memref<1x128xi32, #tpu.memory_space<hbm>> -> memref<128xi32, #tpu.memory_space<hbm>>
    tpu.wait_dma2 semaphore(%arg17 : memref<!tpu.dma_semaphore, #tpu.memory_space<semaphore_mem>>) src(%dma_wait3A_389 : memref<128xi32, #tpu.memory_space<hbm>>) dst(%dma_wait3A_386 : memref<128xi32, #tpu.memory_space<vmem>>)
    %dma_wait3A_390 = arith.constant 9 : i32
    %dma_wait3A_391 = arith.constant 0 : i32
    %dma_wait3A_392 = tpu.memref_slice %arg11[%dma_wait3A_390, %dma_wait3A_391] : memref<16x128xi32, #tpu.memory_space<vmem>> -> memref<1x128xi32, #tpu.memory_space<vmem>>
    %dma_wait3A_393 = tpu.memref_squeeze %dma_wait3A_392 : memref<1x128xi32, #tpu.memory_space<vmem>> -> memref<128xi32, #tpu.memory_space<vmem>>
    %dma_wait3A_394 = arith.constant 0 : i32
    %dma_wait3A_395 = tpu.memref_slice %arg5[%squeeze3A_161, %dma_wait3A_394] : memref<4096x128xi32, #tpu.memory_space<hbm>> -> memref<1x128xi32, #tpu.memory_space<hbm>>
    %dma_wait3A_396 = tpu.memref_squeeze %dma_wait3A_395 : memref<1x128xi32, #tpu.memory_space<hbm>> -> memref<128xi32, #tpu.memory_space<hbm>>
    %dma_wait3A_397 = arith.constant 0 : i32
    %dma_wait3A_398 = tpu.memref_slice %arg11[%dma_wait3A_390, %dma_wait3A_397] : memref<16x128xi32, #tpu.memory_space<vmem>> -> memref<1x128xi32, #tpu.memory_space<vmem>>
    %dma_wait3A_399 = tpu.memref_squeeze %dma_wait3A_398 : memref<1x128xi32, #tpu.memory_space<vmem>> -> memref<128xi32, #tpu.memory_space<vmem>>
    %dma_wait3A_400 = arith.constant 0 : i32
    %dma_wait3A_401 = tpu.memref_slice %arg5[%squeeze3A_161, %dma_wait3A_400] : memref<4096x128xi32, #tpu.memory_space<hbm>> -> memref<1x128xi32, #tpu.memory_space<hbm>>
    %dma_wait3A_402 = tpu.memref_squeeze %dma_wait3A_401 : memref<1x128xi32, #tpu.memory_space<hbm>> -> memref<128xi32, #tpu.memory_space<hbm>>
    tpu.wait_dma2 semaphore(%arg17 : memref<!tpu.dma_semaphore, #tpu.memory_space<semaphore_mem>>) src(%dma_wait3A_402 : memref<128xi32, #tpu.memory_space<hbm>>) dst(%dma_wait3A_399 : memref<128xi32, #tpu.memory_space<vmem>>)
    %dma_wait3A_403 = arith.constant 10 : i32
    %dma_wait3A_404 = arith.constant 0 : i32
    %dma_wait3A_405 = tpu.memref_slice %arg11[%dma_wait3A_403, %dma_wait3A_404] : memref<16x128xi32, #tpu.memory_space<vmem>> -> memref<1x128xi32, #tpu.memory_space<vmem>>
    %dma_wait3A_406 = tpu.memref_squeeze %dma_wait3A_405 : memref<1x128xi32, #tpu.memory_space<vmem>> -> memref<128xi32, #tpu.memory_space<vmem>>
    %dma_wait3A_407 = arith.constant 0 : i32
    %dma_wait3A_408 = tpu.memref_slice %arg5[%squeeze3A_176, %dma_wait3A_407] : memref<4096x128xi32, #tpu.memory_space<hbm>> -> memref<1x128xi32, #tpu.memory_space<hbm>>
    %dma_wait3A_409 = tpu.memref_squeeze %dma_wait3A_408 : memref<1x128xi32, #tpu.memory_space<hbm>> -> memref<128xi32, #tpu.memory_space<hbm>>
    %dma_wait3A_410 = arith.constant 0 : i32
    %dma_wait3A_411 = tpu.memref_slice %arg11[%dma_wait3A_403, %dma_wait3A_410] : memref<16x128xi32, #tpu.memory_space<vmem>> -> memref<1x128xi32, #tpu.memory_space<vmem>>
    %dma_wait3A_412 = tpu.memref_squeeze %dma_wait3A_411 : memref<1x128xi32, #tpu.memory_space<vmem>> -> memref<128xi32, #tpu.memory_space<vmem>>
    %dma_wait3A_413 = arith.constant 0 : i32
    %dma_wait3A_414 = tpu.memref_slice %arg5[%squeeze3A_176, %dma_wait3A_413] : memref<4096x128xi32, #tpu.memory_space<hbm>> -> memref<1x128xi32, #tpu.memory_space<hbm>>
    %dma_wait3A_415 = tpu.memref_squeeze %dma_wait3A_414 : memref<1x128xi32, #tpu.memory_space<hbm>> -> memref<128xi32, #tpu.memory_space<hbm>>
    tpu.wait_dma2 semaphore(%arg17 : memref<!tpu.dma_semaphore, #tpu.memory_space<semaphore_mem>>) src(%dma_wait3A_415 : memref<128xi32, #tpu.memory_space<hbm>>) dst(%dma_wait3A_412 : memref<128xi32, #tpu.memory_space<vmem>>)
    %dma_wait3A_416 = arith.constant 11 : i32
    %dma_wait3A_417 = arith.constant 0 : i32
    %dma_wait3A_418 = tpu.memref_slice %arg11[%dma_wait3A_416, %dma_wait3A_417] : memref<16x128xi32, #tpu.memory_space<vmem>> -> memref<1x128xi32, #tpu.memory_space<vmem>>
    %dma_wait3A_419 = tpu.memref_squeeze %dma_wait3A_418 : memref<1x128xi32, #tpu.memory_space<vmem>> -> memref<128xi32, #tpu.memory_space<vmem>>
    %dma_wait3A_420 = arith.constant 0 : i32
    %dma_wait3A_421 = tpu.memref_slice %arg5[%squeeze3A_191, %dma_wait3A_420] : memref<4096x128xi32, #tpu.memory_space<hbm>> -> memref<1x128xi32, #tpu.memory_space<hbm>>
    %dma_wait3A_422 = tpu.memref_squeeze %dma_wait3A_421 : memref<1x128xi32, #tpu.memory_space<hbm>> -> memref<128xi32, #tpu.memory_space<hbm>>
    %dma_wait3A_423 = arith.constant 0 : i32
    %dma_wait3A_424 = tpu.memref_slice %arg11[%dma_wait3A_416, %dma_wait3A_423] : memref<16x128xi32, #tpu.memory_space<vmem>> -> memref<1x128xi32, #tpu.memory_space<vmem>>
    %dma_wait3A_425 = tpu.memref_squeeze %dma_wait3A_424 : memref<1x128xi32, #tpu.memory_space<vmem>> -> memref<128xi32, #tpu.memory_space<vmem>>
    %dma_wait3A_426 = arith.constant 0 : i32
    %dma_wait3A_427 = tpu.memref_slice %arg5[%squeeze3A_191, %dma_wait3A_426] : memref<4096x128xi32, #tpu.memory_space<hbm>> -> memref<1x128xi32, #tpu.memory_space<hbm>>
    %dma_wait3A_428 = tpu.memref_squeeze %dma_wait3A_427 : memref<1x128xi32, #tpu.memory_space<hbm>> -> memref<128xi32, #tpu.memory_space<hbm>>
    tpu.wait_dma2 semaphore(%arg17 : memref<!tpu.dma_semaphore, #tpu.memory_space<semaphore_mem>>) src(%dma_wait3A_428 : memref<128xi32, #tpu.memory_space<hbm>>) dst(%dma_wait3A_425 : memref<128xi32, #tpu.memory_space<vmem>>)
    %dma_wait3A_429 = arith.constant 12 : i32
    %dma_wait3A_430 = arith.constant 0 : i32
    %dma_wait3A_431 = tpu.memref_slice %arg11[%dma_wait3A_429, %dma_wait3A_430] : memref<16x128xi32, #tpu.memory_space<vmem>> -> memref<1x128xi32, #tpu.memory_space<vmem>>
    %dma_wait3A_432 = tpu.memref_squeeze %dma_wait3A_431 : memref<1x128xi32, #tpu.memory_space<vmem>> -> memref<128xi32, #tpu.memory_space<vmem>>
    %dma_wait3A_433 = arith.constant 0 : i32
    %dma_wait3A_434 = tpu.memref_slice %arg5[%squeeze3A_206, %dma_wait3A_433] : memref<4096x128xi32, #tpu.memory_space<hbm>> -> memref<1x128xi32, #tpu.memory_space<hbm>>
    %dma_wait3A_435 = tpu.memref_squeeze %dma_wait3A_434 : memref<1x128xi32, #tpu.memory_space<hbm>> -> memref<128xi32, #tpu.memory_space<hbm>>
    %dma_wait3A_436 = arith.constant 0 : i32
    %dma_wait3A_437 = tpu.memref_slice %arg11[%dma_wait3A_429, %dma_wait3A_436] : memref<16x128xi32, #tpu.memory_space<vmem>> -> memref<1x128xi32, #tpu.memory_space<vmem>>
    %dma_wait3A_438 = tpu.memref_squeeze %dma_wait3A_437 : memref<1x128xi32, #tpu.memory_space<vmem>> -> memref<128xi32, #tpu.memory_space<vmem>>
    %dma_wait3A_439 = arith.constant 0 : i32
    %dma_wait3A_440 = tpu.memref_slice %arg5[%squeeze3A_206, %dma_wait3A_439] : memref<4096x128xi32, #tpu.memory_space<hbm>> -> memref<1x128xi32, #tpu.memory_space<hbm>>
    %dma_wait3A_441 = tpu.memref_squeeze %dma_wait3A_440 : memref<1x128xi32, #tpu.memory_space<hbm>> -> memref<128xi32, #tpu.memory_space<hbm>>
    tpu.wait_dma2 semaphore(%arg17 : memref<!tpu.dma_semaphore, #tpu.memory_space<semaphore_mem>>) src(%dma_wait3A_441 : memref<128xi32, #tpu.memory_space<hbm>>) dst(%dma_wait3A_438 : memref<128xi32, #tpu.memory_space<vmem>>)
    %dma_wait3A_442 = arith.constant 13 : i32
    %dma_wait3A_443 = arith.constant 0 : i32
    %dma_wait3A_444 = tpu.memref_slice %arg11[%dma_wait3A_442, %dma_wait3A_443] : memref<16x128xi32, #tpu.memory_space<vmem>> -> memref<1x128xi32, #tpu.memory_space<vmem>>
    %dma_wait3A_445 = tpu.memref_squeeze %dma_wait3A_444 : memref<1x128xi32, #tpu.memory_space<vmem>> -> memref<128xi32, #tpu.memory_space<vmem>>
    %dma_wait3A_446 = arith.constant 0 : i32
    %dma_wait3A_447 = tpu.memref_slice %arg5[%squeeze3A_221, %dma_wait3A_446] : memref<4096x128xi32, #tpu.memory_space<hbm>> -> memref<1x128xi32, #tpu.memory_space<hbm>>
    %dma_wait3A_448 = tpu.memref_squeeze %dma_wait3A_447 : memref<1x128xi32, #tpu.memory_space<hbm>> -> memref<128xi32, #tpu.memory_space<hbm>>
    %dma_wait3A_449 = arith.constant 0 : i32
    %dma_wait3A_450 = tpu.memref_slice %arg11[%dma_wait3A_442, %dma_wait3A_449] : memref<16x128xi32, #tpu.memory_space<vmem>> -> memref<1x128xi32, #tpu.memory_space<vmem>>
    %dma_wait3A_451 = tpu.memref_squeeze %dma_wait3A_450 : memref<1x128xi32, #tpu.memory_space<vmem>> -> memref<128xi32, #tpu.memory_space<vmem>>
    %dma_wait3A_452 = arith.constant 0 : i32
    %dma_wait3A_453 = tpu.memref_slice %arg5[%squeeze3A_221, %dma_wait3A_452] : memref<4096x128xi32, #tpu.memory_space<hbm>> -> memref<1x128xi32, #tpu.memory_space<hbm>>
    %dma_wait3A_454 = tpu.memref_squeeze %dma_wait3A_453 : memref<1x128xi32, #tpu.memory_space<hbm>> -> memref<128xi32, #tpu.memory_space<hbm>>
    tpu.wait_dma2 semaphore(%arg17 : memref<!tpu.dma_semaphore, #tpu.memory_space<semaphore_mem>>) src(%dma_wait3A_454 : memref<128xi32, #tpu.memory_space<hbm>>) dst(%dma_wait3A_451 : memref<128xi32, #tpu.memory_space<vmem>>)
    %dma_wait3A_455 = arith.constant 14 : i32
    %dma_wait3A_456 = arith.constant 0 : i32
    %dma_wait3A_457 = tpu.memref_slice %arg11[%dma_wait3A_455, %dma_wait3A_456] : memref<16x128xi32, #tpu.memory_space<vmem>> -> memref<1x128xi32, #tpu.memory_space<vmem>>
    %dma_wait3A_458 = tpu.memref_squeeze %dma_wait3A_457 : memref<1x128xi32, #tpu.memory_space<vmem>> -> memref<128xi32, #tpu.memory_space<vmem>>
    %dma_wait3A_459 = arith.constant 0 : i32
    %dma_wait3A_460 = tpu.memref_slice %arg5[%squeeze3A_236, %dma_wait3A_459] : memref<4096x128xi32, #tpu.memory_space<hbm>> -> memref<1x128xi32, #tpu.memory_space<hbm>>
    %dma_wait3A_461 = tpu.memref_squeeze %dma_wait3A_460 : memref<1x128xi32, #tpu.memory_space<hbm>> -> memref<128xi32, #tpu.memory_space<hbm>>
    %dma_wait3A_462 = arith.constant 0 : i32
    %dma_wait3A_463 = tpu.memref_slice %arg11[%dma_wait3A_455, %dma_wait3A_462] : memref<16x128xi32, #tpu.memory_space<vmem>> -> memref<1x128xi32, #tpu.memory_space<vmem>>
    %dma_wait3A_464 = tpu.memref_squeeze %dma_wait3A_463 : memref<1x128xi32, #tpu.memory_space<vmem>> -> memref<128xi32, #tpu.memory_space<vmem>>
    %dma_wait3A_465 = arith.constant 0 : i32
    %dma_wait3A_466 = tpu.memref_slice %arg5[%squeeze3A_236, %dma_wait3A_465] : memref<4096x128xi32, #tpu.memory_space<hbm>> -> memref<1x128xi32, #tpu.memory_space<hbm>>
    %dma_wait3A_467 = tpu.memref_squeeze %dma_wait3A_466 : memref<1x128xi32, #tpu.memory_space<hbm>> -> memref<128xi32, #tpu.memory_space<hbm>>
    tpu.wait_dma2 semaphore(%arg17 : memref<!tpu.dma_semaphore, #tpu.memory_space<semaphore_mem>>) src(%dma_wait3A_467 : memref<128xi32, #tpu.memory_space<hbm>>) dst(%dma_wait3A_464 : memref<128xi32, #tpu.memory_space<vmem>>)
    %dma_wait3A_468 = arith.constant 15 : i32
    %dma_wait3A_469 = arith.constant 0 : i32
    %dma_wait3A_470 = tpu.memref_slice %arg11[%dma_wait3A_468, %dma_wait3A_469] : memref<16x128xi32, #tpu.memory_space<vmem>> -> memref<1x128xi32, #tpu.memory_space<vmem>>
    %dma_wait3A_471 = tpu.memref_squeeze %dma_wait3A_470 : memref<1x128xi32, #tpu.memory_space<vmem>> -> memref<128xi32, #tpu.memory_space<vmem>>
    %dma_wait3A_472 = arith.constant 0 : i32
    %dma_wait3A_473 = tpu.memref_slice %arg5[%squeeze3A_251, %dma_wait3A_472] : memref<4096x128xi32, #tpu.memory_space<hbm>> -> memref<1x128xi32, #tpu.memory_space<hbm>>
    %dma_wait3A_474 = tpu.memref_squeeze %dma_wait3A_473 : memref<1x128xi32, #tpu.memory_space<hbm>> -> memref<128xi32, #tpu.memory_space<hbm>>
    %dma_wait3A_475 = arith.constant 0 : i32
    %dma_wait3A_476 = tpu.memref_slice %arg11[%dma_wait3A_468, %dma_wait3A_475] : memref<16x128xi32, #tpu.memory_space<vmem>> -> memref<1x128xi32, #tpu.memory_space<vmem>>
    %dma_wait3A_477 = tpu.memref_squeeze %dma_wait3A_476 : memref<1x128xi32, #tpu.memory_space<vmem>> -> memref<128xi32, #tpu.memory_space<vmem>>
    %dma_wait3A_478 = arith.constant 0 : i32
    %dma_wait3A_479 = tpu.memref_slice %arg5[%squeeze3A_251, %dma_wait3A_478] : memref<4096x128xi32, #tpu.memory_space<hbm>> -> memref<1x128xi32, #tpu.memory_space<hbm>>
    %dma_wait3A_480 = tpu.memref_squeeze %dma_wait3A_479 : memref<1x128xi32, #tpu.memory_space<hbm>> -> memref<128xi32, #tpu.memory_space<hbm>>
    tpu.wait_dma2 semaphore(%arg17 : memref<!tpu.dma_semaphore, #tpu.memory_space<semaphore_mem>>) src(%dma_wait3A_480 : memref<128xi32, #tpu.memory_space<hbm>>) dst(%dma_wait3A_477 : memref<128xi32, #tpu.memory_space<vmem>>)
    %broadcast_in_dim3A_481 = arith.constant 0 : i32
    %broadcast_in_dim3A_482 = vector.broadcast %broadcast_in_dim3A_481 : i32 to vector<16xi32>
    %broadcast_in_dim3A_483 = arith.constant 4096 : i32
    %broadcast_in_dim3A_484 = vector.broadcast %broadcast_in_dim3A_483 : i32 to vector<16xi32>
    %slice3A_485 = vector.extract_strided_slice %select_n3A_24 {offsets = [0], sizes = [1], strides = [1]} : vector<16xi32> to vector<1xi32>
    %squeeze3A_486 = vector.extract %slice3A_485[0] : i32 from vector<1xi32>
    %lt3A_487 = arith.constant 4096 : i32
    %lt3A_488 = arith.cmpi slt, %squeeze3A_486, %lt3A_487 : i32
    %broadcast_in_dim3A_489 = arith.constant 1 : i32
    %broadcast_in_dim3A_490 = vector.broadcast %broadcast_in_dim3A_489 : i32 to vector<16xi32>
    %get3A_491 = arith.constant 0 : i32
    %get3A_492 = arith.index_cast %get3A_491 : i32 to index
    %get3A_493 = arith.constant 0 : index
    %get3A_494 = tpu.vector_load %arg11[%get3A_492, %get3A_493] {strides = array<i32>} : memref<16x128xi32, #tpu.memory_space<vmem>>, vector<16xi32>,
    %get3A_495 = arith.constant 0 : i32
    %get3A_496 = arith.index_cast %get3A_495 : i32 to index
    %get3A_497 = arith.constant 16 : index
    %get3A_498 = tpu.vector_load %arg11[%get3A_496, %get3A_497] {strides = array<i32>} : memref<16x128xi32, #tpu.memory_space<vmem>>, vector<16xi32>,
    %ge3A_499 = arith.constant 0 : i32
    %ge3A_500 = vector.broadcast %ge3A_499 : i32 to vector<16xi32>
    %ge3A_501 = arith.cmpi sge, %get3A_494, %ge3A_500 : vector<16xi32>
    %and3A_502 = vector.broadcast %lt3A_488 : i1 to vector<16xi1>
    %and3A_503 = arith.andi %ge3A_501, %and3A_502 : vector<16xi1>
    %select_n3A_504 = arith.select %and3A_503, %get3A_494, %broadcast_in_dim3A_484 : vector<16xi1>, vector<16xi32>
    %ge3A_505 = arith.constant 0 : i32
    %ge3A_506 = vector.broadcast %ge3A_505 : i32 to vector<16xi32>
    %ge3A_507 = arith.cmpi sge, %get3A_498, %ge3A_506 : vector<16xi32>
    %and3A_508 = vector.broadcast %lt3A_488 : i1 to vector<16xi1>
    %and3A_509 = arith.andi %ge3A_507, %and3A_508 : vector<16xi1>
    %select_n3A_510 = arith.select %and3A_509, %get3A_498, %broadcast_in_dim3A_484 : vector<16xi1>, vector<16xi32>
    %gather3A_511 = tpu.vector_load_idx %arg12[%select_n3A_504] : memref<4112xi32, #tpu.memory_space<vmem>>[vector<16xi32>], vector<16xi32>,
    %lt3A_512 = arith.constant 4096 : i32
    %lt3A_513 = vector.broadcast %lt3A_512 : i32 to vector<16xi32>
    %lt3A_514 = arith.cmpi slt, %select_n3A_504, %lt3A_513 : vector<16xi32>
    %select_n3A_515 = arith.select %lt3A_514, %broadcast_in_dim3A_490, %broadcast_in_dim3A_482 : vector<16xi1>, vector<16xi32>
    %or3A = arith.ori %gather3A_511, %select_n3A_515 : vector<16xi32>
    tpu.vector_store_idx %arg12[%select_n3A_504], %or3A : memref<4112xi32, #tpu.memory_space<vmem>>[vector<16xi32>], vector<16xi32>,
    %gather3A_516 = tpu.vector_load_idx %arg13[%select_n3A_510] : memref<4112xi32, #tpu.memory_space<vmem>>[vector<16xi32>], vector<16xi32>,
    %lt3A_517 = arith.constant 4096 : i32
    %lt3A_518 = vector.broadcast %lt3A_517 : i32 to vector<16xi32>
    %lt3A_519 = arith.cmpi slt, %select_n3A_510, %lt3A_518 : vector<16xi32>
    %select_n3A_520 = arith.select %lt3A_519, %broadcast_in_dim3A_490, %broadcast_in_dim3A_482 : vector<16xi1>, vector<16xi32>
    %or3A_521 = arith.ori %gather3A_516, %select_n3A_520 : vector<16xi32>
    tpu.vector_store_idx %arg13[%select_n3A_510], %or3A_521 : memref<4112xi32, #tpu.memory_space<vmem>>[vector<16xi32>], vector<16xi32>,
    %slice3A_522 = vector.extract_strided_slice %select_n3A_24 {offsets = [1], sizes = [1], strides = [1]} : vector<16xi32> to vector<1xi32>
    %squeeze3A_523 = vector.extract %slice3A_522[0] : i32 from vector<1xi32>
    %lt3A_524 = arith.constant 4096 : i32
    %lt3A_525 = arith.cmpi slt, %squeeze3A_523, %lt3A_524 : i32
    %broadcast_in_dim3A_526 = arith.constant 2 : i32
    %broadcast_in_dim3A_527 = vector.broadcast %broadcast_in_dim3A_526 : i32 to vector<16xi32>
    %get3A_528 = arith.constant 1 : i32
    %get3A_529 = arith.index_cast %get3A_528 : i32 to index
    %get3A_530 = arith.constant 0 : index
    %get3A_531 = tpu.vector_load %arg11[%get3A_529, %get3A_530] {strides = array<i32>} : memref<16x128xi32, #tpu.memory_space<vmem>>, vector<16xi32>,
    %get3A_532 = arith.constant 1 : i32
    %get3A_533 = arith.index_cast %get3A_532 : i32 to index
    %get3A_534 = arith.constant 16 : index
    %get3A_535 = tpu.vector_load %arg11[%get3A_533, %get3A_534] {strides = array<i32>} : memref<16x128xi32, #tpu.memory_space<vmem>>, vector<16xi32>,
    %ge3A_536 = arith.constant 0 : i32
    %ge3A_537 = vector.broadcast %ge3A_536 : i32 to vector<16xi32>
    %ge3A_538 = arith.cmpi sge, %get3A_531, %ge3A_537 : vector<16xi32>
    %and3A_539 = vector.broadcast %lt3A_525 : i1 to vector<16xi1>
    %and3A_540 = arith.andi %ge3A_538, %and3A_539 : vector<16xi1>
    %select_n3A_541 = arith.select %and3A_540, %get3A_531, %broadcast_in_dim3A_484 : vector<16xi1>, vector<16xi32>
    %ge3A_542 = arith.constant 0 : i32
    %ge3A_543 = vector.broadcast %ge3A_542 : i32 to vector<16xi32>
    %ge3A_544 = arith.cmpi sge, %get3A_535, %ge3A_543 : vector<16xi32>
    %and3A_545 = vector.broadcast %lt3A_525 : i1 to vector<16xi1>
    %and3A_546 = arith.andi %ge3A_544, %and3A_545 : vector<16xi1>
    %select_n3A_547 = arith.select %and3A_546, %get3A_535, %broadcast_in_dim3A_484 : vector<16xi1>, vector<16xi32>
    %gather3A_548 = tpu.vector_load_idx %arg12[%select_n3A_541] : memref<4112xi32, #tpu.memory_space<vmem>>[vector<16xi32>], vector<16xi32>,
    %lt3A_549 = arith.constant 4096 : i32
    %lt3A_550 = vector.broadcast %lt3A_549 : i32 to vector<16xi32>
    %lt3A_551 = arith.cmpi slt, %select_n3A_541, %lt3A_550 : vector<16xi32>
    %select_n3A_552 = arith.select %lt3A_551, %broadcast_in_dim3A_527, %broadcast_in_dim3A_482 : vector<16xi1>, vector<16xi32>
    %or3A_553 = arith.ori %gather3A_548, %select_n3A_552 : vector<16xi32>
    tpu.vector_store_idx %arg12[%select_n3A_541], %or3A_553 : memref<4112xi32, #tpu.memory_space<vmem>>[vector<16xi32>], vector<16xi32>,
    %gather3A_554 = tpu.vector_load_idx %arg13[%select_n3A_547] : memref<4112xi32, #tpu.memory_space<vmem>>[vector<16xi32>], vector<16xi32>,
    %lt3A_555 = arith.constant 4096 : i32
    %lt3A_556 = vector.broadcast %lt3A_555 : i32 to vector<16xi32>
    %lt3A_557 = arith.cmpi slt, %select_n3A_547, %lt3A_556 : vector<16xi32>
    %select_n3A_558 = arith.select %lt3A_557, %broadcast_in_dim3A_527, %broadcast_in_dim3A_482 : vector<16xi1>, vector<16xi32>
    %or3A_559 = arith.ori %gather3A_554, %select_n3A_558 : vector<16xi32>
    tpu.vector_store_idx %arg13[%select_n3A_547], %or3A_559 : memref<4112xi32, #tpu.memory_space<vmem>>[vector<16xi32>], vector<16xi32>,
    %slice3A_560 = vector.extract_strided_slice %select_n3A_24 {offsets = [2], sizes = [1], strides = [1]} : vector<16xi32> to vector<1xi32>
    %squeeze3A_561 = vector.extract %slice3A_560[0] : i32 from vector<1xi32>
    %lt3A_562 = arith.constant 4096 : i32
    %lt3A_563 = arith.cmpi slt, %squeeze3A_561, %lt3A_562 : i32
    %broadcast_in_dim3A_564 = arith.constant 4 : i32
    %broadcast_in_dim3A_565 = vector.broadcast %broadcast_in_dim3A_564 : i32 to vector<16xi32>
    %get3A_566 = arith.constant 2 : i32
    %get3A_567 = arith.index_cast %get3A_566 : i32 to index
    %get3A_568 = arith.constant 0 : index
    %get3A_569 = tpu.vector_load %arg11[%get3A_567, %get3A_568] {strides = array<i32>} : memref<16x128xi32, #tpu.memory_space<vmem>>, vector<16xi32>,
    %get3A_570 = arith.constant 2 : i32
    %get3A_571 = arith.index_cast %get3A_570 : i32 to index
    %get3A_572 = arith.constant 16 : index
    %get3A_573 = tpu.vector_load %arg11[%get3A_571, %get3A_572] {strides = array<i32>} : memref<16x128xi32, #tpu.memory_space<vmem>>, vector<16xi32>,
    %ge3A_574 = arith.constant 0 : i32
    %ge3A_575 = vector.broadcast %ge3A_574 : i32 to vector<16xi32>
    %ge3A_576 = arith.cmpi sge, %get3A_569, %ge3A_575 : vector<16xi32>
    %and3A_577 = vector.broadcast %lt3A_563 : i1 to vector<16xi1>
    %and3A_578 = arith.andi %ge3A_576, %and3A_577 : vector<16xi1>
    %select_n3A_579 = arith.select %and3A_578, %get3A_569, %broadcast_in_dim3A_484 : vector<16xi1>, vector<16xi32>
    %ge3A_580 = arith.constant 0 : i32
    %ge3A_581 = vector.broadcast %ge3A_580 : i32 to vector<16xi32>
    %ge3A_582 = arith.cmpi sge, %get3A_573, %ge3A_581 : vector<16xi32>
    %and3A_583 = vector.broadcast %lt3A_563 : i1 to vector<16xi1>
    %and3A_584 = arith.andi %ge3A_582, %and3A_583 : vector<16xi1>
    %select_n3A_585 = arith.select %and3A_584, %get3A_573, %broadcast_in_dim3A_484 : vector<16xi1>, vector<16xi32>
    %gather3A_586 = tpu.vector_load_idx %arg12[%select_n3A_579] : memref<4112xi32, #tpu.memory_space<vmem>>[vector<16xi32>], vector<16xi32>,
    %lt3A_587 = arith.constant 4096 : i32
    %lt3A_588 = vector.broadcast %lt3A_587 : i32 to vector<16xi32>
    %lt3A_589 = arith.cmpi slt, %select_n3A_579, %lt3A_588 : vector<16xi32>
    %select_n3A_590 = arith.select %lt3A_589, %broadcast_in_dim3A_565, %broadcast_in_dim3A_482 : vector<16xi1>, vector<16xi32>
    %or3A_591 = arith.ori %gather3A_586, %select_n3A_590 : vector<16xi32>
    tpu.vector_store_idx %arg12[%select_n3A_579], %or3A_591 : memref<4112xi32, #tpu.memory_space<vmem>>[vector<16xi32>], vector<16xi32>,
    %gather3A_592 = tpu.vector_load_idx %arg13[%select_n3A_585] : memref<4112xi32, #tpu.memory_space<vmem>>[vector<16xi32>], vector<16xi32>,
    %lt3A_593 = arith.constant 4096 : i32
    %lt3A_594 = vector.broadcast %lt3A_593 : i32 to vector<16xi32>
    %lt3A_595 = arith.cmpi slt, %select_n3A_585, %lt3A_594 : vector<16xi32>
    %select_n3A_596 = arith.select %lt3A_595, %broadcast_in_dim3A_565, %broadcast_in_dim3A_482 : vector<16xi1>, vector<16xi32>
    %or3A_597 = arith.ori %gather3A_592, %select_n3A_596 : vector<16xi32>
    tpu.vector_store_idx %arg13[%select_n3A_585], %or3A_597 : memref<4112xi32, #tpu.memory_space<vmem>>[vector<16xi32>], vector<16xi32>,
    %slice3A_598 = vector.extract_strided_slice %select_n3A_24 {offsets = [3], sizes = [1], strides = [1]} : vector<16xi32> to vector<1xi32>
    %squeeze3A_599 = vector.extract %slice3A_598[0] : i32 from vector<1xi32>
    %lt3A_600 = arith.constant 4096 : i32
    %lt3A_601 = arith.cmpi slt, %squeeze3A_599, %lt3A_600 : i32
    %broadcast_in_dim3A_602 = arith.constant 8 : i32
    %broadcast_in_dim3A_603 = vector.broadcast %broadcast_in_dim3A_602 : i32 to vector<16xi32>
    %get3A_604 = arith.constant 3 : i32
    %get3A_605 = arith.index_cast %get3A_604 : i32 to index
    %get3A_606 = arith.constant 0 : index
    %get3A_607 = tpu.vector_load %arg11[%get3A_605, %get3A_606] {strides = array<i32>} : memref<16x128xi32, #tpu.memory_space<vmem>>, vector<16xi32>,
    %get3A_608 = arith.constant 3 : i32
    %get3A_609 = arith.index_cast %get3A_608 : i32 to index
    %get3A_610 = arith.constant 16 : index
    %get3A_611 = tpu.vector_load %arg11[%get3A_609, %get3A_610] {strides = array<i32>} : memref<16x128xi32, #tpu.memory_space<vmem>>, vector<16xi32>,
    %ge3A_612 = arith.constant 0 : i32
    %ge3A_613 = vector.broadcast %ge3A_612 : i32 to vector<16xi32>
    %ge3A_614 = arith.cmpi sge, %get3A_607, %ge3A_613 : vector<16xi32>
    %and3A_615 = vector.broadcast %lt3A_601 : i1 to vector<16xi1>
    %and3A_616 = arith.andi %ge3A_614, %and3A_615 : vector<16xi1>
    %select_n3A_617 = arith.select %and3A_616, %get3A_607, %broadcast_in_dim3A_484 : vector<16xi1>, vector<16xi32>
    %ge3A_618 = arith.constant 0 : i32
    %ge3A_619 = vector.broadcast %ge3A_618 : i32 to vector<16xi32>
    %ge3A_620 = arith.cmpi sge, %get3A_611, %ge3A_619 : vector<16xi32>
    %and3A_621 = vector.broadcast %lt3A_601 : i1 to vector<16xi1>
    %and3A_622 = arith.andi %ge3A_620, %and3A_621 : vector<16xi1>
    %select_n3A_623 = arith.select %and3A_622, %get3A_611, %broadcast_in_dim3A_484 : vector<16xi1>, vector<16xi32>
    %gather3A_624 = tpu.vector_load_idx %arg12[%select_n3A_617] : memref<4112xi32, #tpu.memory_space<vmem>>[vector<16xi32>], vector<16xi32>,
    %lt3A_625 = arith.constant 4096 : i32
    %lt3A_626 = vector.broadcast %lt3A_625 : i32 to vector<16xi32>
    %lt3A_627 = arith.cmpi slt, %select_n3A_617, %lt3A_626 : vector<16xi32>
    %select_n3A_628 = arith.select %lt3A_627, %broadcast_in_dim3A_603, %broadcast_in_dim3A_482 : vector<16xi1>, vector<16xi32>
    %or3A_629 = arith.ori %gather3A_624, %select_n3A_628 : vector<16xi32>
    tpu.vector_store_idx %arg12[%select_n3A_617], %or3A_629 : memref<4112xi32, #tpu.memory_space<vmem>>[vector<16xi32>], vector<16xi32>,
    %gather3A_630 = tpu.vector_load_idx %arg13[%select_n3A_623] : memref<4112xi32, #tpu.memory_space<vmem>>[vector<16xi32>], vector<16xi32>,
    %lt3A_631 = arith.constant 4096 : i32
    %lt3A_632 = vector.broadcast %lt3A_631 : i32 to vector<16xi32>
    %lt3A_633 = arith.cmpi slt, %select_n3A_623, %lt3A_632 : vector<16xi32>
    %select_n3A_634 = arith.select %lt3A_633, %broadcast_in_dim3A_603, %broadcast_in_dim3A_482 : vector<16xi1>, vector<16xi32>
    %or3A_635 = arith.ori %gather3A_630, %select_n3A_634 : vector<16xi32>
    tpu.vector_store_idx %arg13[%select_n3A_623], %or3A_635 : memref<4112xi32, #tpu.memory_space<vmem>>[vector<16xi32>], vector<16xi32>,
    %slice3A_636 = vector.extract_strided_slice %select_n3A_24 {offsets = [4], sizes = [1], strides = [1]} : vector<16xi32> to vector<1xi32>
    %squeeze3A_637 = vector.extract %slice3A_636[0] : i32 from vector<1xi32>
    %lt3A_638 = arith.constant 4096 : i32
    %lt3A_639 = arith.cmpi slt, %squeeze3A_637, %lt3A_638 : i32
    %broadcast_in_dim3A_640 = arith.constant 16 : i32
    %broadcast_in_dim3A_641 = vector.broadcast %broadcast_in_dim3A_640 : i32 to vector<16xi32>
    %get3A_642 = arith.constant 4 : i32
    %get3A_643 = arith.index_cast %get3A_642 : i32 to index
    %get3A_644 = arith.constant 0 : index
    %get3A_645 = tpu.vector_load %arg11[%get3A_643, %get3A_644] {strides = array<i32>} : memref<16x128xi32, #tpu.memory_space<vmem>>, vector<16xi32>,
    %get3A_646 = arith.constant 4 : i32
    %get3A_647 = arith.index_cast %get3A_646 : i32 to index
    %get3A_648 = arith.constant 16 : index
    %get3A_649 = tpu.vector_load %arg11[%get3A_647, %get3A_648] {strides = array<i32>} : memref<16x128xi32, #tpu.memory_space<vmem>>, vector<16xi32>,
    %ge3A_650 = arith.constant 0 : i32
    %ge3A_651 = vector.broadcast %ge3A_650 : i32 to vector<16xi32>
    %ge3A_652 = arith.cmpi sge, %get3A_645, %ge3A_651 : vector<16xi32>
    %and3A_653 = vector.broadcast %lt3A_639 : i1 to vector<16xi1>
    %and3A_654 = arith.andi %ge3A_652, %and3A_653 : vector<16xi1>
    %select_n3A_655 = arith.select %and3A_654, %get3A_645, %broadcast_in_dim3A_484 : vector<16xi1>, vector<16xi32>
    %ge3A_656 = arith.constant 0 : i32
    %ge3A_657 = vector.broadcast %ge3A_656 : i32 to vector<16xi32>
    %ge3A_658 = arith.cmpi sge, %get3A_649, %ge3A_657 : vector<16xi32>
    %and3A_659 = vector.broadcast %lt3A_639 : i1 to vector<16xi1>
    %and3A_660 = arith.andi %ge3A_658, %and3A_659 : vector<16xi1>
    %select_n3A_661 = arith.select %and3A_660, %get3A_649, %broadcast_in_dim3A_484 : vector<16xi1>, vector<16xi32>
    %gather3A_662 = tpu.vector_load_idx %arg12[%select_n3A_655] : memref<4112xi32, #tpu.memory_space<vmem>>[vector<16xi32>], vector<16xi32>,
    %lt3A_663 = arith.constant 4096 : i32
    %lt3A_664 = vector.broadcast %lt3A_663 : i32 to vector<16xi32>
    %lt3A_665 = arith.cmpi slt, %select_n3A_655, %lt3A_664 : vector<16xi32>
    %select_n3A_666 = arith.select %lt3A_665, %broadcast_in_dim3A_641, %broadcast_in_dim3A_482 : vector<16xi1>, vector<16xi32>
    %or3A_667 = arith.ori %gather3A_662, %select_n3A_666 : vector<16xi32>
    tpu.vector_store_idx %arg12[%select_n3A_655], %or3A_667 : memref<4112xi32, #tpu.memory_space<vmem>>[vector<16xi32>], vector<16xi32>,
    %gather3A_668 = tpu.vector_load_idx %arg13[%select_n3A_661] : memref<4112xi32, #tpu.memory_space<vmem>>[vector<16xi32>], vector<16xi32>,
    %lt3A_669 = arith.constant 4096 : i32
    %lt3A_670 = vector.broadcast %lt3A_669 : i32 to vector<16xi32>
    %lt3A_671 = arith.cmpi slt, %select_n3A_661, %lt3A_670 : vector<16xi32>
    %select_n3A_672 = arith.select %lt3A_671, %broadcast_in_dim3A_641, %broadcast_in_dim3A_482 : vector<16xi1>, vector<16xi32>
    %or3A_673 = arith.ori %gather3A_668, %select_n3A_672 : vector<16xi32>
    tpu.vector_store_idx %arg13[%select_n3A_661], %or3A_673 : memref<4112xi32, #tpu.memory_space<vmem>>[vector<16xi32>], vector<16xi32>,
    %slice3A_674 = vector.extract_strided_slice %select_n3A_24 {offsets = [5], sizes = [1], strides = [1]} : vector<16xi32> to vector<1xi32>
    %squeeze3A_675 = vector.extract %slice3A_674[0] : i32 from vector<1xi32>
    %lt3A_676 = arith.constant 4096 : i32
    %lt3A_677 = arith.cmpi slt, %squeeze3A_675, %lt3A_676 : i32
    %broadcast_in_dim3A_678 = arith.constant 32 : i32
    %broadcast_in_dim3A_679 = vector.broadcast %broadcast_in_dim3A_678 : i32 to vector<16xi32>
    %get3A_680 = arith.constant 5 : i32
    %get3A_681 = arith.index_cast %get3A_680 : i32 to index
    %get3A_682 = arith.constant 0 : index
    %get3A_683 = tpu.vector_load %arg11[%get3A_681, %get3A_682] {strides = array<i32>} : memref<16x128xi32, #tpu.memory_space<vmem>>, vector<16xi32>,
    %get3A_684 = arith.constant 5 : i32
    %get3A_685 = arith.index_cast %get3A_684 : i32 to index
    %get3A_686 = arith.constant 16 : index
    %get3A_687 = tpu.vector_load %arg11[%get3A_685, %get3A_686] {strides = array<i32>} : memref<16x128xi32, #tpu.memory_space<vmem>>, vector<16xi32>,
    %ge3A_688 = arith.constant 0 : i32
    %ge3A_689 = vector.broadcast %ge3A_688 : i32 to vector<16xi32>
    %ge3A_690 = arith.cmpi sge, %get3A_683, %ge3A_689 : vector<16xi32>
    %and3A_691 = vector.broadcast %lt3A_677 : i1 to vector<16xi1>
    %and3A_692 = arith.andi %ge3A_690, %and3A_691 : vector<16xi1>
    %select_n3A_693 = arith.select %and3A_692, %get3A_683, %broadcast_in_dim3A_484 : vector<16xi1>, vector<16xi32>
    %ge3A_694 = arith.constant 0 : i32
    %ge3A_695 = vector.broadcast %ge3A_694 : i32 to vector<16xi32>
    %ge3A_696 = arith.cmpi sge, %get3A_687, %ge3A_695 : vector<16xi32>
    %and3A_697 = vector.broadcast %lt3A_677 : i1 to vector<16xi1>
    %and3A_698 = arith.andi %ge3A_696, %and3A_697 : vector<16xi1>
    %select_n3A_699 = arith.select %and3A_698, %get3A_687, %broadcast_in_dim3A_484 : vector<16xi1>, vector<16xi32>
    %gather3A_700 = tpu.vector_load_idx %arg12[%select_n3A_693] : memref<4112xi32, #tpu.memory_space<vmem>>[vector<16xi32>], vector<16xi32>,
    %lt3A_701 = arith.constant 4096 : i32
    %lt3A_702 = vector.broadcast %lt3A_701 : i32 to vector<16xi32>
    %lt3A_703 = arith.cmpi slt, %select_n3A_693, %lt3A_702 : vector<16xi32>
    %select_n3A_704 = arith.select %lt3A_703, %broadcast_in_dim3A_679, %broadcast_in_dim3A_482 : vector<16xi1>, vector<16xi32>
    %or3A_705 = arith.ori %gather3A_700, %select_n3A_704 : vector<16xi32>
    tpu.vector_store_idx %arg12[%select_n3A_693], %or3A_705 : memref<4112xi32, #tpu.memory_space<vmem>>[vector<16xi32>], vector<16xi32>,
    %gather3A_706 = tpu.vector_load_idx %arg13[%select_n3A_699] : memref<4112xi32, #tpu.memory_space<vmem>>[vector<16xi32>], vector<16xi32>,
    %lt3A_707 = arith.constant 4096 : i32
    %lt3A_708 = vector.broadcast %lt3A_707 : i32 to vector<16xi32>
    %lt3A_709 = arith.cmpi slt, %select_n3A_699, %lt3A_708 : vector<16xi32>
    %select_n3A_710 = arith.select %lt3A_709, %broadcast_in_dim3A_679, %broadcast_in_dim3A_482 : vector<16xi1>, vector<16xi32>
    %or3A_711 = arith.ori %gather3A_706, %select_n3A_710 : vector<16xi32>
    tpu.vector_store_idx %arg13[%select_n3A_699], %or3A_711 : memref<4112xi32, #tpu.memory_space<vmem>>[vector<16xi32>], vector<16xi32>,
    %slice3A_712 = vector.extract_strided_slice %select_n3A_24 {offsets = [6], sizes = [1], strides = [1]} : vector<16xi32> to vector<1xi32>
    %squeeze3A_713 = vector.extract %slice3A_712[0] : i32 from vector<1xi32>
    %lt3A_714 = arith.constant 4096 : i32
    %lt3A_715 = arith.cmpi slt, %squeeze3A_713, %lt3A_714 : i32
    %broadcast_in_dim3A_716 = arith.constant 64 : i32
    %broadcast_in_dim3A_717 = vector.broadcast %broadcast_in_dim3A_716 : i32 to vector<16xi32>
    %get3A_718 = arith.constant 6 : i32
    %get3A_719 = arith.index_cast %get3A_718 : i32 to index
    %get3A_720 = arith.constant 0 : index
    %get3A_721 = tpu.vector_load %arg11[%get3A_719, %get3A_720] {strides = array<i32>} : memref<16x128xi32, #tpu.memory_space<vmem>>, vector<16xi32>,
    %get3A_722 = arith.constant 6 : i32
    %get3A_723 = arith.index_cast %get3A_722 : i32 to index
    %get3A_724 = arith.constant 16 : index
    %get3A_725 = tpu.vector_load %arg11[%get3A_723, %get3A_724] {strides = array<i32>} : memref<16x128xi32, #tpu.memory_space<vmem>>, vector<16xi32>,
    %ge3A_726 = arith.constant 0 : i32
    %ge3A_727 = vector.broadcast %ge3A_726 : i32 to vector<16xi32>
    %ge3A_728 = arith.cmpi sge, %get3A_721, %ge3A_727 : vector<16xi32>
    %and3A_729 = vector.broadcast %lt3A_715 : i1 to vector<16xi1>
    %and3A_730 = arith.andi %ge3A_728, %and3A_729 : vector<16xi1>
    %select_n3A_731 = arith.select %and3A_730, %get3A_721, %broadcast_in_dim3A_484 : vector<16xi1>, vector<16xi32>
    %ge3A_732 = arith.constant 0 : i32
    %ge3A_733 = vector.broadcast %ge3A_732 : i32 to vector<16xi32>
    %ge3A_734 = arith.cmpi sge, %get3A_725, %ge3A_733 : vector<16xi32>
    %and3A_735 = vector.broadcast %lt3A_715 : i1 to vector<16xi1>
    %and3A_736 = arith.andi %ge3A_734, %and3A_735 : vector<16xi1>
    %select_n3A_737 = arith.select %and3A_736, %get3A_725, %broadcast_in_dim3A_484 : vector<16xi1>, vector<16xi32>
    %gather3A_738 = tpu.vector_load_idx %arg12[%select_n3A_731] : memref<4112xi32, #tpu.memory_space<vmem>>[vector<16xi32>], vector<16xi32>,
    %lt3A_739 = arith.constant 4096 : i32
    %lt3A_740 = vector.broadcast %lt3A_739 : i32 to vector<16xi32>
    %lt3A_741 = arith.cmpi slt, %select_n3A_731, %lt3A_740 : vector<16xi32>
    %select_n3A_742 = arith.select %lt3A_741, %broadcast_in_dim3A_717, %broadcast_in_dim3A_482 : vector<16xi1>, vector<16xi32>
    %or3A_743 = arith.ori %gather3A_738, %select_n3A_742 : vector<16xi32>
    tpu.vector_store_idx %arg12[%select_n3A_731], %or3A_743 : memref<4112xi32, #tpu.memory_space<vmem>>[vector<16xi32>], vector<16xi32>,
    %gather3A_744 = tpu.vector_load_idx %arg13[%select_n3A_737] : memref<4112xi32, #tpu.memory_space<vmem>>[vector<16xi32>], vector<16xi32>,
    %lt3A_745 = arith.constant 4096 : i32
    %lt3A_746 = vector.broadcast %lt3A_745 : i32 to vector<16xi32>
    %lt3A_747 = arith.cmpi slt, %select_n3A_737, %lt3A_746 : vector<16xi32>
    %select_n3A_748 = arith.select %lt3A_747, %broadcast_in_dim3A_717, %broadcast_in_dim3A_482 : vector<16xi1>, vector<16xi32>
    %or3A_749 = arith.ori %gather3A_744, %select_n3A_748 : vector<16xi32>
    tpu.vector_store_idx %arg13[%select_n3A_737], %or3A_749 : memref<4112xi32, #tpu.memory_space<vmem>>[vector<16xi32>], vector<16xi32>,
    %slice3A_750 = vector.extract_strided_slice %select_n3A_24 {offsets = [7], sizes = [1], strides = [1]} : vector<16xi32> to vector<1xi32>
    %squeeze3A_751 = vector.extract %slice3A_750[0] : i32 from vector<1xi32>
    %lt3A_752 = arith.constant 4096 : i32
    %lt3A_753 = arith.cmpi slt, %squeeze3A_751, %lt3A_752 : i32
    %broadcast_in_dim3A_754 = arith.constant 128 : i32
    %broadcast_in_dim3A_755 = vector.broadcast %broadcast_in_dim3A_754 : i32 to vector<16xi32>
    %get3A_756 = arith.constant 7 : i32
    %get3A_757 = arith.index_cast %get3A_756 : i32 to index
    %get3A_758 = arith.constant 0 : index
    %get3A_759 = tpu.vector_load %arg11[%get3A_757, %get3A_758] {strides = array<i32>} : memref<16x128xi32, #tpu.memory_space<vmem>>, vector<16xi32>,
    %get3A_760 = arith.constant 7 : i32
    %get3A_761 = arith.index_cast %get3A_760 : i32 to index
    %get3A_762 = arith.constant 16 : index
    %get3A_763 = tpu.vector_load %arg11[%get3A_761, %get3A_762] {strides = array<i32>} : memref<16x128xi32, #tpu.memory_space<vmem>>, vector<16xi32>,
    %ge3A_764 = arith.constant 0 : i32
    %ge3A_765 = vector.broadcast %ge3A_764 : i32 to vector<16xi32>
    %ge3A_766 = arith.cmpi sge, %get3A_759, %ge3A_765 : vector<16xi32>
    %and3A_767 = vector.broadcast %lt3A_753 : i1 to vector<16xi1>
    %and3A_768 = arith.andi %ge3A_766, %and3A_767 : vector<16xi1>
    %select_n3A_769 = arith.select %and3A_768, %get3A_759, %broadcast_in_dim3A_484 : vector<16xi1>, vector<16xi32>
    %ge3A_770 = arith.constant 0 : i32
    %ge3A_771 = vector.broadcast %ge3A_770 : i32 to vector<16xi32>
    %ge3A_772 = arith.cmpi sge, %get3A_763, %ge3A_771 : vector<16xi32>
    %and3A_773 = vector.broadcast %lt3A_753 : i1 to vector<16xi1>
    %and3A_774 = arith.andi %ge3A_772, %and3A_773 : vector<16xi1>
    %select_n3A_775 = arith.select %and3A_774, %get3A_763, %broadcast_in_dim3A_484 : vector<16xi1>, vector<16xi32>
    %gather3A_776 = tpu.vector_load_idx %arg12[%select_n3A_769] : memref<4112xi32, #tpu.memory_space<vmem>>[vector<16xi32>], vector<16xi32>,
    %lt3A_777 = arith.constant 4096 : i32
    %lt3A_778 = vector.broadcast %lt3A_777 : i32 to vector<16xi32>
    %lt3A_779 = arith.cmpi slt, %select_n3A_769, %lt3A_778 : vector<16xi32>
    %select_n3A_780 = arith.select %lt3A_779, %broadcast_in_dim3A_755, %broadcast_in_dim3A_482 : vector<16xi1>, vector<16xi32>
    %or3A_781 = arith.ori %gather3A_776, %select_n3A_780 : vector<16xi32>
    tpu.vector_store_idx %arg12[%select_n3A_769], %or3A_781 : memref<4112xi32, #tpu.memory_space<vmem>>[vector<16xi32>], vector<16xi32>,
    %gather3A_782 = tpu.vector_load_idx %arg13[%select_n3A_775] : memref<4112xi32, #tpu.memory_space<vmem>>[vector<16xi32>], vector<16xi32>,
    %lt3A_783 = arith.constant 4096 : i32
    %lt3A_784 = vector.broadcast %lt3A_783 : i32 to vector<16xi32>
    %lt3A_785 = arith.cmpi slt, %select_n3A_775, %lt3A_784 : vector<16xi32>
    %select_n3A_786 = arith.select %lt3A_785, %broadcast_in_dim3A_755, %broadcast_in_dim3A_482 : vector<16xi1>, vector<16xi32>
    %or3A_787 = arith.ori %gather3A_782, %select_n3A_786 : vector<16xi32>
    tpu.vector_store_idx %arg13[%select_n3A_775], %or3A_787 : memref<4112xi32, #tpu.memory_space<vmem>>[vector<16xi32>], vector<16xi32>,
    %slice3A_788 = vector.extract_strided_slice %select_n3A_24 {offsets = [8], sizes = [1], strides = [1]} : vector<16xi32> to vector<1xi32>
    %squeeze3A_789 = vector.extract %slice3A_788[0] : i32 from vector<1xi32>
    %lt3A_790 = arith.constant 4096 : i32
    %lt3A_791 = arith.cmpi slt, %squeeze3A_789, %lt3A_790 : i32
    %broadcast_in_dim3A_792 = arith.constant 256 : i32
    %broadcast_in_dim3A_793 = vector.broadcast %broadcast_in_dim3A_792 : i32 to vector<16xi32>
    %get3A_794 = arith.constant 8 : i32
    %get3A_795 = arith.index_cast %get3A_794 : i32 to index
    %get3A_796 = arith.constant 0 : index
    %get3A_797 = tpu.vector_load %arg11[%get3A_795, %get3A_796] {strides = array<i32>} : memref<16x128xi32, #tpu.memory_space<vmem>>, vector<16xi32>,
    %get3A_798 = arith.constant 8 : i32
    %get3A_799 = arith.index_cast %get3A_798 : i32 to index
    %get3A_800 = arith.constant 16 : index
    %get3A_801 = tpu.vector_load %arg11[%get3A_799, %get3A_800] {strides = array<i32>} : memref<16x128xi32, #tpu.memory_space<vmem>>, vector<16xi32>,
    %ge3A_802 = arith.constant 0 : i32
    %ge3A_803 = vector.broadcast %ge3A_802 : i32 to vector<16xi32>
    %ge3A_804 = arith.cmpi sge, %get3A_797, %ge3A_803 : vector<16xi32>
    %and3A_805 = vector.broadcast %lt3A_791 : i1 to vector<16xi1>
    %and3A_806 = arith.andi %ge3A_804, %and3A_805 : vector<16xi1>
    %select_n3A_807 = arith.select %and3A_806, %get3A_797, %broadcast_in_dim3A_484 : vector<16xi1>, vector<16xi32>
    %ge3A_808 = arith.constant 0 : i32
    %ge3A_809 = vector.broadcast %ge3A_808 : i32 to vector<16xi32>
    %ge3A_810 = arith.cmpi sge, %get3A_801, %ge3A_809 : vector<16xi32>
    %and3A_811 = vector.broadcast %lt3A_791 : i1 to vector<16xi1>
    %and3A_812 = arith.andi %ge3A_810, %and3A_811 : vector<16xi1>
    %select_n3A_813 = arith.select %and3A_812, %get3A_801, %broadcast_in_dim3A_484 : vector<16xi1>, vector<16xi32>
    %gather3A_814 = tpu.vector_load_idx %arg12[%select_n3A_807] : memref<4112xi32, #tpu.memory_space<vmem>>[vector<16xi32>], vector<16xi32>,
    %lt3A_815 = arith.constant 4096 : i32
    %lt3A_816 = vector.broadcast %lt3A_815 : i32 to vector<16xi32>
    %lt3A_817 = arith.cmpi slt, %select_n3A_807, %lt3A_816 : vector<16xi32>
    %select_n3A_818 = arith.select %lt3A_817, %broadcast_in_dim3A_793, %broadcast_in_dim3A_482 : vector<16xi1>, vector<16xi32>
    %or3A_819 = arith.ori %gather3A_814, %select_n3A_818 : vector<16xi32>
    tpu.vector_store_idx %arg12[%select_n3A_807], %or3A_819 : memref<4112xi32, #tpu.memory_space<vmem>>[vector<16xi32>], vector<16xi32>,
    %gather3A_820 = tpu.vector_load_idx %arg13[%select_n3A_813] : memref<4112xi32, #tpu.memory_space<vmem>>[vector<16xi32>], vector<16xi32>,
    %lt3A_821 = arith.constant 4096 : i32
    %lt3A_822 = vector.broadcast %lt3A_821 : i32 to vector<16xi32>
    %lt3A_823 = arith.cmpi slt, %select_n3A_813, %lt3A_822 : vector<16xi32>
    %select_n3A_824 = arith.select %lt3A_823, %broadcast_in_dim3A_793, %broadcast_in_dim3A_482 : vector<16xi1>, vector<16xi32>
    %or3A_825 = arith.ori %gather3A_820, %select_n3A_824 : vector<16xi32>
    tpu.vector_store_idx %arg13[%select_n3A_813], %or3A_825 : memref<4112xi32, #tpu.memory_space<vmem>>[vector<16xi32>], vector<16xi32>,
    %slice3A_826 = vector.extract_strided_slice %select_n3A_24 {offsets = [9], sizes = [1], strides = [1]} : vector<16xi32> to vector<1xi32>
    %squeeze3A_827 = vector.extract %slice3A_826[0] : i32 from vector<1xi32>
    %lt3A_828 = arith.constant 4096 : i32
    %lt3A_829 = arith.cmpi slt, %squeeze3A_827, %lt3A_828 : i32
    %broadcast_in_dim3A_830 = arith.constant 512 : i32
    %broadcast_in_dim3A_831 = vector.broadcast %broadcast_in_dim3A_830 : i32 to vector<16xi32>
    %get3A_832 = arith.constant 9 : i32
    %get3A_833 = arith.index_cast %get3A_832 : i32 to index
    %get3A_834 = arith.constant 0 : index
    %get3A_835 = tpu.vector_load %arg11[%get3A_833, %get3A_834] {strides = array<i32>} : memref<16x128xi32, #tpu.memory_space<vmem>>, vector<16xi32>,
    %get3A_836 = arith.constant 9 : i32
    %get3A_837 = arith.index_cast %get3A_836 : i32 to index
    %get3A_838 = arith.constant 16 : index
    %get3A_839 = tpu.vector_load %arg11[%get3A_837, %get3A_838] {strides = array<i32>} : memref<16x128xi32, #tpu.memory_space<vmem>>, vector<16xi32>,
    %ge3A_840 = arith.constant 0 : i32
    %ge3A_841 = vector.broadcast %ge3A_840 : i32 to vector<16xi32>
    %ge3A_842 = arith.cmpi sge, %get3A_835, %ge3A_841 : vector<16xi32>
    %and3A_843 = vector.broadcast %lt3A_829 : i1 to vector<16xi1>
    %and3A_844 = arith.andi %ge3A_842, %and3A_843 : vector<16xi1>
    %select_n3A_845 = arith.select %and3A_844, %get3A_835, %broadcast_in_dim3A_484 : vector<16xi1>, vector<16xi32>
    %ge3A_846 = arith.constant 0 : i32
    %ge3A_847 = vector.broadcast %ge3A_846 : i32 to vector<16xi32>
    %ge3A_848 = arith.cmpi sge, %get3A_839, %ge3A_847 : vector<16xi32>
    %and3A_849 = vector.broadcast %lt3A_829 : i1 to vector<16xi1>
    %and3A_850 = arith.andi %ge3A_848, %and3A_849 : vector<16xi1>
    %select_n3A_851 = arith.select %and3A_850, %get3A_839, %broadcast_in_dim3A_484 : vector<16xi1>, vector<16xi32>
    %gather3A_852 = tpu.vector_load_idx %arg12[%select_n3A_845] : memref<4112xi32, #tpu.memory_space<vmem>>[vector<16xi32>], vector<16xi32>,
    %lt3A_853 = arith.constant 4096 : i32
    %lt3A_854 = vector.broadcast %lt3A_853 : i32 to vector<16xi32>
    %lt3A_855 = arith.cmpi slt, %select_n3A_845, %lt3A_854 : vector<16xi32>
    %select_n3A_856 = arith.select %lt3A_855, %broadcast_in_dim3A_831, %broadcast_in_dim3A_482 : vector<16xi1>, vector<16xi32>
    %or3A_857 = arith.ori %gather3A_852, %select_n3A_856 : vector<16xi32>
    tpu.vector_store_idx %arg12[%select_n3A_845], %or3A_857 : memref<4112xi32, #tpu.memory_space<vmem>>[vector<16xi32>], vector<16xi32>,
    %gather3A_858 = tpu.vector_load_idx %arg13[%select_n3A_851] : memref<4112xi32, #tpu.memory_space<vmem>>[vector<16xi32>], vector<16xi32>,
    %lt3A_859 = arith.constant 4096 : i32
    %lt3A_860 = vector.broadcast %lt3A_859 : i32 to vector<16xi32>
    %lt3A_861 = arith.cmpi slt, %select_n3A_851, %lt3A_860 : vector<16xi32>
    %select_n3A_862 = arith.select %lt3A_861, %broadcast_in_dim3A_831, %broadcast_in_dim3A_482 : vector<16xi1>, vector<16xi32>
    %or3A_863 = arith.ori %gather3A_858, %select_n3A_862 : vector<16xi32>
    tpu.vector_store_idx %arg13[%select_n3A_851], %or3A_863 : memref<4112xi32, #tpu.memory_space<vmem>>[vector<16xi32>], vector<16xi32>,
    %slice3A_864 = vector.extract_strided_slice %select_n3A_24 {offsets = [10], sizes = [1], strides = [1]} : vector<16xi32> to vector<1xi32>
    %squeeze3A_865 = vector.extract %slice3A_864[0] : i32 from vector<1xi32>
    %lt3A_866 = arith.constant 4096 : i32
    %lt3A_867 = arith.cmpi slt, %squeeze3A_865, %lt3A_866 : i32
    %broadcast_in_dim3A_868 = arith.constant 1024 : i32
    %broadcast_in_dim3A_869 = vector.broadcast %broadcast_in_dim3A_868 : i32 to vector<16xi32>
    %get3A_870 = arith.constant 10 : i32
    %get3A_871 = arith.index_cast %get3A_870 : i32 to index
    %get3A_872 = arith.constant 0 : index
    %get3A_873 = tpu.vector_load %arg11[%get3A_871, %get3A_872] {strides = array<i32>} : memref<16x128xi32, #tpu.memory_space<vmem>>, vector<16xi32>,
    %get3A_874 = arith.constant 10 : i32
    %get3A_875 = arith.index_cast %get3A_874 : i32 to index
    %get3A_876 = arith.constant 16 : index
    %get3A_877 = tpu.vector_load %arg11[%get3A_875, %get3A_876] {strides = array<i32>} : memref<16x128xi32, #tpu.memory_space<vmem>>, vector<16xi32>,
    %ge3A_878 = arith.constant 0 : i32
    %ge3A_879 = vector.broadcast %ge3A_878 : i32 to vector<16xi32>
    %ge3A_880 = arith.cmpi sge, %get3A_873, %ge3A_879 : vector<16xi32>
    %and3A_881 = vector.broadcast %lt3A_867 : i1 to vector<16xi1>
    %and3A_882 = arith.andi %ge3A_880, %and3A_881 : vector<16xi1>
    %select_n3A_883 = arith.select %and3A_882, %get3A_873, %broadcast_in_dim3A_484 : vector<16xi1>, vector<16xi32>
    %ge3A_884 = arith.constant 0 : i32
    %ge3A_885 = vector.broadcast %ge3A_884 : i32 to vector<16xi32>
    %ge3A_886 = arith.cmpi sge, %get3A_877, %ge3A_885 : vector<16xi32>
    %and3A_887 = vector.broadcast %lt3A_867 : i1 to vector<16xi1>
    %and3A_888 = arith.andi %ge3A_886, %and3A_887 : vector<16xi1>
    %select_n3A_889 = arith.select %and3A_888, %get3A_877, %broadcast_in_dim3A_484 : vector<16xi1>, vector<16xi32>
    %gather3A_890 = tpu.vector_load_idx %arg12[%select_n3A_883] : memref<4112xi32, #tpu.memory_space<vmem>>[vector<16xi32>], vector<16xi32>,
    %lt3A_891 = arith.constant 4096 : i32
    %lt3A_892 = vector.broadcast %lt3A_891 : i32 to vector<16xi32>
    %lt3A_893 = arith.cmpi slt, %select_n3A_883, %lt3A_892 : vector<16xi32>
    %select_n3A_894 = arith.select %lt3A_893, %broadcast_in_dim3A_869, %broadcast_in_dim3A_482 : vector<16xi1>, vector<16xi32>
    %or3A_895 = arith.ori %gather3A_890, %select_n3A_894 : vector<16xi32>
    tpu.vector_store_idx %arg12[%select_n3A_883], %or3A_895 : memref<4112xi32, #tpu.memory_space<vmem>>[vector<16xi32>], vector<16xi32>,
    %gather3A_896 = tpu.vector_load_idx %arg13[%select_n3A_889] : memref<4112xi32, #tpu.memory_space<vmem>>[vector<16xi32>], vector<16xi32>,
    %lt3A_897 = arith.constant 4096 : i32
    %lt3A_898 = vector.broadcast %lt3A_897 : i32 to vector<16xi32>
    %lt3A_899 = arith.cmpi slt, %select_n3A_889, %lt3A_898 : vector<16xi32>
    %select_n3A_900 = arith.select %lt3A_899, %broadcast_in_dim3A_869, %broadcast_in_dim3A_482 : vector<16xi1>, vector<16xi32>
    %or3A_901 = arith.ori %gather3A_896, %select_n3A_900 : vector<16xi32>
    tpu.vector_store_idx %arg13[%select_n3A_889], %or3A_901 : memref<4112xi32, #tpu.memory_space<vmem>>[vector<16xi32>], vector<16xi32>,
    %slice3A_902 = vector.extract_strided_slice %select_n3A_24 {offsets = [11], sizes = [1], strides = [1]} : vector<16xi32> to vector<1xi32>
    %squeeze3A_903 = vector.extract %slice3A_902[0] : i32 from vector<1xi32>
    %lt3A_904 = arith.constant 4096 : i32
    %lt3A_905 = arith.cmpi slt, %squeeze3A_903, %lt3A_904 : i32
    %broadcast_in_dim3A_906 = arith.constant 2048 : i32
    %broadcast_in_dim3A_907 = vector.broadcast %broadcast_in_dim3A_906 : i32 to vector<16xi32>
    %get3A_908 = arith.constant 11 : i32
    %get3A_909 = arith.index_cast %get3A_908 : i32 to index
    %get3A_910 = arith.constant 0 : index
    %get3A_911 = tpu.vector_load %arg11[%get3A_909, %get3A_910] {strides = array<i32>} : memref<16x128xi32, #tpu.memory_space<vmem>>, vector<16xi32>,
    %get3A_912 = arith.constant 11 : i32
    %get3A_913 = arith.index_cast %get3A_912 : i32 to index
    %get3A_914 = arith.constant 16 : index
    %get3A_915 = tpu.vector_load %arg11[%get3A_913, %get3A_914] {strides = array<i32>} : memref<16x128xi32, #tpu.memory_space<vmem>>, vector<16xi32>,
    %ge3A_916 = arith.constant 0 : i32
    %ge3A_917 = vector.broadcast %ge3A_916 : i32 to vector<16xi32>
    %ge3A_918 = arith.cmpi sge, %get3A_911, %ge3A_917 : vector<16xi32>
    %and3A_919 = vector.broadcast %lt3A_905 : i1 to vector<16xi1>
    %and3A_920 = arith.andi %ge3A_918, %and3A_919 : vector<16xi1>
    %select_n3A_921 = arith.select %and3A_920, %get3A_911, %broadcast_in_dim3A_484 : vector<16xi1>, vector<16xi32>
    %ge3A_922 = arith.constant 0 : i32
    %ge3A_923 = vector.broadcast %ge3A_922 : i32 to vector<16xi32>
    %ge3A_924 = arith.cmpi sge, %get3A_915, %ge3A_923 : vector<16xi32>
    %and3A_925 = vector.broadcast %lt3A_905 : i1 to vector<16xi1>
    %and3A_926 = arith.andi %ge3A_924, %and3A_925 : vector<16xi1>
    %select_n3A_927 = arith.select %and3A_926, %get3A_915, %broadcast_in_dim3A_484 : vector<16xi1>, vector<16xi32>
    %gather3A_928 = tpu.vector_load_idx %arg12[%select_n3A_921] : memref<4112xi32, #tpu.memory_space<vmem>>[vector<16xi32>], vector<16xi32>,
    %lt3A_929 = arith.constant 4096 : i32
    %lt3A_930 = vector.broadcast %lt3A_929 : i32 to vector<16xi32>
    %lt3A_931 = arith.cmpi slt, %select_n3A_921, %lt3A_930 : vector<16xi32>
    %select_n3A_932 = arith.select %lt3A_931, %broadcast_in_dim3A_907, %broadcast_in_dim3A_482 : vector<16xi1>, vector<16xi32>
    %or3A_933 = arith.ori %gather3A_928, %select_n3A_932 : vector<16xi32>
    tpu.vector_store_idx %arg12[%select_n3A_921], %or3A_933 : memref<4112xi32, #tpu.memory_space<vmem>>[vector<16xi32>], vector<16xi32>,
    %gather3A_934 = tpu.vector_load_idx %arg13[%select_n3A_927] : memref<4112xi32, #tpu.memory_space<vmem>>[vector<16xi32>], vector<16xi32>,
    %lt3A_935 = arith.constant 4096 : i32
    %lt3A_936 = vector.broadcast %lt3A_935 : i32 to vector<16xi32>
    %lt3A_937 = arith.cmpi slt, %select_n3A_927, %lt3A_936 : vector<16xi32>
    %select_n3A_938 = arith.select %lt3A_937, %broadcast_in_dim3A_907, %broadcast_in_dim3A_482 : vector<16xi1>, vector<16xi32>
    %or3A_939 = arith.ori %gather3A_934, %select_n3A_938 : vector<16xi32>
    tpu.vector_store_idx %arg13[%select_n3A_927], %or3A_939 : memref<4112xi32, #tpu.memory_space<vmem>>[vector<16xi32>], vector<16xi32>,
    %slice3A_940 = vector.extract_strided_slice %select_n3A_24 {offsets = [12], sizes = [1], strides = [1]} : vector<16xi32> to vector<1xi32>
    %squeeze3A_941 = vector.extract %slice3A_940[0] : i32 from vector<1xi32>
    %lt3A_942 = arith.constant 4096 : i32
    %lt3A_943 = arith.cmpi slt, %squeeze3A_941, %lt3A_942 : i32
    %broadcast_in_dim3A_944 = arith.constant 4096 : i32
    %broadcast_in_dim3A_945 = vector.broadcast %broadcast_in_dim3A_944 : i32 to vector<16xi32>
    %get3A_946 = arith.constant 12 : i32
    %get3A_947 = arith.index_cast %get3A_946 : i32 to index
    %get3A_948 = arith.constant 0 : index
    %get3A_949 = tpu.vector_load %arg11[%get3A_947, %get3A_948] {strides = array<i32>} : memref<16x128xi32, #tpu.memory_space<vmem>>, vector<16xi32>,
    %get3A_950 = arith.constant 12 : i32
    %get3A_951 = arith.index_cast %get3A_950 : i32 to index
    %get3A_952 = arith.constant 16 : index
    %get3A_953 = tpu.vector_load %arg11[%get3A_951, %get3A_952] {strides = array<i32>} : memref<16x128xi32, #tpu.memory_space<vmem>>, vector<16xi32>,
    %ge3A_954 = arith.constant 0 : i32
    %ge3A_955 = vector.broadcast %ge3A_954 : i32 to vector<16xi32>
    %ge3A_956 = arith.cmpi sge, %get3A_949, %ge3A_955 : vector<16xi32>
    %and3A_957 = vector.broadcast %lt3A_943 : i1 to vector<16xi1>
    %and3A_958 = arith.andi %ge3A_956, %and3A_957 : vector<16xi1>
    %select_n3A_959 = arith.select %and3A_958, %get3A_949, %broadcast_in_dim3A_484 : vector<16xi1>, vector<16xi32>
    %ge3A_960 = arith.constant 0 : i32
    %ge3A_961 = vector.broadcast %ge3A_960 : i32 to vector<16xi32>
    %ge3A_962 = arith.cmpi sge, %get3A_953, %ge3A_961 : vector<16xi32>
    %and3A_963 = vector.broadcast %lt3A_943 : i1 to vector<16xi1>
    %and3A_964 = arith.andi %ge3A_962, %and3A_963 : vector<16xi1>
    %select_n3A_965 = arith.select %and3A_964, %get3A_953, %broadcast_in_dim3A_484 : vector<16xi1>, vector<16xi32>
    %gather3A_966 = tpu.vector_load_idx %arg12[%select_n3A_959] : memref<4112xi32, #tpu.memory_space<vmem>>[vector<16xi32>], vector<16xi32>,
    %lt3A_967 = arith.constant 4096 : i32
    %lt3A_968 = vector.broadcast %lt3A_967 : i32 to vector<16xi32>
    %lt3A_969 = arith.cmpi slt, %select_n3A_959, %lt3A_968 : vector<16xi32>
    %select_n3A_970 = arith.select %lt3A_969, %broadcast_in_dim3A_945, %broadcast_in_dim3A_482 : vector<16xi1>, vector<16xi32>
    %or3A_971 = arith.ori %gather3A_966, %select_n3A_970 : vector<16xi32>
    tpu.vector_store_idx %arg12[%select_n3A_959], %or3A_971 : memref<4112xi32, #tpu.memory_space<vmem>>[vector<16xi32>], vector<16xi32>,
    %gather3A_972 = tpu.vector_load_idx %arg13[%select_n3A_965] : memref<4112xi32, #tpu.memory_space<vmem>>[vector<16xi32>], vector<16xi32>,
    %lt3A_973 = arith.constant 4096 : i32
    %lt3A_974 = vector.broadcast %lt3A_973 : i32 to vector<16xi32>
    %lt3A_975 = arith.cmpi slt, %select_n3A_965, %lt3A_974 : vector<16xi32>
    %select_n3A_976 = arith.select %lt3A_975, %broadcast_in_dim3A_945, %broadcast_in_dim3A_482 : vector<16xi1>, vector<16xi32>
    %or3A_977 = arith.ori %gather3A_972, %select_n3A_976 : vector<16xi32>
    tpu.vector_store_idx %arg13[%select_n3A_965], %or3A_977 : memref<4112xi32, #tpu.memory_space<vmem>>[vector<16xi32>], vector<16xi32>,
    %slice3A_978 = vector.extract_strided_slice %select_n3A_24 {offsets = [13], sizes = [1], strides = [1]} : vector<16xi32> to vector<1xi32>
    %squeeze3A_979 = vector.extract %slice3A_978[0] : i32 from vector<1xi32>
    %lt3A_980 = arith.constant 4096 : i32
    %lt3A_981 = arith.cmpi slt, %squeeze3A_979, %lt3A_980 : i32
    %broadcast_in_dim3A_982 = arith.constant 8192 : i32
    %broadcast_in_dim3A_983 = vector.broadcast %broadcast_in_dim3A_982 : i32 to vector<16xi32>
    %get3A_984 = arith.constant 13 : i32
    %get3A_985 = arith.index_cast %get3A_984 : i32 to index
    %get3A_986 = arith.constant 0 : index
    %get3A_987 = tpu.vector_load %arg11[%get3A_985, %get3A_986] {strides = array<i32>} : memref<16x128xi32, #tpu.memory_space<vmem>>, vector<16xi32>,
    %get3A_988 = arith.constant 13 : i32
    %get3A_989 = arith.index_cast %get3A_988 : i32 to index
    %get3A_990 = arith.constant 16 : index
    %get3A_991 = tpu.vector_load %arg11[%get3A_989, %get3A_990] {strides = array<i32>} : memref<16x128xi32, #tpu.memory_space<vmem>>, vector<16xi32>,
    %ge3A_992 = arith.constant 0 : i32
    %ge3A_993 = vector.broadcast %ge3A_992 : i32 to vector<16xi32>
    %ge3A_994 = arith.cmpi sge, %get3A_987, %ge3A_993 : vector<16xi32>
    %and3A_995 = vector.broadcast %lt3A_981 : i1 to vector<16xi1>
    %and3A_996 = arith.andi %ge3A_994, %and3A_995 : vector<16xi1>
    %select_n3A_997 = arith.select %and3A_996, %get3A_987, %broadcast_in_dim3A_484 : vector<16xi1>, vector<16xi32>
    %ge3A_998 = arith.constant 0 : i32
    %ge3A_999 = vector.broadcast %ge3A_998 : i32 to vector<16xi32>
    %ge3A_1000 = arith.cmpi sge, %get3A_991, %ge3A_999 : vector<16xi32>
    %and3A_1001 = vector.broadcast %lt3A_981 : i1 to vector<16xi1>
    %and3A_1002 = arith.andi %ge3A_1000, %and3A_1001 : vector<16xi1>
    %select_n3A_1003 = arith.select %and3A_1002, %get3A_991, %broadcast_in_dim3A_484 : vector<16xi1>, vector<16xi32>
    %gather3A_1004 = tpu.vector_load_idx %arg12[%select_n3A_997] : memref<4112xi32, #tpu.memory_space<vmem>>[vector<16xi32>], vector<16xi32>,
    %lt3A_1005 = arith.constant 4096 : i32
    %lt3A_1006 = vector.broadcast %lt3A_1005 : i32 to vector<16xi32>
    %lt3A_1007 = arith.cmpi slt, %select_n3A_997, %lt3A_1006 : vector<16xi32>
    %select_n3A_1008 = arith.select %lt3A_1007, %broadcast_in_dim3A_983, %broadcast_in_dim3A_482 : vector<16xi1>, vector<16xi32>
    %or3A_1009 = arith.ori %gather3A_1004, %select_n3A_1008 : vector<16xi32>
    tpu.vector_store_idx %arg12[%select_n3A_997], %or3A_1009 : memref<4112xi32, #tpu.memory_space<vmem>>[vector<16xi32>], vector<16xi32>,
    %gather3A_1010 = tpu.vector_load_idx %arg13[%select_n3A_1003] : memref<4112xi32, #tpu.memory_space<vmem>>[vector<16xi32>], vector<16xi32>,
    %lt3A_1011 = arith.constant 4096 : i32
    %lt3A_1012 = vector.broadcast %lt3A_1011 : i32 to vector<16xi32>
    %lt3A_1013 = arith.cmpi slt, %select_n3A_1003, %lt3A_1012 : vector<16xi32>
    %select_n3A_1014 = arith.select %lt3A_1013, %broadcast_in_dim3A_983, %broadcast_in_dim3A_482 : vector<16xi1>, vector<16xi32>
    %or3A_1015 = arith.ori %gather3A_1010, %select_n3A_1014 : vector<16xi32>
    tpu.vector_store_idx %arg13[%select_n3A_1003], %or3A_1015 : memref<4112xi32, #tpu.memory_space<vmem>>[vector<16xi32>], vector<16xi32>,
    %slice3A_1016 = vector.extract_strided_slice %select_n3A_24 {offsets = [14], sizes = [1], strides = [1]} : vector<16xi32> to vector<1xi32>
    %squeeze3A_1017 = vector.extract %slice3A_1016[0] : i32 from vector<1xi32>
    %lt3A_1018 = arith.constant 4096 : i32
    %lt3A_1019 = arith.cmpi slt, %squeeze3A_1017, %lt3A_1018 : i32
    %broadcast_in_dim3A_1020 = arith.constant 16384 : i32
    %broadcast_in_dim3A_1021 = vector.broadcast %broadcast_in_dim3A_1020 : i32 to vector<16xi32>
    %get3A_1022 = arith.constant 14 : i32
    %get3A_1023 = arith.index_cast %get3A_1022 : i32 to index
    %get3A_1024 = arith.constant 0 : index
    %get3A_1025 = tpu.vector_load %arg11[%get3A_1023, %get3A_1024] {strides = array<i32>} : memref<16x128xi32, #tpu.memory_space<vmem>>, vector<16xi32>,
    %get3A_1026 = arith.constant 14 : i32
    %get3A_1027 = arith.index_cast %get3A_1026 : i32 to index
    %get3A_1028 = arith.constant 16 : index
    %get3A_1029 = tpu.vector_load %arg11[%get3A_1027, %get3A_1028] {strides = array<i32>} : memref<16x128xi32, #tpu.memory_space<vmem>>, vector<16xi32>,
    %ge3A_1030 = arith.constant 0 : i32
    %ge3A_1031 = vector.broadcast %ge3A_1030 : i32 to vector<16xi32>
    %ge3A_1032 = arith.cmpi sge, %get3A_1025, %ge3A_1031 : vector<16xi32>
    %and3A_1033 = vector.broadcast %lt3A_1019 : i1 to vector<16xi1>
    %and3A_1034 = arith.andi %ge3A_1032, %and3A_1033 : vector<16xi1>
    %select_n3A_1035 = arith.select %and3A_1034, %get3A_1025, %broadcast_in_dim3A_484 : vector<16xi1>, vector<16xi32>
    %ge3A_1036 = arith.constant 0 : i32
    %ge3A_1037 = vector.broadcast %ge3A_1036 : i32 to vector<16xi32>
    %ge3A_1038 = arith.cmpi sge, %get3A_1029, %ge3A_1037 : vector<16xi32>
    %and3A_1039 = vector.broadcast %lt3A_1019 : i1 to vector<16xi1>
    %and3A_1040 = arith.andi %ge3A_1038, %and3A_1039 : vector<16xi1>
    %select_n3A_1041 = arith.select %and3A_1040, %get3A_1029, %broadcast_in_dim3A_484 : vector<16xi1>, vector<16xi32>
    %gather3A_1042 = tpu.vector_load_idx %arg12[%select_n3A_1035] : memref<4112xi32, #tpu.memory_space<vmem>>[vector<16xi32>], vector<16xi32>,
    %lt3A_1043 = arith.constant 4096 : i32
    %lt3A_1044 = vector.broadcast %lt3A_1043 : i32 to vector<16xi32>
    %lt3A_1045 = arith.cmpi slt, %select_n3A_1035, %lt3A_1044 : vector<16xi32>
    %select_n3A_1046 = arith.select %lt3A_1045, %broadcast_in_dim3A_1021, %broadcast_in_dim3A_482 : vector<16xi1>, vector<16xi32>
    %or3A_1047 = arith.ori %gather3A_1042, %select_n3A_1046 : vector<16xi32>
    tpu.vector_store_idx %arg12[%select_n3A_1035], %or3A_1047 : memref<4112xi32, #tpu.memory_space<vmem>>[vector<16xi32>], vector<16xi32>,
    %gather3A_1048 = tpu.vector_load_idx %arg13[%select_n3A_1041] : memref<4112xi32, #tpu.memory_space<vmem>>[vector<16xi32>], vector<16xi32>,
    %lt3A_1049 = arith.constant 4096 : i32
    %lt3A_1050 = vector.broadcast %lt3A_1049 : i32 to vector<16xi32>
    %lt3A_1051 = arith.cmpi slt, %select_n3A_1041, %lt3A_1050 : vector<16xi32>
    %select_n3A_1052 = arith.select %lt3A_1051, %broadcast_in_dim3A_1021, %broadcast_in_dim3A_482 : vector<16xi1>, vector<16xi32>
    %or3A_1053 = arith.ori %gather3A_1048, %select_n3A_1052 : vector<16xi32>
    tpu.vector_store_idx %arg13[%select_n3A_1041], %or3A_1053 : memref<4112xi32, #tpu.memory_space<vmem>>[vector<16xi32>], vector<16xi32>,
    %slice3A_1054 = vector.extract_strided_slice %select_n3A_24 {offsets = [15], sizes = [1], strides = [1]} : vector<16xi32> to vector<1xi32>
    %squeeze3A_1055 = vector.extract %slice3A_1054[0] : i32 from vector<1xi32>
    %lt3A_1056 = arith.constant 4096 : i32
    %lt3A_1057 = arith.cmpi slt, %squeeze3A_1055, %lt3A_1056 : i32
    %broadcast_in_dim3A_1058 = arith.constant 32768 : i32
    %broadcast_in_dim3A_1059 = vector.broadcast %broadcast_in_dim3A_1058 : i32 to vector<16xi32>
    %get3A_1060 = arith.constant 15 : i32
    %get3A_1061 = arith.index_cast %get3A_1060 : i32 to index
    %get3A_1062 = arith.constant 0 : index
    %get3A_1063 = tpu.vector_load %arg11[%get3A_1061, %get3A_1062] {strides = array<i32>} : memref<16x128xi32, #tpu.memory_space<vmem>>, vector<16xi32>,
    %get3A_1064 = arith.constant 15 : i32
    %get3A_1065 = arith.index_cast %get3A_1064 : i32 to index
    %get3A_1066 = arith.constant 16 : index
    %get3A_1067 = tpu.vector_load %arg11[%get3A_1065, %get3A_1066] {strides = array<i32>} : memref<16x128xi32, #tpu.memory_space<vmem>>, vector<16xi32>,
    %ge3A_1068 = arith.constant 0 : i32
    %ge3A_1069 = vector.broadcast %ge3A_1068 : i32 to vector<16xi32>
    %ge3A_1070 = arith.cmpi sge, %get3A_1063, %ge3A_1069 : vector<16xi32>
    %and3A_1071 = vector.broadcast %lt3A_1057 : i1 to vector<16xi1>
    %and3A_1072 = arith.andi %ge3A_1070, %and3A_1071 : vector<16xi1>
    %select_n3A_1073 = arith.select %and3A_1072, %get3A_1063, %broadcast_in_dim3A_484 : vector<16xi1>, vector<16xi32>
    %ge3A_1074 = arith.constant 0 : i32
    %ge3A_1075 = vector.broadcast %ge3A_1074 : i32 to vector<16xi32>
    %ge3A_1076 = arith.cmpi sge, %get3A_1067, %ge3A_1075 : vector<16xi32>
    %and3A_1077 = vector.broadcast %lt3A_1057 : i1 to vector<16xi1>
    %and3A_1078 = arith.andi %ge3A_1076, %and3A_1077 : vector<16xi1>
    %select_n3A_1079 = arith.select %and3A_1078, %get3A_1067, %broadcast_in_dim3A_484 : vector<16xi1>, vector<16xi32>
    %gather3A_1080 = tpu.vector_load_idx %arg12[%select_n3A_1073] : memref<4112xi32, #tpu.memory_space<vmem>>[vector<16xi32>], vector<16xi32>,
    %lt3A_1081 = arith.constant 4096 : i32
    %lt3A_1082 = vector.broadcast %lt3A_1081 : i32 to vector<16xi32>
    %lt3A_1083 = arith.cmpi slt, %select_n3A_1073, %lt3A_1082 : vector<16xi32>
    %select_n3A_1084 = arith.select %lt3A_1083, %broadcast_in_dim3A_1059, %broadcast_in_dim3A_482 : vector<16xi1>, vector<16xi32>
    %or3A_1085 = arith.ori %gather3A_1080, %select_n3A_1084 : vector<16xi32>
    tpu.vector_store_idx %arg12[%select_n3A_1073], %or3A_1085 : memref<4112xi32, #tpu.memory_space<vmem>>[vector<16xi32>], vector<16xi32>,
    %gather3A_1086 = tpu.vector_load_idx %arg13[%select_n3A_1079] : memref<4112xi32, #tpu.memory_space<vmem>>[vector<16xi32>], vector<16xi32>,
    %lt3A_1087 = arith.constant 4096 : i32
    %lt3A_1088 = vector.broadcast %lt3A_1087 : i32 to vector<16xi32>
    %lt3A_1089 = arith.cmpi slt, %select_n3A_1079, %lt3A_1088 : vector<16xi32>
    %select_n3A_1090 = arith.select %lt3A_1089, %broadcast_in_dim3A_1059, %broadcast_in_dim3A_482 : vector<16xi1>, vector<16xi32>
    %or3A_1091 = arith.ori %gather3A_1086, %select_n3A_1090 : vector<16xi32>
    tpu.vector_store_idx %arg13[%select_n3A_1079], %or3A_1091 : memref<4112xi32, #tpu.memory_space<vmem>>[vector<16xi32>], vector<16xi32>,
    %dma_wait3A_1092 = tpu.memref_slice %arg2[%mul3A_2] : memref<65536xi32, #tpu.memory_space<hbm>> -> memref<2048xi32, #tpu.memory_space<hbm>>
    %dma_wait3A_1093 = tpu.memref_slice %arg2[%mul3A_2] : memref<65536xi32, #tpu.memory_space<hbm>> -> memref<2048xi32, #tpu.memory_space<hbm>>
    tpu.wait_dma2 semaphore(%arg19 : memref<!tpu.dma_semaphore, #tpu.memory_space<semaphore_mem>>) src(%dma_wait3A_1093 : memref<2048xi32, #tpu.memory_space<hbm>>) dst(%arg14 : memref<2048xi32, #tpu.memory_space<vmem>>)
    %scan3A_1094 = arith.constant 0 : i32
    %scan3A_1095 = arith.constant 0 : i32
    %scan3A_1096 = arith.constant 128 : i32
    %scan3A_1097 = arith.addi %scan3A_1095, %scan3A_1096 : i32
    %scan3A_1098 = arith.constant 1 : i32
    %scan3A_1099 = scf.for %scan3A_1101 = %scan3A_1095 to %scan3A_1097 step %scan3A_1098 iter_args(%scan3A_1102 = %scan3A_1094) -> (i32)  : i32 {
      %mul3A_1103 = arith.constant 16 : i32
      %mul3A_1104 = arith.muli %scan3A_1101, %mul3A_1103 : i32
      %get3A_1105 = arith.index_cast %mul3A_1104 : i32 to index
      %get3A_1106 = tpu.vector_load %arg14[%get3A_1105] {strides = array<i32>} : memref<2048xi32, #tpu.memory_space<vmem>>, vector<16xi32>,
      %gather3A_1107 = tpu.vector_load_idx %arg12[%get3A_1106] : memref<4112xi32, #tpu.memory_space<vmem>>[vector<16xi32>], vector<16xi32>,
      %mul3A_1108 = arith.constant 16 : i32
      %mul3A_1109 = arith.muli %scan3A_1101, %mul3A_1108 : i32
      %swap3A = arith.index_cast %mul3A_1109 : i32 to index
      %swap3A_1110 = tpu.vector_load %arg15[%swap3A] {strides = array<i32>} : memref<2048xi32, #tpu.memory_space<vmem>>, vector<16xi32>,
      tpu.vector_store %arg15[%swap3A], %gather3A_1107 {strides = array<i32>} : memref<2048xi32, #tpu.memory_space<vmem>>, vector<16xi32>,
      %gather3A_1111 = tpu.vector_load_idx %arg13[%get3A_1106] : memref<4112xi32, #tpu.memory_space<vmem>>[vector<16xi32>], vector<16xi32>,
      %mul3A_1112 = arith.constant 16 : i32
      %mul3A_1113 = arith.muli %scan3A_1101, %mul3A_1112 : i32
      %swap3A_1114 = arith.index_cast %mul3A_1113 : i32 to index
      %swap3A_1115 = tpu.vector_load %arg16[%swap3A_1114] {strides = array<i32>} : memref<2048xi32, #tpu.memory_space<vmem>>, vector<16xi32>,
      tpu.vector_store %arg16[%swap3A_1114], %gather3A_1111 {strides = array<i32>} : memref<2048xi32, #tpu.memory_space<vmem>>, vector<16xi32>,
      %scan3A_1116 = arith.constant 0 : i32
      scf.yield %scan3A_1116 : i32
    }
    %scan3A_1100 = arith.constant 128 : i32
    "tpu.region"() ({
      %run_scoped3A = tpu.sem_alloc : memref<!tpu.dma_semaphore, #tpu.memory_space<semaphore_mem>>
      %dma_start3A_1101 = tpu.memref_slice %arg6[%mul3A_2] : memref<65536xi32, #tpu.memory_space<hbm>> -> memref<2048xi32, #tpu.memory_space<hbm>>
      %dma_start3A_1102 = tpu.memref_slice %arg6[%mul3A_2] : memref<65536xi32, #tpu.memory_space<hbm>> -> memref<2048xi32, #tpu.memory_space<hbm>>
      tpu.enqueue_dma source(%arg15 : memref<2048xi32, #tpu.memory_space<vmem>>) target(%dma_start3A_1102 : memref<2048xi32, #tpu.memory_space<hbm>>) target_semaphore(%run_scoped3A : memref<!tpu.dma_semaphore, #tpu.memory_space<semaphore_mem>>)
      %dma_wait3A_1103 = tpu.memref_slice %arg6[%mul3A_2] : memref<65536xi32, #tpu.memory_space<hbm>> -> memref<2048xi32, #tpu.memory_space<hbm>>
      %dma_wait3A_1104 = tpu.memref_slice %arg6[%mul3A_2] : memref<65536xi32, #tpu.memory_space<hbm>> -> memref<2048xi32, #tpu.memory_space<hbm>>
      tpu.wait_dma2 semaphore(%run_scoped3A : memref<!tpu.dma_semaphore, #tpu.memory_space<semaphore_mem>>) src(%arg15 : memref<2048xi32, #tpu.memory_space<vmem>>) dst(%dma_wait3A_1104 : memref<2048xi32, #tpu.memory_space<hbm>>)
      tpu.yield
    }) : () -> ()
    "tpu.region"() ({
      %run_scoped3A = tpu.sem_alloc : memref<!tpu.dma_semaphore, #tpu.memory_space<semaphore_mem>>
      %dma_start3A_1101 = tpu.memref_slice %arg7[%mul3A_2] : memref<65536xi32, #tpu.memory_space<hbm>> -> memref<2048xi32, #tpu.memory_space<hbm>>
      %dma_start3A_1102 = tpu.memref_slice %arg7[%mul3A_2] : memref<65536xi32, #tpu.memory_space<hbm>> -> memref<2048xi32, #tpu.memory_space<hbm>>
      tpu.enqueue_dma source(%arg16 : memref<2048xi32, #tpu.memory_space<vmem>>) target(%dma_start3A_1102 : memref<2048xi32, #tpu.memory_space<hbm>>) target_semaphore(%run_scoped3A : memref<!tpu.dma_semaphore, #tpu.memory_space<semaphore_mem>>)
      %dma_wait3A_1103 = tpu.memref_slice %arg7[%mul3A_2] : memref<65536xi32, #tpu.memory_space<hbm>> -> memref<2048xi32, #tpu.memory_space<hbm>>
      %dma_wait3A_1104 = tpu.memref_slice %arg7[%mul3A_2] : memref<65536xi32, #tpu.memory_space<hbm>> -> memref<2048xi32, #tpu.memory_space<hbm>>
      tpu.wait_dma2 semaphore(%run_scoped3A : memref<!tpu.dma_semaphore, #tpu.memory_space<semaphore_mem>>) src(%arg16 : memref<2048xi32, #tpu.memory_space<vmem>>) dst(%dma_wait3A_1104 : memref<2048xi32, #tpu.memory_space<hbm>>)
      tpu.yield
    }) : () -> ()
    return
  }
}

module attributes {stable_mosaic.version = 14 : i64} {
  func.func @_tc_body(%arg0: i32, %arg1: memref<16x128xf32, #tpu.memory_space<vmem>>, %arg2: memref<4096x128xf32, #tpu.memory_space<vmem>>, %arg3: memref<1x1x4096xi32, #tpu.memory_space<vmem>>, %arg4: memref<1x1x4096xi32, #tpu.memory_space<vmem>>, %arg5: memref<1x1xf32, #tpu.memory_space<vmem>>, %arg6: memref<16x65536xf32, #tpu.memory_space<vmem>>, %arg7: memref<16x65536xf32, #tpu.memory_space<vmem>>, %arg8: memref<16x1xf32, #tpu.memory_space<vmem>>, %arg9: memref<16x1xf32, #tpu.memory_space<vmem>>, %arg10: memref<16x1xf32, #tpu.memory_space<vmem>>) attributes {dimension_semantics = [#tpu.dimension_semantics<arbitrary>], iteration_bounds = array<i64: 16>, scalar_prefetch = 0 : i64, scratch_operands = 5 : i64, tpu.core_type = #tpu.core_type<tc>, window_params = [{pipeline_mode = #tpu.pipeline_mode<synchronous>, transform_indices = @transform_0, window_bounds = array<i64: 16, 128>}, {transform_indices = @transform_1, window_bounds = array<i64: 4096, 128>}, {transform_indices = @transform_2, window_bounds = array<i64: 1, 1, 4096>}, {transform_indices = @transform_3, window_bounds = array<i64: 1, 1, 4096>}, {pipeline_mode = #tpu.pipeline_mode<synchronous>, transform_indices = @transform_4, window_bounds = array<i64: 1, 1>}]} {
    %eq3A = arith.constant 0 : i32
    %eq3A_0 = arith.cmpi eq, %arg0, %eq3A : i32
    %convert_element_type3A = arith.extui %eq3A_0 : i1 to i32
    %cond3A = arith.constant 0 : i32
    %cond3A_1 = arith.cmpi ne, %convert_element_type3A, %cond3A : i32
    scf.if %cond3A_1 {
      %broadcast_in_dim3A_93 = arith.constant 0xFF800000 : f32
      %broadcast_in_dim3A_94 = vector.broadcast %broadcast_in_dim3A_93 : f32 to vector<16x1xf32>
      %swap3A_95 = arith.constant 0 : index
      %swap3A_96 = arith.constant 0 : index
      %swap3A_97 = vector.load %arg8[%swap3A_95, %swap3A_96] : memref<16x1xf32, #tpu.memory_space<vmem>>, vector<16x1xf32>
      tpu.vector_store %arg8[%swap3A_95, %swap3A_96], %broadcast_in_dim3A_94 {strides = array<i32>} : memref<16x1xf32, #tpu.memory_space<vmem>>, vector<16x1xf32>,
      %broadcast_in_dim3A_98 = arith.constant 0xFF800000 : f32
      %broadcast_in_dim3A_99 = vector.broadcast %broadcast_in_dim3A_98 : f32 to vector<16x1xf32>
      %swap3A_100 = arith.constant 0 : index
      %swap3A_101 = arith.constant 0 : index
      %swap3A_102 = vector.load %arg9[%swap3A_100, %swap3A_101] : memref<16x1xf32, #tpu.memory_space<vmem>>, vector<16x1xf32>
      tpu.vector_store %arg9[%swap3A_100, %swap3A_101], %broadcast_in_dim3A_99 {strides = array<i32>} : memref<16x1xf32, #tpu.memory_space<vmem>>, vector<16x1xf32>,
      %broadcast_in_dim3A_103 = arith.constant 0.000000e+00 : f32
      %broadcast_in_dim3A_104 = vector.broadcast %broadcast_in_dim3A_103 : f32 to vector<16x1xf32>
      %swap3A_105 = arith.constant 0 : index
      %swap3A_106 = arith.constant 0 : index
      %swap3A_107 = vector.load %arg10[%swap3A_105, %swap3A_106] : memref<16x1xf32, #tpu.memory_space<vmem>>, vector<16x1xf32>
      tpu.vector_store %arg10[%swap3A_105, %swap3A_106], %broadcast_in_dim3A_104 {strides = array<i32>} : memref<16x1xf32, #tpu.memory_space<vmem>>, vector<16x1xf32>,
    } else {
    }
    %get3A = arith.constant 0 : index
    %get3A_2 = arith.constant 0 : index
    %get3A_3 = vector.load %arg2[%get3A, %get3A_2] : memref<4096x128xf32, #tpu.memory_space<vmem>>, vector<4096x128xf32>
    %get3A_4 = arith.constant 0 : index
    %get3A_5 = arith.constant 0 : index
    %get3A_6 = vector.load %arg1[%get3A_4, %get3A_5] : memref<16x128xf32, #tpu.memory_space<vmem>>, vector<16x128xf32>
    %convert_element_type3A_7 = arith.truncf %get3A_6 : vector<16x128xf32> to vector<16x128xbf16>
    %convert_element_type3A_8 = arith.extf %convert_element_type3A_7 : vector<16x128xbf16> to vector<16x128xf32>
    %sub3A = arith.subf %get3A_6, %convert_element_type3A_8 : vector<16x128xf32>
    %convert_element_type3A_9 = arith.truncf %sub3A : vector<16x128xf32> to vector<16x128xbf16>
    %convert_element_type3A_10 = arith.truncf %get3A_3 : vector<4096x128xf32> to vector<4096x128xbf16>
    %convert_element_type3A_11 = arith.extf %convert_element_type3A_10 : vector<4096x128xbf16> to vector<4096x128xf32>
    %sub3A_12 = arith.subf %get3A_3, %convert_element_type3A_11 : vector<4096x128xf32>
    %convert_element_type3A_13 = arith.truncf %sub3A_12 : vector<4096x128xf32> to vector<4096x128xbf16>
    %dot_general3A = arith.constant dense<0.000000e+00> : vector<16x4096xf32>
    %dot_general3A_14 = tpu.matmul %convert_element_type3A_7, %convert_element_type3A_10, %dot_general3A {dimension_numbers = #tpu.dot_dimension_numbers<[1], [1], [0], [0], [0, 0, 1, 0], [], []>, transpose_lhs_hint = false} : vector<16x128xbf16>, vector<4096x128xbf16>, vector<16x4096xf32> -> vector<16x4096xf32>
    %dot_general3A_15 = arith.constant dense<0.000000e+00> : vector<16x4096xf32>
    %dot_general3A_16 = tpu.matmul %convert_element_type3A_7, %convert_element_type3A_13, %dot_general3A_15 {dimension_numbers = #tpu.dot_dimension_numbers<[1], [1], [0], [0], [0, 0, 1, 0], [], []>, transpose_lhs_hint = false} : vector<16x128xbf16>, vector<4096x128xbf16>, vector<16x4096xf32> -> vector<16x4096xf32>
    %dot_general3A_17 = arith.constant dense<0.000000e+00> : vector<16x4096xf32>
    %dot_general3A_18 = tpu.matmul %convert_element_type3A_9, %convert_element_type3A_10, %dot_general3A_17 {dimension_numbers = #tpu.dot_dimension_numbers<[1], [1], [0], [0], [0, 0, 1, 0], [], []>, transpose_lhs_hint = false} : vector<16x128xbf16>, vector<4096x128xbf16>, vector<16x4096xf32> -> vector<16x4096xf32>
    %add3A = arith.addf %dot_general3A_16, %dot_general3A_18 : vector<16x4096xf32>
    %add3A_19 = arith.addf %dot_general3A_14, %add3A : vector<16x4096xf32>
    %iota3A = tpu.iota {dimensions = array<i32: 0>} : vector<16x1xi32>
    %get3A_20 = arith.constant 0 : index
    %get3A_21 = arith.constant 0 : index
    %get3A_22 = arith.constant 0 : index
    %get3A_23 = vector.load %arg3[%get3A_20, %get3A_21, %get3A_22] : memref<1x1x4096xi32, #tpu.memory_space<vmem>>, vector<1x1x4096xi32>
    %get3A_24 = vector.shape_cast %get3A_23 : vector<1x1x4096xi32> to vector<1x4096xi32>
    %shift_right_logical3A = vector.broadcast %get3A_24 : vector<1x4096xi32> to vector<16x4096xi32>
    %shift_right_logical3A_25 = vector.broadcast %iota3A : vector<16x1xi32> to vector<16x4096xi32>
    %shift_right_logical3A_26 = arith.shrui %shift_right_logical3A, %shift_right_logical3A_25 : vector<16x4096xi32>
    %and3A = arith.constant 1 : i32
    %and3A_27 = vector.broadcast %and3A : i32 to vector<16x4096xi32>
    %and3A_28 = arith.andi %shift_right_logical3A_26, %and3A_27 : vector<16x4096xi32>
    %gt3A = arith.constant 0 : i32
    %gt3A_29 = vector.broadcast %gt3A : i32 to vector<16x4096xi32>
    %gt3A_30 = arith.cmpi sgt, %and3A_28, %gt3A_29 : vector<16x4096xi32>
    %get3A_31 = arith.constant 0 : index
    %get3A_32 = arith.constant 0 : index
    %get3A_33 = arith.constant 0 : index
    %get3A_34 = vector.load %arg4[%get3A_31, %get3A_32, %get3A_33] : memref<1x1x4096xi32, #tpu.memory_space<vmem>>, vector<1x1x4096xi32>
    %get3A_35 = vector.shape_cast %get3A_34 : vector<1x1x4096xi32> to vector<1x4096xi32>
    %shift_right_logical3A_36 = vector.broadcast %get3A_35 : vector<1x4096xi32> to vector<16x4096xi32>
    %shift_right_logical3A_37 = vector.broadcast %iota3A : vector<16x1xi32> to vector<16x4096xi32>
    %shift_right_logical3A_38 = arith.shrui %shift_right_logical3A_36, %shift_right_logical3A_37 : vector<16x4096xi32>
    %and3A_39 = arith.constant 1 : i32
    %and3A_40 = vector.broadcast %and3A_39 : i32 to vector<16x4096xi32>
    %and3A_41 = arith.andi %shift_right_logical3A_38, %and3A_40 : vector<16x4096xi32>
    %eq3A_42 = arith.constant 0 : i32
    %eq3A_43 = vector.broadcast %eq3A_42 : i32 to vector<16x4096xi32>
    %eq3A_44 = arith.cmpi eq, %and3A_41, %eq3A_43 : vector<16x4096xi32>
    %jit3A = arith.constant 0x7F800000 : f32
    %broadcast_in_dim3A = vector.broadcast %jit3A : f32 to vector<16x4096xf32>
    %select_n3A = arith.select %gt3A_30, %add3A_19, %broadcast_in_dim3A : vector<16x4096xi1>, vector<16x4096xf32>
    %jit3A_45 = arith.constant 0xFF800000 : f32
    %broadcast_in_dim3A_46 = vector.broadcast %jit3A_45 : f32 to vector<16x4096xf32>
    %select_n3A_47 = arith.select %eq3A_44, %add3A_19, %broadcast_in_dim3A_46 : vector<16x4096xi1>, vector<16x4096xf32>
    %mul3A = arith.constant 4096 : i32
    %mul3A_48 = arith.muli %arg0, %mul3A : i32
    %swap3A = arith.constant 0 : index
    %swap3A_49 = arith.index_cast %mul3A_48 : i32 to index
    %swap3A_50 = vector.load %arg6[%swap3A, %swap3A_49] : memref<16x65536xf32, #tpu.memory_space<vmem>>, vector<16x4096xf32>
    tpu.vector_store %arg6[%swap3A, %swap3A_49], %select_n3A {strides = array<i32>} : memref<16x65536xf32, #tpu.memory_space<vmem>>, vector<16x4096xf32>,
    %mul3A_51 = arith.constant 4096 : i32
    %mul3A_52 = arith.muli %arg0, %mul3A_51 : i32
    %swap3A_53 = arith.constant 0 : index
    %swap3A_54 = arith.index_cast %mul3A_52 : i32 to index
    %swap3A_55 = vector.load %arg7[%swap3A_53, %swap3A_54] : memref<16x65536xf32, #tpu.memory_space<vmem>>, vector<16x4096xf32>
    tpu.vector_store %arg7[%swap3A_53, %swap3A_54], %select_n3A_47 {strides = array<i32>} : memref<16x65536xf32, #tpu.memory_space<vmem>>, vector<16x4096xf32>,
    %get3A_56 = arith.constant 0 : index
    %get3A_57 = arith.constant 0 : index
    %get3A_58 = vector.load %arg8[%get3A_56, %get3A_57] : memref<16x1xf32, #tpu.memory_space<vmem>>, vector<16x1xf32>
    %jit3A_59 = arith.constant 0xFF800000 : f32
    %broadcast_in_dim3A_60 = vector.broadcast %jit3A_59 : f32 to vector<16x4096xf32>
    %select_n3A_61 = arith.select %gt3A_30, %add3A_19, %broadcast_in_dim3A_60 : vector<16x4096xi1>, vector<16x4096xf32>
    %reduce_max3A = arith.constant dense<0xFF800000> : vector<16xf32>
    %reduce_max3A_62 = vector.multi_reduction <maximumf>, %select_n3A_61, %reduce_max3A [1] : vector<16x4096xf32> to vector<16xf32>
    %broadcast_in_dim3A_63 = vector.shape_cast %reduce_max3A_62 : vector<16xf32> to vector<16x1xf32>
    %max3A = arith.maximumf %get3A_58, %broadcast_in_dim3A_63 : vector<16x1xf32>
    %swap3A_64 = arith.constant 0 : index
    %swap3A_65 = arith.constant 0 : index
    %swap3A_66 = vector.load %arg8[%swap3A_64, %swap3A_65] : memref<16x1xf32, #tpu.memory_space<vmem>>, vector<16x1xf32>
    tpu.vector_store %arg8[%swap3A_64, %swap3A_65], %max3A {strides = array<i32>} : memref<16x1xf32, #tpu.memory_space<vmem>>, vector<16x1xf32>,
    %get3A_67 = arith.constant 0 : index
    %get3A_68 = arith.constant 0 : index
    %get3A_69 = vector.load %arg9[%get3A_67, %get3A_68] : memref<16x1xf32, #tpu.memory_space<vmem>>, vector<16x1xf32>
    %reduce_max3A_70 = arith.constant dense<0xFF800000> : vector<16xf32>
    %reduce_max3A_71 = vector.multi_reduction <maximumf>, %select_n3A_47, %reduce_max3A_70 [1] : vector<16x4096xf32> to vector<16xf32>
    %broadcast_in_dim3A_72 = vector.shape_cast %reduce_max3A_71 : vector<16xf32> to vector<16x1xf32>
    %max3A_73 = arith.maximumf %get3A_69, %broadcast_in_dim3A_72 : vector<16x1xf32>
    %swap3A_74 = arith.constant 0 : index
    %swap3A_75 = arith.constant 0 : index
    %swap3A_76 = vector.load %arg9[%swap3A_74, %swap3A_75] : memref<16x1xf32, #tpu.memory_space<vmem>>, vector<16x1xf32>
    tpu.vector_store %arg9[%swap3A_74, %swap3A_75], %max3A_73 {strides = array<i32>} : memref<16x1xf32, #tpu.memory_space<vmem>>, vector<16x1xf32>,
    %get3A_77 = arith.constant 0 : index
    %get3A_78 = arith.constant 0 : index
    %get3A_79 = vector.load %arg10[%get3A_77, %get3A_78] : memref<16x1xf32, #tpu.memory_space<vmem>>, vector<16x1xf32>
    %convert_element_type3A_80 = arith.extui %gt3A_30 : vector<16x4096xi1> to vector<16x4096xi32>
    %convert_element_type3A_81 = arith.sitofp %convert_element_type3A_80 : vector<16x4096xi32> to vector<16x4096xf32>
    %reduce_sum3A = arith.constant dense<0.000000e+00> : vector<16xf32>
    %reduce_sum3A_82 = vector.multi_reduction <add>, %convert_element_type3A_81, %reduce_sum3A [1] : vector<16x4096xf32> to vector<16xf32>
    %broadcast_in_dim3A_83 = vector.shape_cast %reduce_sum3A_82 : vector<16xf32> to vector<16x1xf32>
    %add3A_84 = arith.addf %get3A_79, %broadcast_in_dim3A_83 : vector<16x1xf32>
    %swap3A_85 = arith.constant 0 : index
    %swap3A_86 = arith.constant 0 : index
    %swap3A_87 = vector.load %arg10[%swap3A_85, %swap3A_86] : memref<16x1xf32, #tpu.memory_space<vmem>>, vector<16x1xf32>
    tpu.vector_store %arg10[%swap3A_85, %swap3A_86], %add3A_84 {strides = array<i32>} : memref<16x1xf32, #tpu.memory_space<vmem>>, vector<16x1xf32>,
    %eq3A_88 = arith.constant 15 : i32
    %eq3A_89 = arith.cmpi eq, %arg0, %eq3A_88 : i32
    %convert_element_type3A_90 = arith.extui %eq3A_89 : i1 to i32
    %cond3A_91 = arith.constant 0 : i32
    %cond3A_92 = arith.cmpi ne, %convert_element_type3A_90, %cond3A_91 : i32
    scf.if %cond3A_92 {
      %get3A_93 = arith.constant 0 : index
      %get3A_94 = arith.constant 0 : index
      %get3A_95 = vector.load %arg8[%get3A_93, %get3A_94] : memref<16x1xf32, #tpu.memory_space<vmem>>, vector<16x1xf32>
      %get3A_96 = arith.constant 0 : index
      %get3A_97 = arith.constant 0 : index
      %get3A_98 = vector.load %arg9[%get3A_96, %get3A_97] : memref<16x1xf32, #tpu.memory_space<vmem>>, vector<16x1xf32>
      %get3A_99 = arith.constant 0 : index
      %get3A_100 = arith.constant 0 : index
      %get3A_101 = vector.load %arg10[%get3A_99, %get3A_100] : memref<16x1xf32, #tpu.memory_space<vmem>>, vector<16x1xf32>
      %add3A_102 = arith.constant 1.000000e-01 : f32
      %add3A_103 = vector.broadcast %add3A_102 : f32 to vector<16x1xf32>
      %add3A_104 = arith.addf %get3A_98, %add3A_103 : vector<16x1xf32>
      %max3A_105 = arith.constant 4.000000e-01 : f32
      %max3A_106 = vector.broadcast %max3A_105 : f32 to vector<16x1xf32>
      %max3A_107 = arith.maximumf %max3A_106, %get3A_95 : vector<16x1xf32>
      %sub3A_108 = arith.constant 1.000000e-01 : f32
      %sub3A_109 = vector.broadcast %sub3A_108 : f32 to vector<16x1xf32>
      %sub3A_110 = arith.subf %max3A_107, %sub3A_109 : vector<16x1xf32>
      %broadcast_in_dim3A_111 = arith.constant 0.000000e+00 : f32
      %broadcast_in_dim3A_112 = vector.broadcast %broadcast_in_dim3A_111 : f32 to vector<16x1xf32>
      %get3A_113 = arith.constant 0 : index
      %get3A_114 = arith.constant 0 : index
      %get3A_115 = vector.load %arg6[%get3A_113, %get3A_114] : memref<16x65536xf32, #tpu.memory_space<vmem>>, vector<16x4096xf32>
      %get3A_116 = arith.constant 0 : index
      %get3A_117 = arith.constant 0 : index
      %get3A_118 = vector.load %arg7[%get3A_116, %get3A_117] : memref<16x65536xf32, #tpu.memory_space<vmem>>, vector<16x4096xf32>
      %lt3A = vector.broadcast %add3A_104 : vector<16x1xf32> to vector<16x4096xf32>
      %lt3A_119 = arith.cmpf olt, %get3A_115, %lt3A : vector<16x4096xf32>
      %gt3A_120 = vector.broadcast %sub3A_110 : vector<16x1xf32> to vector<16x4096xf32>
      %gt3A_121 = arith.cmpf ogt, %get3A_118, %gt3A_120 : vector<16x4096xf32>
      %convert_element_type3A_122 = arith.extui %lt3A_119 : vector<16x4096xi1> to vector<16x4096xi32>
      %convert_element_type3A_123 = arith.sitofp %convert_element_type3A_122 : vector<16x4096xi32> to vector<16x4096xf32>
      %reduce_sum3A_124 = arith.constant dense<0.000000e+00> : vector<16xf32>
      %reduce_sum3A_125 = vector.multi_reduction <add>, %convert_element_type3A_123, %reduce_sum3A_124 [1] : vector<16x4096xf32> to vector<16xf32>
      %broadcast_in_dim3A_126 = vector.shape_cast %reduce_sum3A_125 : vector<16xf32> to vector<16x1xf32>
      %add3A_127 = arith.addf %broadcast_in_dim3A_112, %broadcast_in_dim3A_126 : vector<16x1xf32>
      %sub3A_128 = arith.constant 1.000000e+00 : f32
      %sub3A_129 = vector.broadcast %sub3A_128 : f32 to vector<16x4096xf32>
      %sub3A_130 = arith.subf %sub3A_129, %get3A_115 : vector<16x4096xf32>
      %jit3A_131 = arith.constant 0.000000e+00 : f32
      %broadcast_in_dim3A_132 = vector.broadcast %jit3A_131 : f32 to vector<16x4096xf32>
      %select_n3A_133 = arith.select %lt3A_119, %sub3A_130, %broadcast_in_dim3A_132 : vector<16x4096xi1>, vector<16x4096xf32>
      %reduce_sum3A_134 = arith.constant dense<0.000000e+00> : vector<16xf32>
      %reduce_sum3A_135 = vector.multi_reduction <add>, %select_n3A_133, %reduce_sum3A_134 [1] : vector<16x4096xf32> to vector<16xf32>
      %broadcast_in_dim3A_136 = vector.shape_cast %reduce_sum3A_135 : vector<16xf32> to vector<16x1xf32>
      %add3A_137 = arith.addf %broadcast_in_dim3A_112, %broadcast_in_dim3A_136 : vector<16x1xf32>
      %convert_element_type3A_138 = arith.extui %gt3A_121 : vector<16x4096xi1> to vector<16x4096xi32>
      %convert_element_type3A_139 = arith.sitofp %convert_element_type3A_138 : vector<16x4096xi32> to vector<16x4096xf32>
      %reduce_sum3A_140 = arith.constant dense<0.000000e+00> : vector<16xf32>
      %reduce_sum3A_141 = vector.multi_reduction <add>, %convert_element_type3A_139, %reduce_sum3A_140 [1] : vector<16x4096xf32> to vector<16xf32>
      %broadcast_in_dim3A_142 = vector.shape_cast %reduce_sum3A_141 : vector<16xf32> to vector<16x1xf32>
      %add3A_143 = arith.addf %broadcast_in_dim3A_112, %broadcast_in_dim3A_142 : vector<16x1xf32>
      %jit3A_144 = arith.constant 0.000000e+00 : f32
      %broadcast_in_dim3A_145 = vector.broadcast %jit3A_144 : f32 to vector<16x4096xf32>
      %select_n3A_146 = arith.select %gt3A_121, %get3A_118, %broadcast_in_dim3A_145 : vector<16x4096xi1>, vector<16x4096xf32>
      %reduce_sum3A_147 = arith.constant dense<0.000000e+00> : vector<16xf32>
      %reduce_sum3A_148 = vector.multi_reduction <add>, %select_n3A_146, %reduce_sum3A_147 [1] : vector<16x4096xf32> to vector<16xf32>
      %broadcast_in_dim3A_149 = vector.shape_cast %reduce_sum3A_148 : vector<16xf32> to vector<16x1xf32>
      %add3A_150 = arith.addf %broadcast_in_dim3A_112, %broadcast_in_dim3A_149 : vector<16x1xf32>
      %get3A_151 = arith.constant 0 : index
      %get3A_152 = arith.constant 4096 : index
      %get3A_153 = vector.load %arg6[%get3A_151, %get3A_152] : memref<16x65536xf32, #tpu.memory_space<vmem>>, vector<16x4096xf32>
      %get3A_154 = arith.constant 0 : index
      %get3A_155 = arith.constant 4096 : index
      %get3A_156 = vector.load %arg7[%get3A_154, %get3A_155] : memref<16x65536xf32, #tpu.memory_space<vmem>>, vector<16x4096xf32>
      %lt3A_157 = vector.broadcast %add3A_104 : vector<16x1xf32> to vector<16x4096xf32>
      %lt3A_158 = arith.cmpf olt, %get3A_153, %lt3A_157 : vector<16x4096xf32>
      %gt3A_159 = vector.broadcast %sub3A_110 : vector<16x1xf32> to vector<16x4096xf32>
      %gt3A_160 = arith.cmpf ogt, %get3A_156, %gt3A_159 : vector<16x4096xf32>
      %convert_element_type3A_161 = arith.extui %lt3A_158 : vector<16x4096xi1> to vector<16x4096xi32>
      %convert_element_type3A_162 = arith.sitofp %convert_element_type3A_161 : vector<16x4096xi32> to vector<16x4096xf32>
      %reduce_sum3A_163 = arith.constant dense<0.000000e+00> : vector<16xf32>
      %reduce_sum3A_164 = vector.multi_reduction <add>, %convert_element_type3A_162, %reduce_sum3A_163 [1] : vector<16x4096xf32> to vector<16xf32>
      %broadcast_in_dim3A_165 = vector.shape_cast %reduce_sum3A_164 : vector<16xf32> to vector<16x1xf32>
      %add3A_166 = arith.addf %add3A_127, %broadcast_in_dim3A_165 : vector<16x1xf32>
      %sub3A_167 = arith.constant 1.000000e+00 : f32
      %sub3A_168 = vector.broadcast %sub3A_167 : f32 to vector<16x4096xf32>
      %sub3A_169 = arith.subf %sub3A_168, %get3A_153 : vector<16x4096xf32>
      %jit3A_170 = arith.constant 0.000000e+00 : f32
      %broadcast_in_dim3A_171 = vector.broadcast %jit3A_170 : f32 to vector<16x4096xf32>
      %select_n3A_172 = arith.select %lt3A_158, %sub3A_169, %broadcast_in_dim3A_171 : vector<16x4096xi1>, vector<16x4096xf32>
      %reduce_sum3A_173 = arith.constant dense<0.000000e+00> : vector<16xf32>
      %reduce_sum3A_174 = vector.multi_reduction <add>, %select_n3A_172, %reduce_sum3A_173 [1] : vector<16x4096xf32> to vector<16xf32>
      %broadcast_in_dim3A_175 = vector.shape_cast %reduce_sum3A_174 : vector<16xf32> to vector<16x1xf32>
      %add3A_176 = arith.addf %add3A_137, %broadcast_in_dim3A_175 : vector<16x1xf32>
      %convert_element_type3A_177 = arith.extui %gt3A_160 : vector<16x4096xi1> to vector<16x4096xi32>
      %convert_element_type3A_178 = arith.sitofp %convert_element_type3A_177 : vector<16x4096xi32> to vector<16x4096xf32>
      %reduce_sum3A_179 = arith.constant dense<0.000000e+00> : vector<16xf32>
      %reduce_sum3A_180 = vector.multi_reduction <add>, %convert_element_type3A_178, %reduce_sum3A_179 [1] : vector<16x4096xf32> to vector<16xf32>
      %broadcast_in_dim3A_181 = vector.shape_cast %reduce_sum3A_180 : vector<16xf32> to vector<16x1xf32>
      %add3A_182 = arith.addf %add3A_143, %broadcast_in_dim3A_181 : vector<16x1xf32>
      %jit3A_183 = arith.constant 0.000000e+00 : f32
      %broadcast_in_dim3A_184 = vector.broadcast %jit3A_183 : f32 to vector<16x4096xf32>
      %select_n3A_185 = arith.select %gt3A_160, %get3A_156, %broadcast_in_dim3A_184 : vector<16x4096xi1>, vector<16x4096xf32>
      %reduce_sum3A_186 = arith.constant dense<0.000000e+00> : vector<16xf32>
      %reduce_sum3A_187 = vector.multi_reduction <add>, %select_n3A_185, %reduce_sum3A_186 [1] : vector<16x4096xf32> to vector<16xf32>
      %broadcast_in_dim3A_188 = vector.shape_cast %reduce_sum3A_187 : vector<16xf32> to vector<16x1xf32>
      %add3A_189 = arith.addf %add3A_150, %broadcast_in_dim3A_188 : vector<16x1xf32>
      %get3A_190 = arith.constant 0 : index
      %get3A_191 = arith.constant 8192 : index
      %get3A_192 = vector.load %arg6[%get3A_190, %get3A_191] : memref<16x65536xf32, #tpu.memory_space<vmem>>, vector<16x4096xf32>
      %get3A_193 = arith.constant 0 : index
      %get3A_194 = arith.constant 8192 : index
      %get3A_195 = vector.load %arg7[%get3A_193, %get3A_194] : memref<16x65536xf32, #tpu.memory_space<vmem>>, vector<16x4096xf32>
      %lt3A_196 = vector.broadcast %add3A_104 : vector<16x1xf32> to vector<16x4096xf32>
      %lt3A_197 = arith.cmpf olt, %get3A_192, %lt3A_196 : vector<16x4096xf32>
      %gt3A_198 = vector.broadcast %sub3A_110 : vector<16x1xf32> to vector<16x4096xf32>
      %gt3A_199 = arith.cmpf ogt, %get3A_195, %gt3A_198 : vector<16x4096xf32>
      %convert_element_type3A_200 = arith.extui %lt3A_197 : vector<16x4096xi1> to vector<16x4096xi32>
      %convert_element_type3A_201 = arith.sitofp %convert_element_type3A_200 : vector<16x4096xi32> to vector<16x4096xf32>
      %reduce_sum3A_202 = arith.constant dense<0.000000e+00> : vector<16xf32>
      %reduce_sum3A_203 = vector.multi_reduction <add>, %convert_element_type3A_201, %reduce_sum3A_202 [1] : vector<16x4096xf32> to vector<16xf32>
      %broadcast_in_dim3A_204 = vector.shape_cast %reduce_sum3A_203 : vector<16xf32> to vector<16x1xf32>
      %add3A_205 = arith.addf %add3A_166, %broadcast_in_dim3A_204 : vector<16x1xf32>
      %sub3A_206 = arith.constant 1.000000e+00 : f32
      %sub3A_207 = vector.broadcast %sub3A_206 : f32 to vector<16x4096xf32>
      %sub3A_208 = arith.subf %sub3A_207, %get3A_192 : vector<16x4096xf32>
      %jit3A_209 = arith.constant 0.000000e+00 : f32
      %broadcast_in_dim3A_210 = vector.broadcast %jit3A_209 : f32 to vector<16x4096xf32>
      %select_n3A_211 = arith.select %lt3A_197, %sub3A_208, %broadcast_in_dim3A_210 : vector<16x4096xi1>, vector<16x4096xf32>
      %reduce_sum3A_212 = arith.constant dense<0.000000e+00> : vector<16xf32>
      %reduce_sum3A_213 = vector.multi_reduction <add>, %select_n3A_211, %reduce_sum3A_212 [1] : vector<16x4096xf32> to vector<16xf32>
      %broadcast_in_dim3A_214 = vector.shape_cast %reduce_sum3A_213 : vector<16xf32> to vector<16x1xf32>
      %add3A_215 = arith.addf %add3A_176, %broadcast_in_dim3A_214 : vector<16x1xf32>
      %convert_element_type3A_216 = arith.extui %gt3A_199 : vector<16x4096xi1> to vector<16x4096xi32>
      %convert_element_type3A_217 = arith.sitofp %convert_element_type3A_216 : vector<16x4096xi32> to vector<16x4096xf32>
      %reduce_sum3A_218 = arith.constant dense<0.000000e+00> : vector<16xf32>
      %reduce_sum3A_219 = vector.multi_reduction <add>, %convert_element_type3A_217, %reduce_sum3A_218 [1] : vector<16x4096xf32> to vector<16xf32>
      %broadcast_in_dim3A_220 = vector.shape_cast %reduce_sum3A_219 : vector<16xf32> to vector<16x1xf32>
      %add3A_221 = arith.addf %add3A_182, %broadcast_in_dim3A_220 : vector<16x1xf32>
      %jit3A_222 = arith.constant 0.000000e+00 : f32
      %broadcast_in_dim3A_223 = vector.broadcast %jit3A_222 : f32 to vector<16x4096xf32>
      %select_n3A_224 = arith.select %gt3A_199, %get3A_195, %broadcast_in_dim3A_223 : vector<16x4096xi1>, vector<16x4096xf32>
      %reduce_sum3A_225 = arith.constant dense<0.000000e+00> : vector<16xf32>
      %reduce_sum3A_226 = vector.multi_reduction <add>, %select_n3A_224, %reduce_sum3A_225 [1] : vector<16x4096xf32> to vector<16xf32>
      %broadcast_in_dim3A_227 = vector.shape_cast %reduce_sum3A_226 : vector<16xf32> to vector<16x1xf32>
      %add3A_228 = arith.addf %add3A_189, %broadcast_in_dim3A_227 : vector<16x1xf32>
      %get3A_229 = arith.constant 0 : index
      %get3A_230 = arith.constant 12288 : index
      %get3A_231 = vector.load %arg6[%get3A_229, %get3A_230] : memref<16x65536xf32, #tpu.memory_space<vmem>>, vector<16x4096xf32>
      %get3A_232 = arith.constant 0 : index
      %get3A_233 = arith.constant 12288 : index
      %get3A_234 = vector.load %arg7[%get3A_232, %get3A_233] : memref<16x65536xf32, #tpu.memory_space<vmem>>, vector<16x4096xf32>
      %lt3A_235 = vector.broadcast %add3A_104 : vector<16x1xf32> to vector<16x4096xf32>
      %lt3A_236 = arith.cmpf olt, %get3A_231, %lt3A_235 : vector<16x4096xf32>
      %gt3A_237 = vector.broadcast %sub3A_110 : vector<16x1xf32> to vector<16x4096xf32>
      %gt3A_238 = arith.cmpf ogt, %get3A_234, %gt3A_237 : vector<16x4096xf32>
      %convert_element_type3A_239 = arith.extui %lt3A_236 : vector<16x4096xi1> to vector<16x4096xi32>
      %convert_element_type3A_240 = arith.sitofp %convert_element_type3A_239 : vector<16x4096xi32> to vector<16x4096xf32>
      %reduce_sum3A_241 = arith.constant dense<0.000000e+00> : vector<16xf32>
      %reduce_sum3A_242 = vector.multi_reduction <add>, %convert_element_type3A_240, %reduce_sum3A_241 [1] : vector<16x4096xf32> to vector<16xf32>
      %broadcast_in_dim3A_243 = vector.shape_cast %reduce_sum3A_242 : vector<16xf32> to vector<16x1xf32>
      %add3A_244 = arith.addf %add3A_205, %broadcast_in_dim3A_243 : vector<16x1xf32>
      %sub3A_245 = arith.constant 1.000000e+00 : f32
      %sub3A_246 = vector.broadcast %sub3A_245 : f32 to vector<16x4096xf32>
      %sub3A_247 = arith.subf %sub3A_246, %get3A_231 : vector<16x4096xf32>
      %jit3A_248 = arith.constant 0.000000e+00 : f32
      %broadcast_in_dim3A_249 = vector.broadcast %jit3A_248 : f32 to vector<16x4096xf32>
      %select_n3A_250 = arith.select %lt3A_236, %sub3A_247, %broadcast_in_dim3A_249 : vector<16x4096xi1>, vector<16x4096xf32>
      %reduce_sum3A_251 = arith.constant dense<0.000000e+00> : vector<16xf32>
      %reduce_sum3A_252 = vector.multi_reduction <add>, %select_n3A_250, %reduce_sum3A_251 [1] : vector<16x4096xf32> to vector<16xf32>
      %broadcast_in_dim3A_253 = vector.shape_cast %reduce_sum3A_252 : vector<16xf32> to vector<16x1xf32>
      %add3A_254 = arith.addf %add3A_215, %broadcast_in_dim3A_253 : vector<16x1xf32>
      %convert_element_type3A_255 = arith.extui %gt3A_238 : vector<16x4096xi1> to vector<16x4096xi32>
      %convert_element_type3A_256 = arith.sitofp %convert_element_type3A_255 : vector<16x4096xi32> to vector<16x4096xf32>
      %reduce_sum3A_257 = arith.constant dense<0.000000e+00> : vector<16xf32>
      %reduce_sum3A_258 = vector.multi_reduction <add>, %convert_element_type3A_256, %reduce_sum3A_257 [1] : vector<16x4096xf32> to vector<16xf32>
      %broadcast_in_dim3A_259 = vector.shape_cast %reduce_sum3A_258 : vector<16xf32> to vector<16x1xf32>
      %add3A_260 = arith.addf %add3A_221, %broadcast_in_dim3A_259 : vector<16x1xf32>
      %jit3A_261 = arith.constant 0.000000e+00 : f32
      %broadcast_in_dim3A_262 = vector.broadcast %jit3A_261 : f32 to vector<16x4096xf32>
      %select_n3A_263 = arith.select %gt3A_238, %get3A_234, %broadcast_in_dim3A_262 : vector<16x4096xi1>, vector<16x4096xf32>
      %reduce_sum3A_264 = arith.constant dense<0.000000e+00> : vector<16xf32>
      %reduce_sum3A_265 = vector.multi_reduction <add>, %select_n3A_263, %reduce_sum3A_264 [1] : vector<16x4096xf32> to vector<16xf32>
      %broadcast_in_dim3A_266 = vector.shape_cast %reduce_sum3A_265 : vector<16xf32> to vector<16x1xf32>
      %add3A_267 = arith.addf %add3A_228, %broadcast_in_dim3A_266 : vector<16x1xf32>
      %get3A_268 = arith.constant 0 : index
      %get3A_269 = arith.constant 16384 : index
      %get3A_270 = vector.load %arg6[%get3A_268, %get3A_269] : memref<16x65536xf32, #tpu.memory_space<vmem>>, vector<16x4096xf32>
      %get3A_271 = arith.constant 0 : index
      %get3A_272 = arith.constant 16384 : index
      %get3A_273 = vector.load %arg7[%get3A_271, %get3A_272] : memref<16x65536xf32, #tpu.memory_space<vmem>>, vector<16x4096xf32>
      %lt3A_274 = vector.broadcast %add3A_104 : vector<16x1xf32> to vector<16x4096xf32>
      %lt3A_275 = arith.cmpf olt, %get3A_270, %lt3A_274 : vector<16x4096xf32>
      %gt3A_276 = vector.broadcast %sub3A_110 : vector<16x1xf32> to vector<16x4096xf32>
      %gt3A_277 = arith.cmpf ogt, %get3A_273, %gt3A_276 : vector<16x4096xf32>
      %convert_element_type3A_278 = arith.extui %lt3A_275 : vector<16x4096xi1> to vector<16x4096xi32>
      %convert_element_type3A_279 = arith.sitofp %convert_element_type3A_278 : vector<16x4096xi32> to vector<16x4096xf32>
      %reduce_sum3A_280 = arith.constant dense<0.000000e+00> : vector<16xf32>
      %reduce_sum3A_281 = vector.multi_reduction <add>, %convert_element_type3A_279, %reduce_sum3A_280 [1] : vector<16x4096xf32> to vector<16xf32>
      %broadcast_in_dim3A_282 = vector.shape_cast %reduce_sum3A_281 : vector<16xf32> to vector<16x1xf32>
      %add3A_283 = arith.addf %add3A_244, %broadcast_in_dim3A_282 : vector<16x1xf32>
      %sub3A_284 = arith.constant 1.000000e+00 : f32
      %sub3A_285 = vector.broadcast %sub3A_284 : f32 to vector<16x4096xf32>
      %sub3A_286 = arith.subf %sub3A_285, %get3A_270 : vector<16x4096xf32>
      %jit3A_287 = arith.constant 0.000000e+00 : f32
      %broadcast_in_dim3A_288 = vector.broadcast %jit3A_287 : f32 to vector<16x4096xf32>
      %select_n3A_289 = arith.select %lt3A_275, %sub3A_286, %broadcast_in_dim3A_288 : vector<16x4096xi1>, vector<16x4096xf32>
      %reduce_sum3A_290 = arith.constant dense<0.000000e+00> : vector<16xf32>
      %reduce_sum3A_291 = vector.multi_reduction <add>, %select_n3A_289, %reduce_sum3A_290 [1] : vector<16x4096xf32> to vector<16xf32>
      %broadcast_in_dim3A_292 = vector.shape_cast %reduce_sum3A_291 : vector<16xf32> to vector<16x1xf32>
      %add3A_293 = arith.addf %add3A_254, %broadcast_in_dim3A_292 : vector<16x1xf32>
      %convert_element_type3A_294 = arith.extui %gt3A_277 : vector<16x4096xi1> to vector<16x4096xi32>
      %convert_element_type3A_295 = arith.sitofp %convert_element_type3A_294 : vector<16x4096xi32> to vector<16x4096xf32>
      %reduce_sum3A_296 = arith.constant dense<0.000000e+00> : vector<16xf32>
      %reduce_sum3A_297 = vector.multi_reduction <add>, %convert_element_type3A_295, %reduce_sum3A_296 [1] : vector<16x4096xf32> to vector<16xf32>
      %broadcast_in_dim3A_298 = vector.shape_cast %reduce_sum3A_297 : vector<16xf32> to vector<16x1xf32>
      %add3A_299 = arith.addf %add3A_260, %broadcast_in_dim3A_298 : vector<16x1xf32>
      %jit3A_300 = arith.constant 0.000000e+00 : f32
      %broadcast_in_dim3A_301 = vector.broadcast %jit3A_300 : f32 to vector<16x4096xf32>
      %select_n3A_302 = arith.select %gt3A_277, %get3A_273, %broadcast_in_dim3A_301 : vector<16x4096xi1>, vector<16x4096xf32>
      %reduce_sum3A_303 = arith.constant dense<0.000000e+00> : vector<16xf32>
      %reduce_sum3A_304 = vector.multi_reduction <add>, %select_n3A_302, %reduce_sum3A_303 [1] : vector<16x4096xf32> to vector<16xf32>
      %broadcast_in_dim3A_305 = vector.shape_cast %reduce_sum3A_304 : vector<16xf32> to vector<16x1xf32>
      %add3A_306 = arith.addf %add3A_267, %broadcast_in_dim3A_305 : vector<16x1xf32>
      %get3A_307 = arith.constant 0 : index
      %get3A_308 = arith.constant 20480 : index
      %get3A_309 = vector.load %arg6[%get3A_307, %get3A_308] : memref<16x65536xf32, #tpu.memory_space<vmem>>, vector<16x4096xf32>
      %get3A_310 = arith.constant 0 : index
      %get3A_311 = arith.constant 20480 : index
      %get3A_312 = vector.load %arg7[%get3A_310, %get3A_311] : memref<16x65536xf32, #tpu.memory_space<vmem>>, vector<16x4096xf32>
      %lt3A_313 = vector.broadcast %add3A_104 : vector<16x1xf32> to vector<16x4096xf32>
      %lt3A_314 = arith.cmpf olt, %get3A_309, %lt3A_313 : vector<16x4096xf32>
      %gt3A_315 = vector.broadcast %sub3A_110 : vector<16x1xf32> to vector<16x4096xf32>
      %gt3A_316 = arith.cmpf ogt, %get3A_312, %gt3A_315 : vector<16x4096xf32>
      %convert_element_type3A_317 = arith.extui %lt3A_314 : vector<16x4096xi1> to vector<16x4096xi32>
      %convert_element_type3A_318 = arith.sitofp %convert_element_type3A_317 : vector<16x4096xi32> to vector<16x4096xf32>
      %reduce_sum3A_319 = arith.constant dense<0.000000e+00> : vector<16xf32>
      %reduce_sum3A_320 = vector.multi_reduction <add>, %convert_element_type3A_318, %reduce_sum3A_319 [1] : vector<16x4096xf32> to vector<16xf32>
      %broadcast_in_dim3A_321 = vector.shape_cast %reduce_sum3A_320 : vector<16xf32> to vector<16x1xf32>
      %add3A_322 = arith.addf %add3A_283, %broadcast_in_dim3A_321 : vector<16x1xf32>
      %sub3A_323 = arith.constant 1.000000e+00 : f32
      %sub3A_324 = vector.broadcast %sub3A_323 : f32 to vector<16x4096xf32>
      %sub3A_325 = arith.subf %sub3A_324, %get3A_309 : vector<16x4096xf32>
      %jit3A_326 = arith.constant 0.000000e+00 : f32
      %broadcast_in_dim3A_327 = vector.broadcast %jit3A_326 : f32 to vector<16x4096xf32>
      %select_n3A_328 = arith.select %lt3A_314, %sub3A_325, %broadcast_in_dim3A_327 : vector<16x4096xi1>, vector<16x4096xf32>
      %reduce_sum3A_329 = arith.constant dense<0.000000e+00> : vector<16xf32>
      %reduce_sum3A_330 = vector.multi_reduction <add>, %select_n3A_328, %reduce_sum3A_329 [1] : vector<16x4096xf32> to vector<16xf32>
      %broadcast_in_dim3A_331 = vector.shape_cast %reduce_sum3A_330 : vector<16xf32> to vector<16x1xf32>
      %add3A_332 = arith.addf %add3A_293, %broadcast_in_dim3A_331 : vector<16x1xf32>
      %convert_element_type3A_333 = arith.extui %gt3A_316 : vector<16x4096xi1> to vector<16x4096xi32>
      %convert_element_type3A_334 = arith.sitofp %convert_element_type3A_333 : vector<16x4096xi32> to vector<16x4096xf32>
      %reduce_sum3A_335 = arith.constant dense<0.000000e+00> : vector<16xf32>
      %reduce_sum3A_336 = vector.multi_reduction <add>, %convert_element_type3A_334, %reduce_sum3A_335 [1] : vector<16x4096xf32> to vector<16xf32>
      %broadcast_in_dim3A_337 = vector.shape_cast %reduce_sum3A_336 : vector<16xf32> to vector<16x1xf32>
      %add3A_338 = arith.addf %add3A_299, %broadcast_in_dim3A_337 : vector<16x1xf32>
      %jit3A_339 = arith.constant 0.000000e+00 : f32
      %broadcast_in_dim3A_340 = vector.broadcast %jit3A_339 : f32 to vector<16x4096xf32>
      %select_n3A_341 = arith.select %gt3A_316, %get3A_312, %broadcast_in_dim3A_340 : vector<16x4096xi1>, vector<16x4096xf32>
      %reduce_sum3A_342 = arith.constant dense<0.000000e+00> : vector<16xf32>
      %reduce_sum3A_343 = vector.multi_reduction <add>, %select_n3A_341, %reduce_sum3A_342 [1] : vector<16x4096xf32> to vector<16xf32>
      %broadcast_in_dim3A_344 = vector.shape_cast %reduce_sum3A_343 : vector<16xf32> to vector<16x1xf32>
      %add3A_345 = arith.addf %add3A_306, %broadcast_in_dim3A_344 : vector<16x1xf32>
      %get3A_346 = arith.constant 0 : index
      %get3A_347 = arith.constant 24576 : index
      %get3A_348 = vector.load %arg6[%get3A_346, %get3A_347] : memref<16x65536xf32, #tpu.memory_space<vmem>>, vector<16x4096xf32>
      %get3A_349 = arith.constant 0 : index
      %get3A_350 = arith.constant 24576 : index
      %get3A_351 = vector.load %arg7[%get3A_349, %get3A_350] : memref<16x65536xf32, #tpu.memory_space<vmem>>, vector<16x4096xf32>
      %lt3A_352 = vector.broadcast %add3A_104 : vector<16x1xf32> to vector<16x4096xf32>
      %lt3A_353 = arith.cmpf olt, %get3A_348, %lt3A_352 : vector<16x4096xf32>
      %gt3A_354 = vector.broadcast %sub3A_110 : vector<16x1xf32> to vector<16x4096xf32>
      %gt3A_355 = arith.cmpf ogt, %get3A_351, %gt3A_354 : vector<16x4096xf32>
      %convert_element_type3A_356 = arith.extui %lt3A_353 : vector<16x4096xi1> to vector<16x4096xi32>
      %convert_element_type3A_357 = arith.sitofp %convert_element_type3A_356 : vector<16x4096xi32> to vector<16x4096xf32>
      %reduce_sum3A_358 = arith.constant dense<0.000000e+00> : vector<16xf32>
      %reduce_sum3A_359 = vector.multi_reduction <add>, %convert_element_type3A_357, %reduce_sum3A_358 [1] : vector<16x4096xf32> to vector<16xf32>
      %broadcast_in_dim3A_360 = vector.shape_cast %reduce_sum3A_359 : vector<16xf32> to vector<16x1xf32>
      %add3A_361 = arith.addf %add3A_322, %broadcast_in_dim3A_360 : vector<16x1xf32>
      %sub3A_362 = arith.constant 1.000000e+00 : f32
      %sub3A_363 = vector.broadcast %sub3A_362 : f32 to vector<16x4096xf32>
      %sub3A_364 = arith.subf %sub3A_363, %get3A_348 : vector<16x4096xf32>
      %jit3A_365 = arith.constant 0.000000e+00 : f32
      %broadcast_in_dim3A_366 = vector.broadcast %jit3A_365 : f32 to vector<16x4096xf32>
      %select_n3A_367 = arith.select %lt3A_353, %sub3A_364, %broadcast_in_dim3A_366 : vector<16x4096xi1>, vector<16x4096xf32>
      %reduce_sum3A_368 = arith.constant dense<0.000000e+00> : vector<16xf32>
      %reduce_sum3A_369 = vector.multi_reduction <add>, %select_n3A_367, %reduce_sum3A_368 [1] : vector<16x4096xf32> to vector<16xf32>
      %broadcast_in_dim3A_370 = vector.shape_cast %reduce_sum3A_369 : vector<16xf32> to vector<16x1xf32>
      %add3A_371 = arith.addf %add3A_332, %broadcast_in_dim3A_370 : vector<16x1xf32>
      %convert_element_type3A_372 = arith.extui %gt3A_355 : vector<16x4096xi1> to vector<16x4096xi32>
      %convert_element_type3A_373 = arith.sitofp %convert_element_type3A_372 : vector<16x4096xi32> to vector<16x4096xf32>
      %reduce_sum3A_374 = arith.constant dense<0.000000e+00> : vector<16xf32>
      %reduce_sum3A_375 = vector.multi_reduction <add>, %convert_element_type3A_373, %reduce_sum3A_374 [1] : vector<16x4096xf32> to vector<16xf32>
      %broadcast_in_dim3A_376 = vector.shape_cast %reduce_sum3A_375 : vector<16xf32> to vector<16x1xf32>
      %add3A_377 = arith.addf %add3A_338, %broadcast_in_dim3A_376 : vector<16x1xf32>
      %jit3A_378 = arith.constant 0.000000e+00 : f32
      %broadcast_in_dim3A_379 = vector.broadcast %jit3A_378 : f32 to vector<16x4096xf32>
      %select_n3A_380 = arith.select %gt3A_355, %get3A_351, %broadcast_in_dim3A_379 : vector<16x4096xi1>, vector<16x4096xf32>
      %reduce_sum3A_381 = arith.constant dense<0.000000e+00> : vector<16xf32>
      %reduce_sum3A_382 = vector.multi_reduction <add>, %select_n3A_380, %reduce_sum3A_381 [1] : vector<16x4096xf32> to vector<16xf32>
      %broadcast_in_dim3A_383 = vector.shape_cast %reduce_sum3A_382 : vector<16xf32> to vector<16x1xf32>
      %add3A_384 = arith.addf %add3A_345, %broadcast_in_dim3A_383 : vector<16x1xf32>
      %get3A_385 = arith.constant 0 : index
      %get3A_386 = arith.constant 28672 : index
      %get3A_387 = vector.load %arg6[%get3A_385, %get3A_386] : memref<16x65536xf32, #tpu.memory_space<vmem>>, vector<16x4096xf32>
      %get3A_388 = arith.constant 0 : index
      %get3A_389 = arith.constant 28672 : index
      %get3A_390 = vector.load %arg7[%get3A_388, %get3A_389] : memref<16x65536xf32, #tpu.memory_space<vmem>>, vector<16x4096xf32>
      %lt3A_391 = vector.broadcast %add3A_104 : vector<16x1xf32> to vector<16x4096xf32>
      %lt3A_392 = arith.cmpf olt, %get3A_387, %lt3A_391 : vector<16x4096xf32>
      %gt3A_393 = vector.broadcast %sub3A_110 : vector<16x1xf32> to vector<16x4096xf32>
      %gt3A_394 = arith.cmpf ogt, %get3A_390, %gt3A_393 : vector<16x4096xf32>
      %convert_element_type3A_395 = arith.extui %lt3A_392 : vector<16x4096xi1> to vector<16x4096xi32>
      %convert_element_type3A_396 = arith.sitofp %convert_element_type3A_395 : vector<16x4096xi32> to vector<16x4096xf32>
      %reduce_sum3A_397 = arith.constant dense<0.000000e+00> : vector<16xf32>
      %reduce_sum3A_398 = vector.multi_reduction <add>, %convert_element_type3A_396, %reduce_sum3A_397 [1] : vector<16x4096xf32> to vector<16xf32>
      %broadcast_in_dim3A_399 = vector.shape_cast %reduce_sum3A_398 : vector<16xf32> to vector<16x1xf32>
      %add3A_400 = arith.addf %add3A_361, %broadcast_in_dim3A_399 : vector<16x1xf32>
      %sub3A_401 = arith.constant 1.000000e+00 : f32
      %sub3A_402 = vector.broadcast %sub3A_401 : f32 to vector<16x4096xf32>
      %sub3A_403 = arith.subf %sub3A_402, %get3A_387 : vector<16x4096xf32>
      %jit3A_404 = arith.constant 0.000000e+00 : f32
      %broadcast_in_dim3A_405 = vector.broadcast %jit3A_404 : f32 to vector<16x4096xf32>
      %select_n3A_406 = arith.select %lt3A_392, %sub3A_403, %broadcast_in_dim3A_405 : vector<16x4096xi1>, vector<16x4096xf32>
      %reduce_sum3A_407 = arith.constant dense<0.000000e+00> : vector<16xf32>
      %reduce_sum3A_408 = vector.multi_reduction <add>, %select_n3A_406, %reduce_sum3A_407 [1] : vector<16x4096xf32> to vector<16xf32>
      %broadcast_in_dim3A_409 = vector.shape_cast %reduce_sum3A_408 : vector<16xf32> to vector<16x1xf32>
      %add3A_410 = arith.addf %add3A_371, %broadcast_in_dim3A_409 : vector<16x1xf32>
      %convert_element_type3A_411 = arith.extui %gt3A_394 : vector<16x4096xi1> to vector<16x4096xi32>
      %convert_element_type3A_412 = arith.sitofp %convert_element_type3A_411 : vector<16x4096xi32> to vector<16x4096xf32>
      %reduce_sum3A_413 = arith.constant dense<0.000000e+00> : vector<16xf32>
      %reduce_sum3A_414 = vector.multi_reduction <add>, %convert_element_type3A_412, %reduce_sum3A_413 [1] : vector<16x4096xf32> to vector<16xf32>
      %broadcast_in_dim3A_415 = vector.shape_cast %reduce_sum3A_414 : vector<16xf32> to vector<16x1xf32>
      %add3A_416 = arith.addf %add3A_377, %broadcast_in_dim3A_415 : vector<16x1xf32>
      %jit3A_417 = arith.constant 0.000000e+00 : f32
      %broadcast_in_dim3A_418 = vector.broadcast %jit3A_417 : f32 to vector<16x4096xf32>
      %select_n3A_419 = arith.select %gt3A_394, %get3A_390, %broadcast_in_dim3A_418 : vector<16x4096xi1>, vector<16x4096xf32>
      %reduce_sum3A_420 = arith.constant dense<0.000000e+00> : vector<16xf32>
      %reduce_sum3A_421 = vector.multi_reduction <add>, %select_n3A_419, %reduce_sum3A_420 [1] : vector<16x4096xf32> to vector<16xf32>
      %broadcast_in_dim3A_422 = vector.shape_cast %reduce_sum3A_421 : vector<16xf32> to vector<16x1xf32>
      %add3A_423 = arith.addf %add3A_384, %broadcast_in_dim3A_422 : vector<16x1xf32>
      %get3A_424 = arith.constant 0 : index
      %get3A_425 = arith.constant 32768 : index
      %get3A_426 = vector.load %arg6[%get3A_424, %get3A_425] : memref<16x65536xf32, #tpu.memory_space<vmem>>, vector<16x4096xf32>
      %get3A_427 = arith.constant 0 : index
      %get3A_428 = arith.constant 32768 : index
      %get3A_429 = vector.load %arg7[%get3A_427, %get3A_428] : memref<16x65536xf32, #tpu.memory_space<vmem>>, vector<16x4096xf32>
      %lt3A_430 = vector.broadcast %add3A_104 : vector<16x1xf32> to vector<16x4096xf32>
      %lt3A_431 = arith.cmpf olt, %get3A_426, %lt3A_430 : vector<16x4096xf32>
      %gt3A_432 = vector.broadcast %sub3A_110 : vector<16x1xf32> to vector<16x4096xf32>
      %gt3A_433 = arith.cmpf ogt, %get3A_429, %gt3A_432 : vector<16x4096xf32>
      %convert_element_type3A_434 = arith.extui %lt3A_431 : vector<16x4096xi1> to vector<16x4096xi32>
      %convert_element_type3A_435 = arith.sitofp %convert_element_type3A_434 : vector<16x4096xi32> to vector<16x4096xf32>
      %reduce_sum3A_436 = arith.constant dense<0.000000e+00> : vector<16xf32>
      %reduce_sum3A_437 = vector.multi_reduction <add>, %convert_element_type3A_435, %reduce_sum3A_436 [1] : vector<16x4096xf32> to vector<16xf32>
      %broadcast_in_dim3A_438 = vector.shape_cast %reduce_sum3A_437 : vector<16xf32> to vector<16x1xf32>
      %add3A_439 = arith.addf %add3A_400, %broadcast_in_dim3A_438 : vector<16x1xf32>
      %sub3A_440 = arith.constant 1.000000e+00 : f32
      %sub3A_441 = vector.broadcast %sub3A_440 : f32 to vector<16x4096xf32>
      %sub3A_442 = arith.subf %sub3A_441, %get3A_426 : vector<16x4096xf32>
      %jit3A_443 = arith.constant 0.000000e+00 : f32
      %broadcast_in_dim3A_444 = vector.broadcast %jit3A_443 : f32 to vector<16x4096xf32>
      %select_n3A_445 = arith.select %lt3A_431, %sub3A_442, %broadcast_in_dim3A_444 : vector<16x4096xi1>, vector<16x4096xf32>
      %reduce_sum3A_446 = arith.constant dense<0.000000e+00> : vector<16xf32>
      %reduce_sum3A_447 = vector.multi_reduction <add>, %select_n3A_445, %reduce_sum3A_446 [1] : vector<16x4096xf32> to vector<16xf32>
      %broadcast_in_dim3A_448 = vector.shape_cast %reduce_sum3A_447 : vector<16xf32> to vector<16x1xf32>
      %add3A_449 = arith.addf %add3A_410, %broadcast_in_dim3A_448 : vector<16x1xf32>
      %convert_element_type3A_450 = arith.extui %gt3A_433 : vector<16x4096xi1> to vector<16x4096xi32>
      %convert_element_type3A_451 = arith.sitofp %convert_element_type3A_450 : vector<16x4096xi32> to vector<16x4096xf32>
      %reduce_sum3A_452 = arith.constant dense<0.000000e+00> : vector<16xf32>
      %reduce_sum3A_453 = vector.multi_reduction <add>, %convert_element_type3A_451, %reduce_sum3A_452 [1] : vector<16x4096xf32> to vector<16xf32>
      %broadcast_in_dim3A_454 = vector.shape_cast %reduce_sum3A_453 : vector<16xf32> to vector<16x1xf32>
      %add3A_455 = arith.addf %add3A_416, %broadcast_in_dim3A_454 : vector<16x1xf32>
      %jit3A_456 = arith.constant 0.000000e+00 : f32
      %broadcast_in_dim3A_457 = vector.broadcast %jit3A_456 : f32 to vector<16x4096xf32>
      %select_n3A_458 = arith.select %gt3A_433, %get3A_429, %broadcast_in_dim3A_457 : vector<16x4096xi1>, vector<16x4096xf32>
      %reduce_sum3A_459 = arith.constant dense<0.000000e+00> : vector<16xf32>
      %reduce_sum3A_460 = vector.multi_reduction <add>, %select_n3A_458, %reduce_sum3A_459 [1] : vector<16x4096xf32> to vector<16xf32>
      %broadcast_in_dim3A_461 = vector.shape_cast %reduce_sum3A_460 : vector<16xf32> to vector<16x1xf32>
      %add3A_462 = arith.addf %add3A_423, %broadcast_in_dim3A_461 : vector<16x1xf32>
      %get3A_463 = arith.constant 0 : index
      %get3A_464 = arith.constant 36864 : index
      %get3A_465 = vector.load %arg6[%get3A_463, %get3A_464] : memref<16x65536xf32, #tpu.memory_space<vmem>>, vector<16x4096xf32>
      %get3A_466 = arith.constant 0 : index
      %get3A_467 = arith.constant 36864 : index
      %get3A_468 = vector.load %arg7[%get3A_466, %get3A_467] : memref<16x65536xf32, #tpu.memory_space<vmem>>, vector<16x4096xf32>
      %lt3A_469 = vector.broadcast %add3A_104 : vector<16x1xf32> to vector<16x4096xf32>
      %lt3A_470 = arith.cmpf olt, %get3A_465, %lt3A_469 : vector<16x4096xf32>
      %gt3A_471 = vector.broadcast %sub3A_110 : vector<16x1xf32> to vector<16x4096xf32>
      %gt3A_472 = arith.cmpf ogt, %get3A_468, %gt3A_471 : vector<16x4096xf32>
      %convert_element_type3A_473 = arith.extui %lt3A_470 : vector<16x4096xi1> to vector<16x4096xi32>
      %convert_element_type3A_474 = arith.sitofp %convert_element_type3A_473 : vector<16x4096xi32> to vector<16x4096xf32>
      %reduce_sum3A_475 = arith.constant dense<0.000000e+00> : vector<16xf32>
      %reduce_sum3A_476 = vector.multi_reduction <add>, %convert_element_type3A_474, %reduce_sum3A_475 [1] : vector<16x4096xf32> to vector<16xf32>
      %broadcast_in_dim3A_477 = vector.shape_cast %reduce_sum3A_476 : vector<16xf32> to vector<16x1xf32>
      %add3A_478 = arith.addf %add3A_439, %broadcast_in_dim3A_477 : vector<16x1xf32>
      %sub3A_479 = arith.constant 1.000000e+00 : f32
      %sub3A_480 = vector.broadcast %sub3A_479 : f32 to vector<16x4096xf32>
      %sub3A_481 = arith.subf %sub3A_480, %get3A_465 : vector<16x4096xf32>
      %jit3A_482 = arith.constant 0.000000e+00 : f32
      %broadcast_in_dim3A_483 = vector.broadcast %jit3A_482 : f32 to vector<16x4096xf32>
      %select_n3A_484 = arith.select %lt3A_470, %sub3A_481, %broadcast_in_dim3A_483 : vector<16x4096xi1>, vector<16x4096xf32>
      %reduce_sum3A_485 = arith.constant dense<0.000000e+00> : vector<16xf32>
      %reduce_sum3A_486 = vector.multi_reduction <add>, %select_n3A_484, %reduce_sum3A_485 [1] : vector<16x4096xf32> to vector<16xf32>
      %broadcast_in_dim3A_487 = vector.shape_cast %reduce_sum3A_486 : vector<16xf32> to vector<16x1xf32>
      %add3A_488 = arith.addf %add3A_449, %broadcast_in_dim3A_487 : vector<16x1xf32>
      %convert_element_type3A_489 = arith.extui %gt3A_472 : vector<16x4096xi1> to vector<16x4096xi32>
      %convert_element_type3A_490 = arith.sitofp %convert_element_type3A_489 : vector<16x4096xi32> to vector<16x4096xf32>
      %reduce_sum3A_491 = arith.constant dense<0.000000e+00> : vector<16xf32>
      %reduce_sum3A_492 = vector.multi_reduction <add>, %convert_element_type3A_490, %reduce_sum3A_491 [1] : vector<16x4096xf32> to vector<16xf32>
      %broadcast_in_dim3A_493 = vector.shape_cast %reduce_sum3A_492 : vector<16xf32> to vector<16x1xf32>
      %add3A_494 = arith.addf %add3A_455, %broadcast_in_dim3A_493 : vector<16x1xf32>
      %jit3A_495 = arith.constant 0.000000e+00 : f32
      %broadcast_in_dim3A_496 = vector.broadcast %jit3A_495 : f32 to vector<16x4096xf32>
      %select_n3A_497 = arith.select %gt3A_472, %get3A_468, %broadcast_in_dim3A_496 : vector<16x4096xi1>, vector<16x4096xf32>
      %reduce_sum3A_498 = arith.constant dense<0.000000e+00> : vector<16xf32>
      %reduce_sum3A_499 = vector.multi_reduction <add>, %select_n3A_497, %reduce_sum3A_498 [1] : vector<16x4096xf32> to vector<16xf32>
      %broadcast_in_dim3A_500 = vector.shape_cast %reduce_sum3A_499 : vector<16xf32> to vector<16x1xf32>
      %add3A_501 = arith.addf %add3A_462, %broadcast_in_dim3A_500 : vector<16x1xf32>
      %get3A_502 = arith.constant 0 : index
      %get3A_503 = arith.constant 40960 : index
      %get3A_504 = vector.load %arg6[%get3A_502, %get3A_503] : memref<16x65536xf32, #tpu.memory_space<vmem>>, vector<16x4096xf32>
      %get3A_505 = arith.constant 0 : index
      %get3A_506 = arith.constant 40960 : index
      %get3A_507 = vector.load %arg7[%get3A_505, %get3A_506] : memref<16x65536xf32, #tpu.memory_space<vmem>>, vector<16x4096xf32>
      %lt3A_508 = vector.broadcast %add3A_104 : vector<16x1xf32> to vector<16x4096xf32>
      %lt3A_509 = arith.cmpf olt, %get3A_504, %lt3A_508 : vector<16x4096xf32>
      %gt3A_510 = vector.broadcast %sub3A_110 : vector<16x1xf32> to vector<16x4096xf32>
      %gt3A_511 = arith.cmpf ogt, %get3A_507, %gt3A_510 : vector<16x4096xf32>
      %convert_element_type3A_512 = arith.extui %lt3A_509 : vector<16x4096xi1> to vector<16x4096xi32>
      %convert_element_type3A_513 = arith.sitofp %convert_element_type3A_512 : vector<16x4096xi32> to vector<16x4096xf32>
      %reduce_sum3A_514 = arith.constant dense<0.000000e+00> : vector<16xf32>
      %reduce_sum3A_515 = vector.multi_reduction <add>, %convert_element_type3A_513, %reduce_sum3A_514 [1] : vector<16x4096xf32> to vector<16xf32>
      %broadcast_in_dim3A_516 = vector.shape_cast %reduce_sum3A_515 : vector<16xf32> to vector<16x1xf32>
      %add3A_517 = arith.addf %add3A_478, %broadcast_in_dim3A_516 : vector<16x1xf32>
      %sub3A_518 = arith.constant 1.000000e+00 : f32
      %sub3A_519 = vector.broadcast %sub3A_518 : f32 to vector<16x4096xf32>
      %sub3A_520 = arith.subf %sub3A_519, %get3A_504 : vector<16x4096xf32>
      %jit3A_521 = arith.constant 0.000000e+00 : f32
      %broadcast_in_dim3A_522 = vector.broadcast %jit3A_521 : f32 to vector<16x4096xf32>
      %select_n3A_523 = arith.select %lt3A_509, %sub3A_520, %broadcast_in_dim3A_522 : vector<16x4096xi1>, vector<16x4096xf32>
      %reduce_sum3A_524 = arith.constant dense<0.000000e+00> : vector<16xf32>
      %reduce_sum3A_525 = vector.multi_reduction <add>, %select_n3A_523, %reduce_sum3A_524 [1] : vector<16x4096xf32> to vector<16xf32>
      %broadcast_in_dim3A_526 = vector.shape_cast %reduce_sum3A_525 : vector<16xf32> to vector<16x1xf32>
      %add3A_527 = arith.addf %add3A_488, %broadcast_in_dim3A_526 : vector<16x1xf32>
      %convert_element_type3A_528 = arith.extui %gt3A_511 : vector<16x4096xi1> to vector<16x4096xi32>
      %convert_element_type3A_529 = arith.sitofp %convert_element_type3A_528 : vector<16x4096xi32> to vector<16x4096xf32>
      %reduce_sum3A_530 = arith.constant dense<0.000000e+00> : vector<16xf32>
      %reduce_sum3A_531 = vector.multi_reduction <add>, %convert_element_type3A_529, %reduce_sum3A_530 [1] : vector<16x4096xf32> to vector<16xf32>
      %broadcast_in_dim3A_532 = vector.shape_cast %reduce_sum3A_531 : vector<16xf32> to vector<16x1xf32>
      %add3A_533 = arith.addf %add3A_494, %broadcast_in_dim3A_532 : vector<16x1xf32>
      %jit3A_534 = arith.constant 0.000000e+00 : f32
      %broadcast_in_dim3A_535 = vector.broadcast %jit3A_534 : f32 to vector<16x4096xf32>
      %select_n3A_536 = arith.select %gt3A_511, %get3A_507, %broadcast_in_dim3A_535 : vector<16x4096xi1>, vector<16x4096xf32>
      %reduce_sum3A_537 = arith.constant dense<0.000000e+00> : vector<16xf32>
      %reduce_sum3A_538 = vector.multi_reduction <add>, %select_n3A_536, %reduce_sum3A_537 [1] : vector<16x4096xf32> to vector<16xf32>
      %broadcast_in_dim3A_539 = vector.shape_cast %reduce_sum3A_538 : vector<16xf32> to vector<16x1xf32>
      %add3A_540 = arith.addf %add3A_501, %broadcast_in_dim3A_539 : vector<16x1xf32>
      %get3A_541 = arith.constant 0 : index
      %get3A_542 = arith.constant 45056 : index
      %get3A_543 = vector.load %arg6[%get3A_541, %get3A_542] : memref<16x65536xf32, #tpu.memory_space<vmem>>, vector<16x4096xf32>
      %get3A_544 = arith.constant 0 : index
      %get3A_545 = arith.constant 45056 : index
      %get3A_546 = vector.load %arg7[%get3A_544, %get3A_545] : memref<16x65536xf32, #tpu.memory_space<vmem>>, vector<16x4096xf32>
      %lt3A_547 = vector.broadcast %add3A_104 : vector<16x1xf32> to vector<16x4096xf32>
      %lt3A_548 = arith.cmpf olt, %get3A_543, %lt3A_547 : vector<16x4096xf32>
      %gt3A_549 = vector.broadcast %sub3A_110 : vector<16x1xf32> to vector<16x4096xf32>
      %gt3A_550 = arith.cmpf ogt, %get3A_546, %gt3A_549 : vector<16x4096xf32>
      %convert_element_type3A_551 = arith.extui %lt3A_548 : vector<16x4096xi1> to vector<16x4096xi32>
      %convert_element_type3A_552 = arith.sitofp %convert_element_type3A_551 : vector<16x4096xi32> to vector<16x4096xf32>
      %reduce_sum3A_553 = arith.constant dense<0.000000e+00> : vector<16xf32>
      %reduce_sum3A_554 = vector.multi_reduction <add>, %convert_element_type3A_552, %reduce_sum3A_553 [1] : vector<16x4096xf32> to vector<16xf32>
      %broadcast_in_dim3A_555 = vector.shape_cast %reduce_sum3A_554 : vector<16xf32> to vector<16x1xf32>
      %add3A_556 = arith.addf %add3A_517, %broadcast_in_dim3A_555 : vector<16x1xf32>
      %sub3A_557 = arith.constant 1.000000e+00 : f32
      %sub3A_558 = vector.broadcast %sub3A_557 : f32 to vector<16x4096xf32>
      %sub3A_559 = arith.subf %sub3A_558, %get3A_543 : vector<16x4096xf32>
      %jit3A_560 = arith.constant 0.000000e+00 : f32
      %broadcast_in_dim3A_561 = vector.broadcast %jit3A_560 : f32 to vector<16x4096xf32>
      %select_n3A_562 = arith.select %lt3A_548, %sub3A_559, %broadcast_in_dim3A_561 : vector<16x4096xi1>, vector<16x4096xf32>
      %reduce_sum3A_563 = arith.constant dense<0.000000e+00> : vector<16xf32>
      %reduce_sum3A_564 = vector.multi_reduction <add>, %select_n3A_562, %reduce_sum3A_563 [1] : vector<16x4096xf32> to vector<16xf32>
      %broadcast_in_dim3A_565 = vector.shape_cast %reduce_sum3A_564 : vector<16xf32> to vector<16x1xf32>
      %add3A_566 = arith.addf %add3A_527, %broadcast_in_dim3A_565 : vector<16x1xf32>
      %convert_element_type3A_567 = arith.extui %gt3A_550 : vector<16x4096xi1> to vector<16x4096xi32>
      %convert_element_type3A_568 = arith.sitofp %convert_element_type3A_567 : vector<16x4096xi32> to vector<16x4096xf32>
      %reduce_sum3A_569 = arith.constant dense<0.000000e+00> : vector<16xf32>
      %reduce_sum3A_570 = vector.multi_reduction <add>, %convert_element_type3A_568, %reduce_sum3A_569 [1] : vector<16x4096xf32> to vector<16xf32>
      %broadcast_in_dim3A_571 = vector.shape_cast %reduce_sum3A_570 : vector<16xf32> to vector<16x1xf32>
      %add3A_572 = arith.addf %add3A_533, %broadcast_in_dim3A_571 : vector<16x1xf32>
      %jit3A_573 = arith.constant 0.000000e+00 : f32
      %broadcast_in_dim3A_574 = vector.broadcast %jit3A_573 : f32 to vector<16x4096xf32>
      %select_n3A_575 = arith.select %gt3A_550, %get3A_546, %broadcast_in_dim3A_574 : vector<16x4096xi1>, vector<16x4096xf32>
      %reduce_sum3A_576 = arith.constant dense<0.000000e+00> : vector<16xf32>
      %reduce_sum3A_577 = vector.multi_reduction <add>, %select_n3A_575, %reduce_sum3A_576 [1] : vector<16x4096xf32> to vector<16xf32>
      %broadcast_in_dim3A_578 = vector.shape_cast %reduce_sum3A_577 : vector<16xf32> to vector<16x1xf32>
      %add3A_579 = arith.addf %add3A_540, %broadcast_in_dim3A_578 : vector<16x1xf32>
      %get3A_580 = arith.constant 0 : index
      %get3A_581 = arith.constant 49152 : index
      %get3A_582 = vector.load %arg6[%get3A_580, %get3A_581] : memref<16x65536xf32, #tpu.memory_space<vmem>>, vector<16x4096xf32>
      %get3A_583 = arith.constant 0 : index
      %get3A_584 = arith.constant 49152 : index
      %get3A_585 = vector.load %arg7[%get3A_583, %get3A_584] : memref<16x65536xf32, #tpu.memory_space<vmem>>, vector<16x4096xf32>
      %lt3A_586 = vector.broadcast %add3A_104 : vector<16x1xf32> to vector<16x4096xf32>
      %lt3A_587 = arith.cmpf olt, %get3A_582, %lt3A_586 : vector<16x4096xf32>
      %gt3A_588 = vector.broadcast %sub3A_110 : vector<16x1xf32> to vector<16x4096xf32>
      %gt3A_589 = arith.cmpf ogt, %get3A_585, %gt3A_588 : vector<16x4096xf32>
      %convert_element_type3A_590 = arith.extui %lt3A_587 : vector<16x4096xi1> to vector<16x4096xi32>
      %convert_element_type3A_591 = arith.sitofp %convert_element_type3A_590 : vector<16x4096xi32> to vector<16x4096xf32>
      %reduce_sum3A_592 = arith.constant dense<0.000000e+00> : vector<16xf32>
      %reduce_sum3A_593 = vector.multi_reduction <add>, %convert_element_type3A_591, %reduce_sum3A_592 [1] : vector<16x4096xf32> to vector<16xf32>
      %broadcast_in_dim3A_594 = vector.shape_cast %reduce_sum3A_593 : vector<16xf32> to vector<16x1xf32>
      %add3A_595 = arith.addf %add3A_556, %broadcast_in_dim3A_594 : vector<16x1xf32>
      %sub3A_596 = arith.constant 1.000000e+00 : f32
      %sub3A_597 = vector.broadcast %sub3A_596 : f32 to vector<16x4096xf32>
      %sub3A_598 = arith.subf %sub3A_597, %get3A_582 : vector<16x4096xf32>
      %jit3A_599 = arith.constant 0.000000e+00 : f32
      %broadcast_in_dim3A_600 = vector.broadcast %jit3A_599 : f32 to vector<16x4096xf32>
      %select_n3A_601 = arith.select %lt3A_587, %sub3A_598, %broadcast_in_dim3A_600 : vector<16x4096xi1>, vector<16x4096xf32>
      %reduce_sum3A_602 = arith.constant dense<0.000000e+00> : vector<16xf32>
      %reduce_sum3A_603 = vector.multi_reduction <add>, %select_n3A_601, %reduce_sum3A_602 [1] : vector<16x4096xf32> to vector<16xf32>
      %broadcast_in_dim3A_604 = vector.shape_cast %reduce_sum3A_603 : vector<16xf32> to vector<16x1xf32>
      %add3A_605 = arith.addf %add3A_566, %broadcast_in_dim3A_604 : vector<16x1xf32>
      %convert_element_type3A_606 = arith.extui %gt3A_589 : vector<16x4096xi1> to vector<16x4096xi32>
      %convert_element_type3A_607 = arith.sitofp %convert_element_type3A_606 : vector<16x4096xi32> to vector<16x4096xf32>
      %reduce_sum3A_608 = arith.constant dense<0.000000e+00> : vector<16xf32>
      %reduce_sum3A_609 = vector.multi_reduction <add>, %convert_element_type3A_607, %reduce_sum3A_608 [1] : vector<16x4096xf32> to vector<16xf32>
      %broadcast_in_dim3A_610 = vector.shape_cast %reduce_sum3A_609 : vector<16xf32> to vector<16x1xf32>
      %add3A_611 = arith.addf %add3A_572, %broadcast_in_dim3A_610 : vector<16x1xf32>
      %jit3A_612 = arith.constant 0.000000e+00 : f32
      %broadcast_in_dim3A_613 = vector.broadcast %jit3A_612 : f32 to vector<16x4096xf32>
      %select_n3A_614 = arith.select %gt3A_589, %get3A_585, %broadcast_in_dim3A_613 : vector<16x4096xi1>, vector<16x4096xf32>
      %reduce_sum3A_615 = arith.constant dense<0.000000e+00> : vector<16xf32>
      %reduce_sum3A_616 = vector.multi_reduction <add>, %select_n3A_614, %reduce_sum3A_615 [1] : vector<16x4096xf32> to vector<16xf32>
      %broadcast_in_dim3A_617 = vector.shape_cast %reduce_sum3A_616 : vector<16xf32> to vector<16x1xf32>
      %add3A_618 = arith.addf %add3A_579, %broadcast_in_dim3A_617 : vector<16x1xf32>
      %get3A_619 = arith.constant 0 : index
      %get3A_620 = arith.constant 53248 : index
      %get3A_621 = vector.load %arg6[%get3A_619, %get3A_620] : memref<16x65536xf32, #tpu.memory_space<vmem>>, vector<16x4096xf32>
      %get3A_622 = arith.constant 0 : index
      %get3A_623 = arith.constant 53248 : index
      %get3A_624 = vector.load %arg7[%get3A_622, %get3A_623] : memref<16x65536xf32, #tpu.memory_space<vmem>>, vector<16x4096xf32>
      %lt3A_625 = vector.broadcast %add3A_104 : vector<16x1xf32> to vector<16x4096xf32>
      %lt3A_626 = arith.cmpf olt, %get3A_621, %lt3A_625 : vector<16x4096xf32>
      %gt3A_627 = vector.broadcast %sub3A_110 : vector<16x1xf32> to vector<16x4096xf32>
      %gt3A_628 = arith.cmpf ogt, %get3A_624, %gt3A_627 : vector<16x4096xf32>
      %convert_element_type3A_629 = arith.extui %lt3A_626 : vector<16x4096xi1> to vector<16x4096xi32>
      %convert_element_type3A_630 = arith.sitofp %convert_element_type3A_629 : vector<16x4096xi32> to vector<16x4096xf32>
      %reduce_sum3A_631 = arith.constant dense<0.000000e+00> : vector<16xf32>
      %reduce_sum3A_632 = vector.multi_reduction <add>, %convert_element_type3A_630, %reduce_sum3A_631 [1] : vector<16x4096xf32> to vector<16xf32>
      %broadcast_in_dim3A_633 = vector.shape_cast %reduce_sum3A_632 : vector<16xf32> to vector<16x1xf32>
      %add3A_634 = arith.addf %add3A_595, %broadcast_in_dim3A_633 : vector<16x1xf32>
      %sub3A_635 = arith.constant 1.000000e+00 : f32
      %sub3A_636 = vector.broadcast %sub3A_635 : f32 to vector<16x4096xf32>
      %sub3A_637 = arith.subf %sub3A_636, %get3A_621 : vector<16x4096xf32>
      %jit3A_638 = arith.constant 0.000000e+00 : f32
      %broadcast_in_dim3A_639 = vector.broadcast %jit3A_638 : f32 to vector<16x4096xf32>
      %select_n3A_640 = arith.select %lt3A_626, %sub3A_637, %broadcast_in_dim3A_639 : vector<16x4096xi1>, vector<16x4096xf32>
      %reduce_sum3A_641 = arith.constant dense<0.000000e+00> : vector<16xf32>
      %reduce_sum3A_642 = vector.multi_reduction <add>, %select_n3A_640, %reduce_sum3A_641 [1] : vector<16x4096xf32> to vector<16xf32>
      %broadcast_in_dim3A_643 = vector.shape_cast %reduce_sum3A_642 : vector<16xf32> to vector<16x1xf32>
      %add3A_644 = arith.addf %add3A_605, %broadcast_in_dim3A_643 : vector<16x1xf32>
      %convert_element_type3A_645 = arith.extui %gt3A_628 : vector<16x4096xi1> to vector<16x4096xi32>
      %convert_element_type3A_646 = arith.sitofp %convert_element_type3A_645 : vector<16x4096xi32> to vector<16x4096xf32>
      %reduce_sum3A_647 = arith.constant dense<0.000000e+00> : vector<16xf32>
      %reduce_sum3A_648 = vector.multi_reduction <add>, %convert_element_type3A_646, %reduce_sum3A_647 [1] : vector<16x4096xf32> to vector<16xf32>
      %broadcast_in_dim3A_649 = vector.shape_cast %reduce_sum3A_648 : vector<16xf32> to vector<16x1xf32>
      %add3A_650 = arith.addf %add3A_611, %broadcast_in_dim3A_649 : vector<16x1xf32>
      %jit3A_651 = arith.constant 0.000000e+00 : f32
      %broadcast_in_dim3A_652 = vector.broadcast %jit3A_651 : f32 to vector<16x4096xf32>
      %select_n3A_653 = arith.select %gt3A_628, %get3A_624, %broadcast_in_dim3A_652 : vector<16x4096xi1>, vector<16x4096xf32>
      %reduce_sum3A_654 = arith.constant dense<0.000000e+00> : vector<16xf32>
      %reduce_sum3A_655 = vector.multi_reduction <add>, %select_n3A_653, %reduce_sum3A_654 [1] : vector<16x4096xf32> to vector<16xf32>
      %broadcast_in_dim3A_656 = vector.shape_cast %reduce_sum3A_655 : vector<16xf32> to vector<16x1xf32>
      %add3A_657 = arith.addf %add3A_618, %broadcast_in_dim3A_656 : vector<16x1xf32>
      %get3A_658 = arith.constant 0 : index
      %get3A_659 = arith.constant 57344 : index
      %get3A_660 = vector.load %arg6[%get3A_658, %get3A_659] : memref<16x65536xf32, #tpu.memory_space<vmem>>, vector<16x4096xf32>
      %get3A_661 = arith.constant 0 : index
      %get3A_662 = arith.constant 57344 : index
      %get3A_663 = vector.load %arg7[%get3A_661, %get3A_662] : memref<16x65536xf32, #tpu.memory_space<vmem>>, vector<16x4096xf32>
      %lt3A_664 = vector.broadcast %add3A_104 : vector<16x1xf32> to vector<16x4096xf32>
      %lt3A_665 = arith.cmpf olt, %get3A_660, %lt3A_664 : vector<16x4096xf32>
      %gt3A_666 = vector.broadcast %sub3A_110 : vector<16x1xf32> to vector<16x4096xf32>
      %gt3A_667 = arith.cmpf ogt, %get3A_663, %gt3A_666 : vector<16x4096xf32>
      %convert_element_type3A_668 = arith.extui %lt3A_665 : vector<16x4096xi1> to vector<16x4096xi32>
      %convert_element_type3A_669 = arith.sitofp %convert_element_type3A_668 : vector<16x4096xi32> to vector<16x4096xf32>
      %reduce_sum3A_670 = arith.constant dense<0.000000e+00> : vector<16xf32>
      %reduce_sum3A_671 = vector.multi_reduction <add>, %convert_element_type3A_669, %reduce_sum3A_670 [1] : vector<16x4096xf32> to vector<16xf32>
      %broadcast_in_dim3A_672 = vector.shape_cast %reduce_sum3A_671 : vector<16xf32> to vector<16x1xf32>
      %add3A_673 = arith.addf %add3A_634, %broadcast_in_dim3A_672 : vector<16x1xf32>
      %sub3A_674 = arith.constant 1.000000e+00 : f32
      %sub3A_675 = vector.broadcast %sub3A_674 : f32 to vector<16x4096xf32>
      %sub3A_676 = arith.subf %sub3A_675, %get3A_660 : vector<16x4096xf32>
      %jit3A_677 = arith.constant 0.000000e+00 : f32
      %broadcast_in_dim3A_678 = vector.broadcast %jit3A_677 : f32 to vector<16x4096xf32>
      %select_n3A_679 = arith.select %lt3A_665, %sub3A_676, %broadcast_in_dim3A_678 : vector<16x4096xi1>, vector<16x4096xf32>
      %reduce_sum3A_680 = arith.constant dense<0.000000e+00> : vector<16xf32>
      %reduce_sum3A_681 = vector.multi_reduction <add>, %select_n3A_679, %reduce_sum3A_680 [1] : vector<16x4096xf32> to vector<16xf32>
      %broadcast_in_dim3A_682 = vector.shape_cast %reduce_sum3A_681 : vector<16xf32> to vector<16x1xf32>
      %add3A_683 = arith.addf %add3A_644, %broadcast_in_dim3A_682 : vector<16x1xf32>
      %convert_element_type3A_684 = arith.extui %gt3A_667 : vector<16x4096xi1> to vector<16x4096xi32>
      %convert_element_type3A_685 = arith.sitofp %convert_element_type3A_684 : vector<16x4096xi32> to vector<16x4096xf32>
      %reduce_sum3A_686 = arith.constant dense<0.000000e+00> : vector<16xf32>
      %reduce_sum3A_687 = vector.multi_reduction <add>, %convert_element_type3A_685, %reduce_sum3A_686 [1] : vector<16x4096xf32> to vector<16xf32>
      %broadcast_in_dim3A_688 = vector.shape_cast %reduce_sum3A_687 : vector<16xf32> to vector<16x1xf32>
      %add3A_689 = arith.addf %add3A_650, %broadcast_in_dim3A_688 : vector<16x1xf32>
      %jit3A_690 = arith.constant 0.000000e+00 : f32
      %broadcast_in_dim3A_691 = vector.broadcast %jit3A_690 : f32 to vector<16x4096xf32>
      %select_n3A_692 = arith.select %gt3A_667, %get3A_663, %broadcast_in_dim3A_691 : vector<16x4096xi1>, vector<16x4096xf32>
      %reduce_sum3A_693 = arith.constant dense<0.000000e+00> : vector<16xf32>
      %reduce_sum3A_694 = vector.multi_reduction <add>, %select_n3A_692, %reduce_sum3A_693 [1] : vector<16x4096xf32> to vector<16xf32>
      %broadcast_in_dim3A_695 = vector.shape_cast %reduce_sum3A_694 : vector<16xf32> to vector<16x1xf32>
      %add3A_696 = arith.addf %add3A_657, %broadcast_in_dim3A_695 : vector<16x1xf32>
      %get3A_697 = arith.constant 0 : index
      %get3A_698 = arith.constant 61440 : index
      %get3A_699 = vector.load %arg6[%get3A_697, %get3A_698] : memref<16x65536xf32, #tpu.memory_space<vmem>>, vector<16x4096xf32>
      %get3A_700 = arith.constant 0 : index
      %get3A_701 = arith.constant 61440 : index
      %get3A_702 = vector.load %arg7[%get3A_700, %get3A_701] : memref<16x65536xf32, #tpu.memory_space<vmem>>, vector<16x4096xf32>
      %lt3A_703 = vector.broadcast %add3A_104 : vector<16x1xf32> to vector<16x4096xf32>
      %lt3A_704 = arith.cmpf olt, %get3A_699, %lt3A_703 : vector<16x4096xf32>
      %gt3A_705 = vector.broadcast %sub3A_110 : vector<16x1xf32> to vector<16x4096xf32>
      %gt3A_706 = arith.cmpf ogt, %get3A_702, %gt3A_705 : vector<16x4096xf32>
      %convert_element_type3A_707 = arith.extui %lt3A_704 : vector<16x4096xi1> to vector<16x4096xi32>
      %convert_element_type3A_708 = arith.sitofp %convert_element_type3A_707 : vector<16x4096xi32> to vector<16x4096xf32>
      %reduce_sum3A_709 = arith.constant dense<0.000000e+00> : vector<16xf32>
      %reduce_sum3A_710 = vector.multi_reduction <add>, %convert_element_type3A_708, %reduce_sum3A_709 [1] : vector<16x4096xf32> to vector<16xf32>
      %broadcast_in_dim3A_711 = vector.shape_cast %reduce_sum3A_710 : vector<16xf32> to vector<16x1xf32>
      %add3A_712 = arith.addf %add3A_673, %broadcast_in_dim3A_711 : vector<16x1xf32>
      %sub3A_713 = arith.constant 1.000000e+00 : f32
      %sub3A_714 = vector.broadcast %sub3A_713 : f32 to vector<16x4096xf32>
      %sub3A_715 = arith.subf %sub3A_714, %get3A_699 : vector<16x4096xf32>
      %jit3A_716 = arith.constant 0.000000e+00 : f32
      %broadcast_in_dim3A_717 = vector.broadcast %jit3A_716 : f32 to vector<16x4096xf32>
      %select_n3A_718 = arith.select %lt3A_704, %sub3A_715, %broadcast_in_dim3A_717 : vector<16x4096xi1>, vector<16x4096xf32>
      %reduce_sum3A_719 = arith.constant dense<0.000000e+00> : vector<16xf32>
      %reduce_sum3A_720 = vector.multi_reduction <add>, %select_n3A_718, %reduce_sum3A_719 [1] : vector<16x4096xf32> to vector<16xf32>
      %broadcast_in_dim3A_721 = vector.shape_cast %reduce_sum3A_720 : vector<16xf32> to vector<16x1xf32>
      %add3A_722 = arith.addf %add3A_683, %broadcast_in_dim3A_721 : vector<16x1xf32>
      %convert_element_type3A_723 = arith.extui %gt3A_706 : vector<16x4096xi1> to vector<16x4096xi32>
      %convert_element_type3A_724 = arith.sitofp %convert_element_type3A_723 : vector<16x4096xi32> to vector<16x4096xf32>
      %reduce_sum3A_725 = arith.constant dense<0.000000e+00> : vector<16xf32>
      %reduce_sum3A_726 = vector.multi_reduction <add>, %convert_element_type3A_724, %reduce_sum3A_725 [1] : vector<16x4096xf32> to vector<16xf32>
      %broadcast_in_dim3A_727 = vector.shape_cast %reduce_sum3A_726 : vector<16xf32> to vector<16x1xf32>
      %add3A_728 = arith.addf %add3A_689, %broadcast_in_dim3A_727 : vector<16x1xf32>
      %jit3A_729 = arith.constant 0.000000e+00 : f32
      %broadcast_in_dim3A_730 = vector.broadcast %jit3A_729 : f32 to vector<16x4096xf32>
      %select_n3A_731 = arith.select %gt3A_706, %get3A_702, %broadcast_in_dim3A_730 : vector<16x4096xi1>, vector<16x4096xf32>
      %reduce_sum3A_732 = arith.constant dense<0.000000e+00> : vector<16xf32>
      %reduce_sum3A_733 = vector.multi_reduction <add>, %select_n3A_731, %reduce_sum3A_732 [1] : vector<16x4096xf32> to vector<16xf32>
      %broadcast_in_dim3A_734 = vector.shape_cast %reduce_sum3A_733 : vector<16xf32> to vector<16x1xf32>
      %add3A_735 = arith.addf %add3A_696, %broadcast_in_dim3A_734 : vector<16x1xf32>
      %gt3A_736 = arith.constant 0.000000e+00 : f32
      %gt3A_737 = vector.broadcast %gt3A_736 : f32 to vector<16x1xf32>
      %gt3A_738 = arith.cmpf ogt, %add3A_712, %gt3A_737 : vector<16x1xf32>
      %max3A_739 = arith.constant 1.000000e+00 : f32
      %max3A_740 = vector.broadcast %max3A_739 : f32 to vector<16x1xf32>
      %max3A_741 = arith.maximumf %add3A_712, %max3A_740 : vector<16x1xf32>
      %div3A = arith.divf %add3A_722, %max3A_741 : vector<16x1xf32>
      %jit3A_742 = arith.constant 0.000000e+00 : f32
      %broadcast_in_dim3A_743 = vector.broadcast %jit3A_742 : f32 to vector<16x1xf32>
      %select_n3A_744 = arith.select %gt3A_738, %div3A, %broadcast_in_dim3A_743 : vector<16x1xi1>, vector<16x1xf32>
      %gt3A_745 = arith.constant 0.000000e+00 : f32
      %gt3A_746 = vector.broadcast %gt3A_745 : f32 to vector<16x1xf32>
      %gt3A_747 = arith.cmpf ogt, %add3A_728, %gt3A_746 : vector<16x1xf32>
      %max3A_748 = arith.constant 1.000000e+00 : f32
      %max3A_749 = vector.broadcast %max3A_748 : f32 to vector<16x1xf32>
      %max3A_750 = arith.maximumf %add3A_728, %max3A_749 : vector<16x1xf32>
      %div3A_751 = arith.divf %add3A_735, %max3A_750 : vector<16x1xf32>
      %jit3A_752 = arith.constant 0.000000e+00 : f32
      %broadcast_in_dim3A_753 = vector.broadcast %jit3A_752 : f32 to vector<16x1xf32>
      %select_n3A_754 = arith.select %gt3A_747, %div3A_751, %broadcast_in_dim3A_753 : vector<16x1xi1>, vector<16x1xf32>
      %gt3A_755 = arith.constant 0.000000e+00 : f32
      %gt3A_756 = vector.broadcast %gt3A_755 : f32 to vector<16x1xf32>
      %gt3A_757 = arith.cmpf ogt, %get3A_101, %gt3A_756 : vector<16x1xf32>
      %add3A_758 = arith.addf %select_n3A_744, %select_n3A_754 : vector<16x1xf32>
      %jit3A_759 = arith.constant 0.000000e+00 : f32
      %broadcast_in_dim3A_760 = vector.broadcast %jit3A_759 : f32 to vector<16x1xf32>
      %select_n3A_761 = arith.select %gt3A_757, %add3A_758, %broadcast_in_dim3A_760 : vector<16x1xi1>, vector<16x1xf32>
      %reduce_sum3A_762 = vector.shape_cast %select_n3A_761 : vector<16x1xf32> to vector<1x16x1xf32>
      %reduce_sum3A_763 = arith.constant dense<0.000000e+00> : vector<1xf32>
      %reduce_sum3A_764 = vector.multi_reduction <add>, %reduce_sum3A_762, %reduce_sum3A_763 [1, 2] : vector<1x16x1xf32> to vector<1xf32>
      %reduce_sum3A_765 = vector.shape_cast %reduce_sum3A_764 : vector<1xf32> to vector<1x1x1xf32>
      %reduce_sum3A_766 = vector.extract %reduce_sum3A_765[0, 0, 0] : f32 from vector<1x1x1xf32>
      %div3A_767 = arith.constant 1.600000e+01 : f32
      %div3A_768 = arith.divf %reduce_sum3A_766, %div3A_767 : f32
      %reshape3A = vector.broadcast %div3A_768 : f32 to vector<1x1xf32>
      %swap3A_769 = arith.constant 0 : index
      %swap3A_770 = arith.constant 0 : index
      %swap3A_771 = vector.load %arg5[%swap3A_769, %swap3A_770] : memref<1x1xf32, #tpu.memory_space<vmem>>, vector<1x1xf32>
      tpu.vector_store %arg5[%swap3A_769, %swap3A_770], %reshape3A {strides = array<i32>} : memref<1x1xf32, #tpu.memory_space<vmem>>, vector<1x1xf32>,
    } else {
    }
    return
  }
  func.func @transform_0(%arg0: i32) -> (i32, i32) {
    %c0_i32 = arith.constant 0 : i32
    %c0_i32_0 = arith.constant 0 : i32
    %c0_i32_1 = arith.constant 0 : i32
    return %c0_i32, %c0_i32_0 : i32, i32
  }
  func.func @transform_1(%arg0: i32) -> (i32, i32) {
    %c0_i32 = arith.constant 0 : i32
    %c0_i32_0 = arith.constant 0 : i32
    return %arg0, %c0_i32 : i32, i32
  }
  func.func @transform_2(%arg0: i32) -> (i32, i32, i32) {
    %c0_i32 = arith.constant 0 : i32
    %c0_i32_0 = arith.constant 0 : i32
    %c0_i32_1 = arith.constant 0 : i32
    return %arg0, %c0_i32, %c0_i32_0 : i32, i32, i32
  }
  func.func @transform_3(%arg0: i32) -> (i32, i32, i32) {
    %c0_i32 = arith.constant 0 : i32
    %c0_i32_0 = arith.constant 0 : i32
    %c0_i32_1 = arith.constant 0 : i32
    return %arg0, %c0_i32, %c0_i32_0 : i32, i32, i32
  }
  func.func @transform_4(%arg0: i32) -> (i32, i32) {
    %c0_i32 = arith.constant 0 : i32
    %c0_i32_0 = arith.constant 0 : i32
    %c0_i32_1 = arith.constant 0 : i32
    return %c0_i32, %c0_i32_0 : i32, i32
  }
}

</mosaic_0001>

<sc_bundles>
// kernel: kernel.4.cloned.1.call-start
scs
__scs_entry_jumppad:
0x0: {  	(pc) =	sbr.rel $0x88, $3  }
0x1: {  	(tag) =	ssettag $0x0;
	lr =	simm.s32 $0x1  }
0x2: {  	[smem:$0x3F9A] =	sst lr;
	_ =	strace $0xD0000000  }
0x3: {  	_ = 	snop  }
0x4: {  	_ = 	snop  }
0x5: {  	_ = 	snop  }
0x6: {  	_ = 	snop  }
0x7: {  	_ = 	snop  }
__scs_overlays_trampoline_lowered:
0x8: {  	[smem:$0x3FA9] =	sst s0  }
0x9: {  	[smem:$0x3FAA] =	sst s1  }
0xa: {  	[smem:$0x3FAB] =	sst s2  }
0xb: {  	[smem:$0x3FAC] =	sst s3  }
0xc: {  	[smem:$0x3FAD] =	sst s4  }
0xd: {  	[smem:$0x3FAE] =	sst s5  }
0xe: {  	[smem:$0x3FAF] =	sst s6  }
0xf: {  	[smem:$0x3FB0] =	sst s7  }
0x10: {  	[smem:$0x3FB1] =	sst s8  }
0x11: {  	[smem:$0x3FB2] =	sst s9;
	s0 =	simm.s32 @!p0 $0x0  }
0x12: {  	s1 =	sld [smem:$0x3F98];
	s0 =	simm.s32 @p0 $0x1  }
0x13: {  	[smem:$0x3FB3] =	sst s0;
	s0 =	simm.s32 @!p1 $0x0  }
0x14: {  	s2 =	sld [smem:$0x3F97];
	s0 =	simm.s32 @p1 $0x1  }
0x15: {  	[smem:$0x3FB4] =	sst s0;
	s0 =	simm.s32 @!p2 $0x0  }
0x16: {  	s3 =	sld [smem:$0x3FDB];
	s0 =	simm.s32 @p2 $0x1  }
0x17: {  	s4 =	simm.s32 $0x1BF5;
	[smem:$0x3FB6] =	sst s0  }
0x18: {  	s0 =	sld [smem:$0x3F99];
	_ =	swait.ge [sflag:s4], $0x0  }
0x19: {  	s7 =	sld [smem:$0x3F9A]  }
0x1a: {  	s8 =	sadd.s32 $0xFFFFE003, lr  }
0x1b: {  	s9 =	sadd.s32 $0xFFFFFEF7, lr;
	s5 =	simm.s32 $0xFFFFFFFF;
	p2 =	slt.u32 s8, $0xFFFFF086  }
0x1c: {  	p1 =	slt.u32 s9, $0xF7A;
	s5 =	simm.s32 @!p2 $0x0  }
0x1d: {  	s5 =	simm.s32 @p1 $0x1;
	p0 =	seq.s32 s7, s2  }
0x1e: {  	s7 =	smul.u32 @!p0 $0xF7A, s2;
	p2 =	seq.s32 @!p0 s5, $0x0  }
0x1f: {  	s9 =	smul.u32 $0xF7A, s1;
	s8 =	simm.s32 @!p0 $0x1BF5;
	p2 =	por !p2, p0  }
0x20: {  	[sflag:s8] =	ssyncset.s32 @!p0 $0xFFFFF086;
	s6 =	sadd.s32 @!p0 s3, s7;
	s7 =	simm.s32 @!p0 $0x108  }
0x21: {  	s3 =	sadd.s32 s3, s9;
	s6 =	sadd.s32 @!p0 $0x88, s6;
	s7 =	simm.s32 @p2 $0x1082  }
0x22: {  	[simem:s7], [sflag:s8] =	dma.local @!p0 [hbm:s6], $0xF7A  }
0x23: {  	s9 =	sor.u32 $0xD0000000, s2;
	s6 =	simm.s32 $0x108;
	_ =	swait.ge @!p0 [sflag:s8], $0x0  }
0x24: {  	s3 =	sadd.s32 $0x88, s3;
	s6 =	simm.s32 @!p1 $0x1082;
	[sflag:s4] =	ssyncset.s32 $0xFFFFF086  }
0x25: {  	[simem:s6], [sflag:s4] =	dma.local [hbm:s3], $0xF7A  }
0x26: {  	[smem:$0x3F9A] =	sst s1;
	(tag) =	ssettag s2;
	_ =	strace s9  }
0x27: {  	s1 =	sld [smem:$0x3FAA]  }
0x28: {  	s2 =	sld [smem:$0x3FAB]  }
0x29: {  	s4 =	sld [smem:$0x3FAD]  }
0x2a: {  	p0 =	seq.s32 s5, $0x0;
	s5 =	sld [smem:$0x3FAE]  }
0x2b: {  	s6 =	sld [smem:$0x3FAF]  }
0x2c: {  	s7 =	sld [smem:$0x3FB0]  }
0x2d: {  	s3 =	simm.s32 $0x108;
	s8 =	sld [smem:$0x3FB1]  }
0x2e: {  	s3 =	simm.s32 @!p0 $0x1082;
	s9 =	sld [smem:$0x3FB2]  }
0x2f: {  	lr =	sadd.s32 s0, s3;
	s0 =	sld [smem:$0x3FA9]  }
0x30: {  	s3 =	sld [smem:$0x3FAC]  }
0x31: {  	[smem:$0x3FB5] =	sst s10  }
0x32: {  	s10 =	sld [smem:$0x3FB3];
	_ =	sdelay $0x3  }
0x33: {  	p0 =	seq.s32 s10, $0x1;
	s10 =	sld [smem:$0x3FB5];
	_ =	sdelay $0x3  }
0x34: {  	[smem:$0x3FB5] =	sst s10  }
0x35: {  	s10 =	sld [smem:$0x3FB4];
	_ =	sdelay $0x3  }
0x36: {  	p1 =	seq.s32 s10, $0x1;
	s10 =	sld [smem:$0x3FB5];
	_ =	sdelay $0x3  }
0x37: {  	[smem:$0x3FB5] =	sst s10  }
0x38: {  	s10 =	sld [smem:$0x3FB6]  }
0x39: {  	_ = 	snop;
	(pc) =	sbr.ind lr, $3  }
0x3a: {  	_ = 	snop  }
0x3b: {  	_ = 	snop  }
0x3c: {  	p2 =	seq.s32 s10, $0x1;
	s10 =	sld [smem:$0x3FB5]  }
0x3d: {  	_ =	shalt  }
0x3e: {  	_ =	shalt  }
0x3f: {  	_ =	shalt  }
0x40: {  	_ =	shalt  }
0x41: {  	_ =	shalt  }
0x42: {  	_ =	shalt  }
0x43: {  	_ =	shalt  }
0x44: {  	_ =	shalt  }
0x45: {  	_ =	shalt  }
0x46: {  	_ =	shalt  }
0x47: {  	_ =	shalt  }
0x48: {  	_ =	shalt  }
0x49: {  	_ =	shalt  }
0x4a: {  	_ =	shalt  }
0x4b: {  	_ =	shalt  }
0x4c: {  	_ =	shalt  }
0x4d: {  	_ =	shalt  }
0x4e: {  	_ =	shalt  }
0x4f: {  	_ =	shalt  }
0x50: {  	_ =	shalt  }
0x51: {  	_ =	shalt  }
0x52: {  	_ =	shalt  }
0x53: {  	_ =	shalt  }
0x54: {  	_ =	shalt  }
0x55: {  	_ =	shalt  }
0x56: {  	_ =	shalt  }
0x57: {  	_ =	shalt  }
0x58: {  	_ =	shalt  }
0x59: {  	_ =	shalt  }
0x5a: {  	_ =	shalt  }
0x5b: {  	_ =	shalt  }
0x5c: {  	_ =	shalt  }
0x5d: {  	_ =	shalt  }
0x5e: {  	_ =	shalt  }
0x5f: {  	_ =	shalt  }
0x60: {  	_ =	shalt  }
0x61: {  	_ =	shalt  }
0x62: {  	_ =	shalt  }
0x63: {  	_ =	shalt  }
0x64: {  	_ =	shalt  }
0x65: {  	_ =	shalt  }
0x66: {  	_ =	shalt  }
0x67: {  	_ =	shalt  }
0x68: {  	_ =	shalt  }
0x69: {  	_ =	shalt  }
0x6a: {  	_ =	shalt  }
0x6b: {  	_ =	shalt  }
0x6c: {  	_ =	shalt  }
0x6d: {  	_ =	shalt  }
0x6e: {  	_ =	shalt  }
0x6f: {  	_ =	shalt  }
0x70: {  	_ =	shalt  }
0x71: {  	_ =	shalt  }
0x72: {  	_ =	shalt  }
0x73: {  	_ =	shalt  }
0x74: {  	_ =	shalt  }
0x75: {  	_ =	shalt  }
0x76: {  	_ =	shalt  }
0x77: {  	_ =	shalt  }
0x78: {  	_ =	shalt  }
0x79: {  	_ =	shalt  }
0x7a: {  	_ =	shalt  }
0x7b: {  	_ =	shalt  }
0x7c: {  	_ =	shalt  }
0x7d: {  	_ =	shalt  }
0x7e: {  	_ =	shalt  }
0x7f: {  	_ =	shalt  }
0x80: {  	_ =	shalt  }
0x81: {  	_ =	shalt  }
0x82: {  	_ =	shalt  }
0x83: {  	_ =	shalt  }
0x84: {  	_ =	shalt  }
0x85: {  	_ =	shalt  }
0x86: {  	_ =	shalt  }
0x87: {  	_ =	shalt  }
.Lfunc_end0:
.L_simem_size_0:
called_computation_lowered:
.L_overlay_start_0:
0x88: {  	s2 =	sld [smem:$0x3FD9]  }
0x89: {  	s3 =	sld [smem:$0x3FFE];
	_ =	sdelay $0x1  }
0x8a: {  	s1 =	srdreg.scid  }
0x8b: {  	s0 =	sand.u32 $0x1, s1  }
0x8c: {  	s17 =	sshll.u32 s0, $0xA;
	s2 =	sadd.s32 s3, s2  }
0x8d: {  	s2 =	sadd.s32 s2, s17  }
0x8e: {  	[smem:$0x3FC1] =	sst s2  }
0x8f: {  	_ = 	snop  }
0x90: {  	s2 =	sld [smem:$0x3FC6]  }
0x91: {  	s18 =	sld [smem:$0x3FC5]  }
0x92: {  	s4 =	sld [smem:$0x3FD0];
	(tm) =	ssettm $0x1  }
0x93: {  	s5 =	sld [smem:$0x3FFB];
	_ =	sdelay $0x3  }
0x94: {  	_ =	strace s5  }
0x95: {  	s5 =	sld [smem:$0x3FFC];
	_ =	sdelay $0x3  }
0x96: {  	_ =	strace s5  }
0x97: {  	s5 =	sld [smem:$0x3FFD];
	_ =	sdelay $0x3  }
0x98: {  	_ =	strace s5  }
0x99: {  	_ =	strace $0x8FFFFFFF  }
0x9a: {  	s19 =	sld [smem:$0x3FDB];
	_ =	sdelay $0x1  }
0x9b: {  	s6 =	simm.s32 $_scs_section_size  }
0x9c: {  	s7 =	simm.s32 $_size__tile_overlayer_lowered;
	s8 =	simm.s32 $_tile_overlayer_lowered  }
0x9d: {  	s22 =	simm.s32 $0x1BFF;
	s21 =	sshll.u32 s8, $0x1;
	s5 =	sadd.s32 s6, s19  }
0x9e: {  	s9 =	simm.s32 $0x0;
	s20 =	sshll.u32 s7, $0x1;
	s7 =	sadd.s32 s21, s5  }
0x9f: {  	[timem:s9], [sflag:s22] =	dma.local [hbm:s7], s20  }
0xa0: {  	_ =	swait.ge [sflag:s22], s20  }
0xa1: {  	s6 =	ssub.s32 $0x0, s20;
	[sflag:s22] =	ssyncset.done $0x0  }
0xa2: {  	[sflag:s22] =	ssyncadd.s32 s6;
	_ =	sdelay $0x1  }
0xa3: {  	s23 =	simm.s32 $0x1B8B  }
0xa4: {  	_ =	swait.ge [sflag:s23], $0x1  }
0xa5: {  	[sflag:s23] =	ssyncset.done $0x0  }
0xa6: {  	s25 =	simm.s32 $0x1B8E;
	s24 =	sld [smem:$0x3FFE];
	[sflag:s23] =	ssyncadd.s32 $0xFFFFFFFF  }
0xa7: {  	s26 =	simm.s32 $execute0_lowered;
	[smem:$0x3FD2] =	sst s25  }
0xa8: {  	s7 =	sshll.u32 s26, $0x1;
	_ =	strace $0x80000046;
	[dreg:$0x1] =	wrdreg $0xFFFFFFFF  }
0xa9: {  	s28 =	simm.s32 $_size_execute0_lowered;
	s5 =	sadd.s32 s5, s7;
	[dreg:$0x0] =	wrdreg $0x0  }
0xaa: {  	s7 =	sshll.u32 s28, $0x1;
	[dreg:$0x2] =	wrdreg s5  }
0xab: {  	[dreg:$0x3] =	wrdreg s7  }
0xac: {  	[dreg:$0x4] =	wrdreg $0xC0  }
0xad: {  	_ =	task [dreg:s9], $0x5FFFF  }
0xae: {  	[dreg:$0x1] =	wrdreg $0xFFFFFFFF  }
0xaf: {  	[dreg:$0x0] =	wrdreg $0x60  }
0xb0: {  	[dreg:$0x2] =	wrdreg s2  }
0xb1: {  	[dreg:$0x3] =	wrdreg s4  }
0xb2: {  	[dreg:$0x4] =	wrdreg s18  }
0xb3: {  	[dreg:$0x5] =	wrdreg s24  }
0xb4: {  	[dreg:$0x6] =	wrdreg $0x9  }
0xb5: {  	_ =	task.clear_ibuf [dreg:s9], $0x7FFFF;
	_ =	strace $0x90000046  }
0xb6: {  	s29 =	simm.s32 $0x9;
	_ =	strace $0x80000048  }
0xb7: {  	_ =	swait.ge [sflag:s29], $0x1  }
0xb8: {  	[sflag:s29] =	ssyncadd.s32 $0xFFFFFFFF  }
0xb9: {  	_ =	strace $0x90000048  }
0xba: {  	_ =	sfence  }
0xbb: {  	s30 =	sld [smem:$0x0];
	_ =	sdelay $0x2  }
0xbc: {  	s31 =	sshll.u32 s1, $0xD;
	s1 =	sshrl.u32 s1, $0x2  }
0xbd: {  	s3 =	sand.u32 $0x4000, s31;
	s1 =	sadd.s32 s1, s30  }
0xbe: {  	s0 =	sor.u32 s3, s0;
	s1 =	sshll.u32 s1, $0x11  }
0xbf: {  	s0 =	sor.u32 s1, s0  }
0xc0: {  	s0 =	sadd.s32 $0x8F2B, s0  }
0xc1: {  	[sflag:s0] =	ssyncadd.remote.s32 $0x1  }
0xc2: {  	_ =	sfence.sel $0xFFFF  }
0xc3: {  	[dreg:$0x0] =	wrdreg $0xFFFFFFFF;
	(pc) =	sbr.abs _section_cstart, $3  }
0xc4: {  	[dreg:$0x1] =	wrdreg $0xFFFFFFFF  }
0xc5: {  	_ =	task.clear_ibuf [dreg:s9], $0x2FFFF;
	_ =	strace $0x9FFFFFFF  }
0xc6: {  	(tm) =	ssettm $0x7FFFFFFF  }
0xc7: {  	_ =	shalt  }
tec
execute0_lowered:
.L_overlay_start_1:
0x0: {  	(tag) =	ssettag $0x1  }
0x1: {  	s0 =	rddreg [dreg:$0x0]  }
0x2: {  	s1 =	rddreg [dreg:$0x3];
	s2 =	srdreg.scid  }
0x3: {  	s4 =	simm.s32 $0x0;
	s3 =	stileid.u32;
	s12 =	simm.s32 $0x2  }
0x4: {  	s13 =	simm.s32 $0x1080;
	s18 =	simm.s32 $0x2300;
	s19 =	simm.s32 $0x2380  }
0x5: {  	s20 =	simm.s32 $0x2400;
	s21 =	simm.s32 $0x2480;
	s22 =	simm.s32 $0x2500  }
0x6: {  	s23 =	simm.s32 $0x2580;
	s24 =	simm.s32 $0x2600;
	s25 =	simm.s32 $0x2680  }
0x7: {  	s26 =	simm.s32 $0x2700;
	s28 =	simm.s32 $0x2780;
	s29 =	simm.s32 $0x2800  }
0x8: {  	s30 =	simm.s32 $0x2880;
	s31 =	simm.s32 $0x1;
	s10 =	simm.s32 $0x4  }
0x9: {  	s11 =	simm.s32 $0x5A00;
	s14 =	simm.s32 $0x0;
	s2 =	sand.u32 $0x1, s2  }
0xa: {  	[smem:$0x7FF] =	sst s4;
	s3 =	sshll.u32 s3, $0x9;
	s5 =	sshll.u32 s2, $0x8  }
0xb: {  	_ =	strace $0x80000047;
	s2 =	ssub.s32 $0x2, s2;
	s3 =	sor.u32 s5, s3  }
0xc: {  	s5 =	sadd.s32 $0x1000, s1;
	s6 =	sshrl.u32 s2, $0x1;
	s1 =	sadd.s32 s3, s1  }
0xd: {  	s2 =	ssub.s32 s2, s6;
	s6 =	sadd.s32 s0, s3;
	s0 =	simm.s32 $0x2900  }
0xe: {  	v0 =	vimm.s32 $0x1000;
	s3 =	simm.s32 $0x3980;
	s7 =	sadd.s32 $0x11000, s1;
	s8 =	sadd.s32 $0x13000, s1  }
0xf: {  	v1 =	vlaneseq.u32;
	v2 =	vimm.s32 $0x0;
	vm0 =	vmxor vm0, vm0;
	s9 =	smax.u32 s2, $0x1;
	s1 =	simm.s32 $0x3;
	s2 =	simm.s32 $0x5200  }
.LBB2_1:
0x10: {  	s15 =	simm.s32 $0x4A00  }
0x11: {  	[tilespmem:s15], [sflag:$0x3] =	stream.linear.gather [hbm4b:s6+s4], $0x800, $0x38;
	[tilespmem:$0x6200] =	vst v63  }
0x12: {  	s16 =	rddreg [dreg:$0x2]  }
0x13: {  	[tilespmem:s4], [sflag:$0x2] =	stream.linear.gather [hbm4b:s16+s4], $0x1000, $0x38;
	[tilespmem:$0x6200] =	vst v63  }
0x14: {  	s17 =	rddreg [dreg:$0x1];
	s16 =	simm.s32 $0x1000  }
0x15: {  	[tilespmem:s16], [sflag:$0x2] =	stream.linear.gather [hbm4b:s17+s4], $0x80, $0x38;
	[tilespmem:$0x6200] =	vst v63  }
0x16: {  	s15 =	simm.s32 $0x40;
	s16 =	simm.s32 $0x0  }
.LBB2_2:
0x17: {  	p0 =	sne.s32 s15, $0x4000;
	[tilespmem:s16+$0x1080] =	vst v0;
	s16 =	smov.u32 s15;
	s15 =	sadd.s32 $0x40, s15  }
.Ltmp0:
0x18: {  	(pc) =	sbr.rel @p0 .LBB2_2-.Ltmp0, $2  }
0x19: {  	_ =	sdelay $0x2  }
0x1a: {  	s16 =	sshra.s32 s16, $0x2  }
0x1b: {  	[tilespmem:s16+$0x1080] =	vst v0  }
0x1c: {  	_ =	swait.ge [sflag:s12], $0x1000  }
0x1d: {  	[sflag:s12] =	ssyncset.done $0x0  }
0x1e: {  	[sflag:s12] =	ssyncadd.s32 $0xFFFFF000  }
0x1f: {  	_ =	swait.ge [sflag:s12], $0x80  }
0x20: {  	[sflag:s12] =	ssyncset.done $0x0  }
0x21: {  	s15 =	simm.s32 $0x0;
	[sflag:s12] =	ssyncadd.s32 $0xFFFFFF80  }
0x22: {  	s16 =	simm.s32 $0x10;
	s17 =	simm.s32 $0x0;
	v3 =	vld [tilespmem:s15+$0x0]  }
.LBB2_4:
0x23: {  	p0 =	sne.s32 s16, $0xFF0;
	_ =	sdelay $0x3  }
.Ltmp1:
0x24: {  	(pc) =	sbr.rel @p0 .LBB2_4-.Ltmp1, $4  }
0x25: {  	_ = 	snop  }
0x26: {  	v4 =	vor.u32 s15, v1;
	s15 =	smov.u32 s16  }
0x27: {  	s17 =	sadd.s32 $0x10, s17;
	[tilespmem:v3+s13+$0x0] =	vst.idx.msk $0xffff, v4  }
0x28: {  	s16 =	sadd.s32 $0x10, s16;
	v3 =	vld [tilespmem:s17+$0x0]  }
0x29: {  	_ =	sdelay $0x6  }
0x2a: {  	v4 =	vor.u32 s15, v1  }
0x2b: {  	[tilespmem:v3+s13+$0x0] =	vst.idx.msk $0xffff, v4  }
0x2c: {  	v3 =	vld [tilespmem:$0x1000];
	_ =	sdelay $0x4  }
0x2d: {  	vm1 =	vlt.u32 v3, $0x1000  }
0x2e: {  	v3 =	vnsel vm1, $0x0, v3;
	_ =	sdelay $0x4  }
0x2f: {  	v3 =	vld.idx.msk [tilespmem:v3+s13+$0x0], $0xffff;
	_ =	sdelay $0x4  }
0x30: {  	v3 =	vnsel vm1, $0x1000, v3  }
0x31: {  	vm1 =	vlt.s32 v3, $0xFFF  }
0x32: {  	v4 =	vnsel vm1, $0xFFF, v3  }
0x33: {  	v4 =	vshll.u32 v4, $0x4  }
0x34: {  	(v2sf) =	vpush v4, $0x0;
	_ =	sdelay $0x3  }
0x35: {  	(v2sf) =	vpush v4, $0x1;
	_ =	sdelay $0x3  }
0x36: {  	(v2sf) =	vpush v4, $0x2;
	_ =	sdelay $0x3  }
0x37: {  	(v2sf) =	vpush v4, $0x3;
	_ =	sdelay $0x2  }
0x38: {  	s16 =	spop (v2sf)  }
0x39: {  	(v2sf) =	vpush v4, $0x4;
	s15 =	sand.u32 $0x1FFFFFF0, s16  }
0x3a: {  	s17 =	simm.s32 $0x2100;
	s16 =	sadd.s32 s5, s15;
	s15 =	simm.s32 $0x0  }
0x3b: {  	[tilespmem:s17], [sflag:$0x1] =	stream.linear.gather [hbm4b:s16+s15], $0x80, $0x38;
	[tilespmem:$0x6200] =	vst v63  }
0x3c: {  	s17 =	spop (v2sf)  }
0x3d: {  	(v2sf) =	vpush v4, $0x5;
	s16 =	sand.u32 $0x1FFFFFF0, s17  }
0x3e: {  	s17 =	simm.s32 $0x2180;
	s16 =	sadd.s32 s5, s16  }
0x3f: {  	[tilespmem:s17], [sflag:$0x1] =	stream.linear.gather [hbm4b:s16+s15], $0x80, $0x38;
	[tilespmem:$0x6200] =	vst v63  }
0x40: {  	s17 =	spop (v2sf)  }
0x41: {  	(v2sf) =	vpush v4, $0x6;
	s16 =	sand.u32 $0x1FFFFFF0, s17  }
0x42: {  	s17 =	simm.s32 $0x2200;
	s16 =	sadd.s32 s5, s16  }
0x43: {  	[tilespmem:s17], [sflag:$0x1] =	stream.linear.gather [hbm4b:s16+s15], $0x80, $0x38;
	[tilespmem:$0x6200] =	vst v63  }
0x44: {  	s17 =	spop (v2sf)  }
0x45: {  	(v2sf) =	vpush v4, $0x7;
	s16 =	sand.u32 $0x1FFFFFF0, s17  }
0x46: {  	s17 =	simm.s32 $0x2280;
	s16 =	sadd.s32 s5, s16  }
0x47: {  	[tilespmem:s17], [sflag:$0x1] =	stream.linear.gather [hbm4b:s16+s15], $0x80, $0x38;
	[tilespmem:$0x6200] =	vst v63  }
0x48: {  	s17 =	spop (v2sf)  }
0x49: {  	(v2sf) =	vpush v4, $0x8;
	s16 =	sand.u32 $0x1FFFFFF0, s17  }
0x4a: {  	s16 =	sadd.s32 s5, s16  }
0x4b: {  	[tilespmem:s18], [sflag:$0x1] =	stream.linear.gather [hbm4b:s16+s15], $0x80, $0x38;
	[tilespmem:$0x6200] =	vst v63  }
0x4c: {  	s17 =	spop (v2sf)  }
0x4d: {  	(v2sf) =	vpush v4, $0x9;
	s16 =	sand.u32 $0x1FFFFFF0, s17  }
0x4e: {  	s16 =	sadd.s32 s5, s16  }
0x4f: {  	[tilespmem:s19], [sflag:$0x1] =	stream.linear.gather [hbm4b:s16+s15], $0x80, $0x38;
	[tilespmem:$0x6200] =	vst v63  }
0x50: {  	s17 =	spop (v2sf)  }
0x51: {  	(v2sf) =	vpush v4, $0xA;
	s16 =	sand.u32 $0x1FFFFFF0, s17  }
0x52: {  	s16 =	sadd.s32 s5, s16  }
0x53: {  	[tilespmem:s20], [sflag:$0x1] =	stream.linear.gather [hbm4b:s16+s15], $0x80, $0x38;
	[tilespmem:$0x6200] =	vst v63  }
0x54: {  	s17 =	spop (v2sf)  }
0x55: {  	(v2sf) =	vpush v4, $0xB;
	s16 =	sand.u32 $0x1FFFFFF0, s17  }
0x56: {  	s16 =	sadd.s32 s5, s16  }
0x57: {  	[tilespmem:s21], [sflag:$0x1] =	stream.linear.gather [hbm4b:s16+s15], $0x80, $0x38;
	[tilespmem:$0x6200] =	vst v63  }
0x58: {  	s17 =	spop (v2sf)  }
0x59: {  	(v2sf) =	vpush v4, $0xC;
	s16 =	sand.u32 $0x1FFFFFF0, s17  }
0x5a: {  	s16 =	sadd.s32 s5, s16  }
0x5b: {  	[tilespmem:s22], [sflag:$0x1] =	stream.linear.gather [hbm4b:s16+s15], $0x80, $0x38;
	[tilespmem:$0x6200] =	vst v63  }
0x5c: {  	s17 =	spop (v2sf)  }
0x5d: {  	(v2sf) =	vpush v4, $0xD;
	s16 =	sand.u32 $0x1FFFFFF0, s17  }
0x5e: {  	s16 =	sadd.s32 s5, s16  }
0x5f: {  	[tilespmem:s23], [sflag:$0x1] =	stream.linear.gather [hbm4b:s16+s15], $0x80, $0x38;
	[tilespmem:$0x6200] =	vst v63  }
0x60: {  	s17 =	spop (v2sf)  }
0x61: {  	(v2sf) =	vpush v4, $0xE;
	s16 =	sand.u32 $0x1FFFFFF0, s17  }
0x62: {  	s16 =	sadd.s32 s5, s16  }
0x63: {  	[tilespmem:s24], [sflag:$0x1] =	stream.linear.gather [hbm4b:s16+s15], $0x80, $0x38;
	[tilespmem:$0x6200] =	vst v63  }
0x64: {  	s17 =	spop (v2sf)  }
0x65: {  	(v2sf) =	vpush v4, $0xF;
	s16 =	sand.u32 $0x1FFFFFF0, s17  }
0x66: {  	s16 =	sadd.s32 s5, s16  }
0x67: {  	[tilespmem:s25], [sflag:$0x1] =	stream.linear.gather [hbm4b:s16+s15], $0x80, $0x38;
	[tilespmem:$0x6200] =	vst v63  }
0x68: {  	s17 =	spop (v2sf)  }
0x69: {  	s16 =	sand.u32 $0x1FFFFFF0, s17  }
0x6a: {  	s16 =	sadd.s32 s5, s16  }
0x6b: {  	[tilespmem:s26], [sflag:$0x1] =	stream.linear.gather [hbm4b:s16+s15], $0x80, $0x38;
	[tilespmem:$0x6200] =	vst v63  }
0x6c: {  	s17 =	spop (v2sf)  }
0x6d: {  	s16 =	sand.u32 $0x1FFFFFF0, s17  }
0x6e: {  	s16 =	sadd.s32 s5, s16  }
0x6f: {  	[tilespmem:s28], [sflag:$0x1] =	stream.linear.gather [hbm4b:s16+s15], $0x80, $0x38;
	[tilespmem:$0x6200] =	vst v63  }
0x70: {  	s17 =	spop (v2sf)  }
0x71: {  	s16 =	sand.u32 $0x1FFFFFF0, s17  }
0x72: {  	s16 =	sadd.s32 s5, s16  }
0x73: {  	[tilespmem:s29], [sflag:$0x1] =	stream.linear.gather [hbm4b:s16+s15], $0x80, $0x38;
	[tilespmem:$0x6200] =	vst v63  }
0x74: {  	s17 =	spop (v2sf)  }
0x75: {  	s16 =	sand.u32 $0x1FFFFFF0, s17  }
0x76: {  	s16 =	sadd.s32 s5, s16  }
0x77: {  	[tilespmem:s30], [sflag:$0x1] =	stream.linear.gather [hbm4b:s16+s15], $0x80, $0x38;
	[tilespmem:$0x6200] =	vst v63  }
0x78: {  	s15 =	simm.s32 $0x40;
	s16 =	simm.s32 $0x0  }
.LBB2_6:
0x79: {  	p0 =	sne.s32 s15, $0x4000;
	[tilespmem:s16+$0x2900] =	vst v2;
	s17 =	smov.u32 s15;
	s15 =	sadd.s32 $0x40, s15  }
.Ltmp2:
0x7a: {  	[tilespmem:s16+$0x3980] =	vst v2;
	(pc) =	sbr.rel @p0 .LBB2_6-.Ltmp2, $2  }
0x7b: {  	_ =	sdelay $0x2  }
0x7c: {  	s16 =	sshra.s32 s17, $0x2  }
0x7d: {  	[tilespmem:s16+$0x2900] =	vst v2  }
0x7e: {  	[tilespmem:s16+$0x3980] =	vst v2  }
0x7f: {  	_ =	swait.ge [sflag:s31], $0x80  }
0x80: {  	[sflag:s31] =	ssyncset.done $0x0  }
0x81: {  	[sflag:s31] =	ssyncadd.s32 $0xFFFFFF80  }
0x82: {  	_ =	swait.ge [sflag:s31], $0x80  }
0x83: {  	[sflag:s31] =	ssyncset.done $0x0  }
0x84: {  	[sflag:s31] =	ssyncadd.s32 $0xFFFFFF80  }
0x85: {  	_ =	swait.ge [sflag:s31], $0x80  }
0x86: {  	[sflag:s31] =	ssyncset.done $0x0  }
0x87: {  	[sflag:s31] =	ssyncadd.s32 $0xFFFFFF80  }
0x88: {  	_ =	swait.ge [sflag:s31], $0x80  }
0x89: {  	[sflag:s31] =	ssyncset.done $0x0  }
0x8a: {  	[sflag:s31] =	ssyncadd.s32 $0xFFFFFF80  }
0x8b: {  	_ =	swait.ge [sflag:s31], $0x80  }
0x8c: {  	[sflag:s31] =	ssyncset.done $0x0  }
0x8d: {  	[sflag:s31] =	ssyncadd.s32 $0xFFFFFF80  }
0x8e: {  	_ =	swait.ge [sflag:s31], $0x80  }
0x8f: {  	[sflag:s31] =	ssyncset.done $0x0  }
0x90: {  	[sflag:s31] =	ssyncadd.s32 $0xFFFFFF80  }
0x91: {  	_ =	swait.ge [sflag:s31], $0x80  }
0x92: {  	[sflag:s31] =	ssyncset.done $0x0  }
0x93: {  	[sflag:s31] =	ssyncadd.s32 $0xFFFFFF80  }
0x94: {  	_ =	swait.ge [sflag:s31], $0x80  }
0x95: {  	[sflag:s31] =	ssyncset.done $0x0  }
0x96: {  	[sflag:s31] =	ssyncadd.s32 $0xFFFFFF80  }
0x97: {  	_ =	swait.ge [sflag:s31], $0x80  }
0x98: {  	[sflag:s31] =	ssyncset.done $0x0  }
0x99: {  	[sflag:s31] =	ssyncadd.s32 $0xFFFFFF80  }
0x9a: {  	_ =	swait.ge [sflag:s31], $0x80  }
0x9b: {  	[sflag:s31] =	ssyncset.done $0x0  }
0x9c: {  	[sflag:s31] =	ssyncadd.s32 $0xFFFFFF80  }
0x9d: {  	_ =	swait.ge [sflag:s31], $0x80  }
0x9e: {  	[sflag:s31] =	ssyncset.done $0x0  }
0x9f: {  	[sflag:s31] =	ssyncadd.s32 $0xFFFFFF80  }
0xa0: {  	_ =	swait.ge [sflag:s31], $0x80  }
0xa1: {  	[sflag:s31] =	ssyncset.done $0x0  }
0xa2: {  	[sflag:s31] =	ssyncadd.s32 $0xFFFFFF80  }
0xa3: {  	_ =	swait.ge [sflag:s31], $0x80  }
0xa4: {  	[sflag:s31] =	ssyncset.done $0x0  }
0xa5: {  	[sflag:s31] =	ssyncadd.s32 $0xFFFFFF80  }
0xa6: {  	_ =	swait.ge [sflag:s31], $0x80  }
0xa7: {  	[sflag:s31] =	ssyncset.done $0x0  }
0xa8: {  	[sflag:s31] =	ssyncadd.s32 $0xFFFFFF80  }
0xa9: {  	_ =	swait.ge [sflag:s31], $0x80  }
0xaa: {  	[sflag:s31] =	ssyncset.done $0x0  }
0xab: {  	[sflag:s31] =	ssyncadd.s32 $0xFFFFFF80  }
0xac: {  	_ =	swait.ge [sflag:s31], $0x80  }
0xad: {  	(v2sf) =	vpush v3, $0x0;
	_ =	sdelay $0x9  }
0xae: {  	[sflag:s31] =	ssyncset.done $0x0  }
0xaf: {  	[sflag:s31] =	ssyncadd.s32 $0xFFFFFF80  }
0xb0: {  	v4 =	vld [tilespmem:$0x2100];
	_ =	sdelay $0x2  }
0xb1: {  	s15 =	spop (v2sf)  }
0xb2: {  	vm1 =	vmmov vm0;
	p0 =	slt.s32 s15, $0x1000  }
0xb3: {  	vm2 =	vgt.s32 v4, $0xFFFFFFFF;
	vm1 =	vmneg @p0 vm1  }
0xb4: {  	vm2 =	vmand vm1, vm2  }
0xb5: {  	v5 =	vld [tilespmem:$0x2110];
	v4 =	vnsel vm2, $0x1000, v4;
	_ =	sdelay $0x4  }
0xb6: {  	vm2 =	vgt.s32 v5, $0xFFFFFFFF;
	v6 =	vld.idx.msk [tilespmem:v4+s0+$0x0], $0xffff  }
0xb7: {  	vm1 =	vmand vm1, vm2  }
0xb8: {  	(v2sf) =	vpush v3, $0x1;
	v5 =	vnsel vm1, $0x1000, v5  }
0xb9: {  	vm1 =	vlt.s32 v4, $0x1000  }
0xba: {  	v7 =	vsel vm1, $0x1, v2  }
0xbb: {  	v6 =	vor.u32 v7, v6  }
0xbc: {  	[tilespmem:v4+s0+$0x0] =	vst.idx.msk $0xffff, v6  }
0xbd: {  	v4 =	vld.idx.msk [tilespmem:v5+s3+$0x0], $0xffff;
	_ =	sdelay $0x2  }
0xbe: {  	vm1 =	vlt.s32 v5, $0x1000  }
0xbf: {  	v6 =	vsel vm1, $0x1, v2  }
0xc0: {  	v4 =	vor.u32 v6, v4  }
0xc1: {  	[tilespmem:v5+s3+$0x0] =	vst.idx.msk $0xffff, v4  }
0xc2: {  	v4 =	vld [tilespmem:$0x2180];
	_ =	sdelay $0x2  }
0xc3: {  	s17 =	spop (v2sf)  }
0xc4: {  	vm1 =	vmmov vm0;
	p0 =	slt.s32 s17, $0x1000  }
0xc5: {  	vm1 =	vmneg @p0 vm1;
	vm2 =	vgt.s32 v4, $0xFFFFFFFF  }
0xc6: {  	vm2 =	vmand vm1, vm2  }
0xc7: {  	v5 =	vld [tilespmem:$0x2190];
	v4 =	vnsel vm2, $0x1000, v4;
	_ =	sdelay $0x4  }
0xc8: {  	vm2 =	vgt.s32 v5, $0xFFFFFFFF;
	v6 =	vld.idx.msk [tilespmem:v4+s0+$0x0], $0xffff  }
0xc9: {  	vm1 =	vmand vm1, vm2  }
0xca: {  	(v2sf) =	vpush v3, $0x2;
	v5 =	vnsel vm1, $0x1000, v5  }
0xcb: {  	vm1 =	vlt.s32 v4, $0x1000  }
0xcc: {  	v7 =	vsel vm1, $0x2, v2  }
0xcd: {  	v6 =	vor.u32 v6, v7  }
0xce: {  	[tilespmem:v4+s0+$0x0] =	vst.idx.msk $0xffff, v6  }
0xcf: {  	v4 =	vld.idx.msk [tilespmem:v5+s3+$0x0], $0xffff;
	_ =	sdelay $0x2  }
0xd0: {  	vm1 =	vlt.s32 v5, $0x1000  }
0xd1: {  	v6 =	vsel vm1, $0x2, v2  }
0xd2: {  	v4 =	vor.u32 v4, v6  }
0xd3: {  	[tilespmem:v5+s3+$0x0] =	vst.idx.msk $0xffff, v4  }
0xd4: {  	v4 =	vld [tilespmem:$0x2200];
	_ =	sdelay $0x2  }
0xd5: {  	s16 =	spop (v2sf)  }
0xd6: {  	p0 =	slt.s32 s16, $0x1000;
	vm1 =	vmmov vm0  }
0xd7: {  	vm1 =	vmneg @p0 vm1;
	vm2 =	vgt.s32 v4, $0xFFFFFFFF  }
0xd8: {  	vm2 =	vmand vm1, vm2  }
0xd9: {  	v5 =	vld [tilespmem:$0x2210];
	v4 =	vnsel vm2, $0x1000, v4;
	_ =	sdelay $0x4  }
0xda: {  	vm2 =	vgt.s32 v5, $0xFFFFFFFF;
	v6 =	vld.idx.msk [tilespmem:v4+s0+$0x0], $0xffff  }
0xdb: {  	vm1 =	vmand vm1, vm2  }
0xdc: {  	(v2sf) =	vpush v3, $0x3;
	v5 =	vnsel vm1, $0x1000, v5  }
0xdd: {  	vm1 =	vlt.s32 v4, $0x1000  }
0xde: {  	v7 =	vsel vm1, $0x4, v2  }
0xdf: {  	v6 =	vor.u32 v6, v7  }
0xe0: {  	[tilespmem:v4+s0+$0x0] =	vst.idx.msk $0xffff, v6  }
0xe1: {  	v4 =	vld.idx.msk [tilespmem:v5+s3+$0x0], $0xffff;
	_ =	sdelay $0x2  }
0xe2: {  	vm1 =	vlt.s32 v5, $0x1000  }
0xe3: {  	v6 =	vsel vm1, $0x4, v2  }
0xe4: {  	v4 =	vor.u32 v4, v6  }
0xe5: {  	[tilespmem:v5+s3+$0x0] =	vst.idx.msk $0xffff, v4  }
0xe6: {  	v4 =	vld [tilespmem:$0x2280];
	_ =	sdelay $0x2  }
0xe7: {  	s17 =	spop (v2sf)  }
0xe8: {  	p0 =	slt.s32 s17, $0x1000;
	vm1 =	vmmov vm0  }
0xe9: {  	vm1 =	vmneg @p0 vm1;
	vm2 =	vgt.s32 v4, $0xFFFFFFFF  }
0xea: {  	vm2 =	vmand vm1, vm2  }
0xeb: {  	v5 =	vld [tilespmem:$0x2290];
	v4 =	vnsel vm2, $0x1000, v4;
	_ =	sdelay $0x4  }
0xec: {  	vm2 =	vgt.s32 v5, $0xFFFFFFFF;
	v6 =	vld.idx.msk [tilespmem:v4+s0+$0x0], $0xffff  }
0xed: {  	vm1 =	vmand vm1, vm2  }
0xee: {  	(v2sf) =	vpush v3, $0x4;
	v5 =	vnsel vm1, $0x1000, v5  }
0xef: {  	vm1 =	vlt.s32 v4, $0x1000  }
0xf0: {  	v7 =	vsel vm1, $0x8, v2  }
0xf1: {  	v6 =	vor.u32 v6, v7  }
0xf2: {  	[tilespmem:v4+s0+$0x0] =	vst.idx.msk $0xffff, v6  }
0xf3: {  	v4 =	vld.idx.msk [tilespmem:v5+s3+$0x0], $0xffff;
	_ =	sdelay $0x2  }
0xf4: {  	vm1 =	vlt.s32 v5, $0x1000  }
0xf5: {  	v6 =	vsel vm1, $0x8, v2  }
0xf6: {  	v4 =	vor.u32 v4, v6  }
0xf7: {  	[tilespmem:v5+s3+$0x0] =	vst.idx.msk $0xffff, v4  }
0xf8: {  	v4 =	vld [tilespmem:$0x2300];
	_ =	sdelay $0x2  }
0xf9: {  	s16 =	spop (v2sf)  }
0xfa: {  	p0 =	slt.s32 s16, $0x1000;
	vm1 =	vmmov vm0  }
0xfb: {  	vm1 =	vmneg @p0 vm1;
	vm2 =	vgt.s32 v4, $0xFFFFFFFF  }
0xfc: {  	vm2 =	vmand vm1, vm2  }
0xfd: {  	v5 =	vld [tilespmem:$0x2310];
	v4 =	vnsel vm2, $0x1000, v4;
	_ =	sdelay $0x4  }
0xfe: {  	vm2 =	vgt.s32 v5, $0xFFFFFFFF;
	v6 =	vld.idx.msk [tilespmem:v4+s0+$0x0], $0xffff  }
0xff: {  	vm1 =	vmand vm1, vm2  }
0x100: {  	(v2sf) =	vpush v3, $0x5;
	v5 =	vnsel vm1, $0x1000, v5  }
0x101: {  	vm1 =	vlt.s32 v4, $0x1000  }
0x102: {  	v7 =	vsel vm1, $0x10, v2  }
0x103: {  	v6 =	vor.u32 v6, v7  }
0x104: {  	[tilespmem:v4+s0+$0x0] =	vst.idx.msk $0xffff, v6  }
0x105: {  	v4 =	vld.idx.msk [tilespmem:v5+s3+$0x0], $0xffff;
	_ =	sdelay $0x2  }
0x106: {  	vm1 =	vlt.s32 v5, $0x1000  }
0x107: {  	v6 =	vsel vm1, $0x10, v2  }
0x108: {  	v4 =	vor.u32 v4, v6  }
0x109: {  	[tilespmem:v5+s3+$0x0] =	vst.idx.msk $0xffff, v4  }
0x10a: {  	v4 =	vld [tilespmem:$0x2380];
	_ =	sdelay $0x2  }
0x10b: {  	s17 =	spop (v2sf)  }
0x10c: {  	p0 =	slt.s32 s17, $0x1000;
	vm1 =	vmmov vm0  }
0x10d: {  	vm1 =	vmneg @p0 vm1;
	vm2 =	vgt.s32 v4, $0xFFFFFFFF  }
0x10e: {  	vm2 =	vmand vm1, vm2  }
0x10f: {  	v5 =	vld [tilespmem:$0x2390];
	v4 =	vnsel vm2, $0x1000, v4;
	_ =	sdelay $0x4  }
0x110: {  	vm2 =	vgt.s32 v5, $0xFFFFFFFF;
	v6 =	vld.idx.msk [tilespmem:v4+s0+$0x0], $0xffff  }
0x111: {  	vm1 =	vmand vm1, vm2  }
0x112: {  	(v2sf) =	vpush v3, $0x6;
	v5 =	vnsel vm1, $0x1000, v5  }
0x113: {  	vm1 =	vlt.s32 v4, $0x1000  }
0x114: {  	v7 =	vsel vm1, $0x20, v2  }
0x115: {  	v6 =	vor.u32 v6, v7  }
0x116: {  	[tilespmem:v4+s0+$0x0] =	vst.idx.msk $0xffff, v6  }
0x117: {  	v4 =	vld.idx.msk [tilespmem:v5+s3+$0x0], $0xffff;
	_ =	sdelay $0x2  }
0x118: {  	vm1 =	vlt.s32 v5, $0x1000  }
0x119: {  	v6 =	vsel vm1, $0x20, v2  }
0x11a: {  	v4 =	vor.u32 v4, v6  }
0x11b: {  	[tilespmem:v5+s3+$0x0] =	vst.idx.msk $0xffff, v4  }
0x11c: {  	v4 =	vld [tilespmem:$0x2400];
	_ =	sdelay $0x2  }
0x11d: {  	s16 =	spop (v2sf)  }
0x11e: {  	p0 =	slt.s32 s16, $0x1000;
	vm1 =	vmmov vm0  }
0x11f: {  	vm1 =	vmneg @p0 vm1;
	vm2 =	vgt.s32 v4, $0xFFFFFFFF  }
0x120: {  	vm2 =	vmand vm1, vm2  }
0x121: {  	v5 =	vld [tilespmem:$0x2410];
	v4 =	vnsel vm2, $0x1000, v4;
	_ =	sdelay $0x4  }
0x122: {  	vm2 =	vgt.s32 v5, $0xFFFFFFFF;
	v6 =	vld.idx.msk [tilespmem:v4+s0+$0x0], $0xffff  }
0x123: {  	vm1 =	vmand vm1, vm2  }
0x124: {  	(v2sf) =	vpush v3, $0x7;
	v5 =	vnsel vm1, $0x1000, v5  }
0x125: {  	vm1 =	vlt.s32 v4, $0x1000  }
0x126: {  	v7 =	vsel vm1, $0x40, v2  }
0x127: {  	v6 =	vor.u32 v6, v7  }
0x128: {  	[tilespmem:v4+s0+$0x0] =	vst.idx.msk $0xffff, v6  }
0x129: {  	v4 =	vld.idx.msk [tilespmem:v5+s3+$0x0], $0xffff;
	_ =	sdelay $0x2  }
0x12a: {  	vm1 =	vlt.s32 v5, $0x1000  }
0x12b: {  	v6 =	vsel vm1, $0x40, v2  }
0x12c: {  	v4 =	vor.u32 v4, v6  }
0x12d: {  	[tilespmem:v5+s3+$0x0] =	vst.idx.msk $0xffff, v4  }
0x12e: {  	v4 =	vld [tilespmem:$0x2480];
	_ =	sdelay $0x2  }
0x12f: {  	s17 =	spop (v2sf)  }
0x130: {  	p0 =	slt.s32 s17, $0x1000;
	vm1 =	vmmov vm0  }
0x131: {  	vm1 =	vmneg @p0 vm1;
	vm2 =	vgt.s32 v4, $0xFFFFFFFF  }
0x132: {  	vm2 =	vmand vm1, vm2  }
0x133: {  	v5 =	vld [tilespmem:$0x2490];
	v4 =	vnsel vm2, $0x1000, v4;
	_ =	sdelay $0x4  }
0x134: {  	vm2 =	vgt.s32 v5, $0xFFFFFFFF;
	v6 =	vld.idx.msk [tilespmem:v4+s0+$0x0], $0xffff  }
0x135: {  	vm1 =	vmand vm1, vm2  }
0x136: {  	(v2sf) =	vpush v3, $0x8;
	v5 =	vnsel vm1, $0x1000, v5  }
0x137: {  	vm1 =	vlt.s32 v4, $0x1000  }
0x138: {  	v7 =	vsel vm1, $0x80, v2  }
0x139: {  	v6 =	vor.u32 v6, v7  }
0x13a: {  	[tilespmem:v4+s0+$0x0] =	vst.idx.msk $0xffff, v6  }
0x13b: {  	v4 =	vld.idx.msk [tilespmem:v5+s3+$0x0], $0xffff;
	_ =	sdelay $0x2  }
0x13c: {  	vm1 =	vlt.s32 v5, $0x1000  }
0x13d: {  	v6 =	vsel vm1, $0x80, v2  }
0x13e: {  	v4 =	vor.u32 v4, v6  }
0x13f: {  	[tilespmem:v5+s3+$0x0] =	vst.idx.msk $0xffff, v4  }
0x140: {  	v4 =	vld [tilespmem:$0x2500];
	_ =	sdelay $0x2  }
0x141: {  	s16 =	spop (v2sf)  }
0x142: {  	p0 =	slt.s32 s16, $0x1000;
	vm1 =	vmmov vm0  }
0x143: {  	vm1 =	vmneg @p0 vm1;
	vm2 =	vgt.s32 v4, $0xFFFFFFFF  }
0x144: {  	vm2 =	vmand vm1, vm2  }
0x145: {  	v5 =	vld [tilespmem:$0x2510];
	v4 =	vnsel vm2, $0x1000, v4;
	_ =	sdelay $0x4  }
0x146: {  	vm2 =	vgt.s32 v5, $0xFFFFFFFF;
	v6 =	vld.idx.msk [tilespmem:v4+s0+$0x0], $0xffff  }
0x147: {  	vm1 =	vmand vm1, vm2  }
0x148: {  	(v2sf) =	vpush v3, $0x9;
	v5 =	vnsel vm1, $0x1000, v5  }
0x149: {  	vm1 =	vlt.s32 v4, $0x1000  }
0x14a: {  	v7 =	vsel vm1, $0x100, v2  }
0x14b: {  	v6 =	vor.u32 v6, v7  }
0x14c: {  	[tilespmem:v4+s0+$0x0] =	vst.idx.msk $0xffff, v6  }
0x14d: {  	v4 =	vld.idx.msk [tilespmem:v5+s3+$0x0], $0xffff;
	_ =	sdelay $0x2  }
0x14e: {  	vm1 =	vlt.s32 v5, $0x1000  }
0x14f: {  	v6 =	vsel vm1, $0x100, v2  }
0x150: {  	v4 =	vor.u32 v4, v6  }
0x151: {  	[tilespmem:v5+s3+$0x0] =	vst.idx.msk $0xffff, v4  }
0x152: {  	v4 =	vld [tilespmem:$0x2580];
	_ =	sdelay $0x2  }
0x153: {  	s17 =	spop (v2sf)  }
0x154: {  	p0 =	slt.s32 s17, $0x1000;
	vm1 =	vmmov vm0  }
0x155: {  	vm1 =	vmneg @p0 vm1;
	vm2 =	vgt.s32 v4, $0xFFFFFFFF  }
0x156: {  	vm2 =	vmand vm1, vm2  }
0x157: {  	v5 =	vld [tilespmem:$0x2590];
	v4 =	vnsel vm2, $0x1000, v4;
	_ =	sdelay $0x4  }
0x158: {  	vm2 =	vgt.s32 v5, $0xFFFFFFFF;
	v6 =	vld.idx.msk [tilespmem:v4+s0+$0x0], $0xffff  }
0x159: {  	vm1 =	vmand vm1, vm2  }
0x15a: {  	(v2sf) =	vpush v3, $0xA;
	v5 =	vnsel vm1, $0x1000, v5  }
0x15b: {  	vm1 =	vlt.s32 v4, $0x1000  }
0x15c: {  	v7 =	vsel vm1, $0x200, v2  }
0x15d: {  	v6 =	vor.u32 v6, v7  }
0x15e: {  	[tilespmem:v4+s0+$0x0] =	vst.idx.msk $0xffff, v6  }
0x15f: {  	v4 =	vld.idx.msk [tilespmem:v5+s3+$0x0], $0xffff;
	_ =	sdelay $0x2  }
0x160: {  	vm1 =	vlt.s32 v5, $0x1000  }
0x161: {  	v6 =	vsel vm1, $0x200, v2  }
0x162: {  	v4 =	vor.u32 v4, v6  }
0x163: {  	[tilespmem:v5+s3+$0x0] =	vst.idx.msk $0xffff, v4  }
0x164: {  	v4 =	vld [tilespmem:$0x2600];
	_ =	sdelay $0x2  }
0x165: {  	s16 =	spop (v2sf)  }
0x166: {  	p0 =	slt.s32 s16, $0x1000;
	vm1 =	vmmov vm0  }
0x167: {  	vm1 =	vmneg @p0 vm1;
	vm2 =	vgt.s32 v4, $0xFFFFFFFF  }
0x168: {  	vm2 =	vmand vm1, vm2  }
0x169: {  	v5 =	vld [tilespmem:$0x2610];
	v4 =	vnsel vm2, $0x1000, v4;
	_ =	sdelay $0x4  }
0x16a: {  	vm2 =	vgt.s32 v5, $0xFFFFFFFF;
	v6 =	vld.idx.msk [tilespmem:v4+s0+$0x0], $0xffff  }
0x16b: {  	vm1 =	vmand vm1, vm2  }
0x16c: {  	(v2sf) =	vpush v3, $0xB;
	v5 =	vnsel vm1, $0x1000, v5  }
0x16d: {  	vm1 =	vlt.s32 v4, $0x1000  }
0x16e: {  	v7 =	vsel vm1, $0x400, v2  }
0x16f: {  	v6 =	vor.u32 v6, v7  }
0x170: {  	[tilespmem:v4+s0+$0x0] =	vst.idx.msk $0xffff, v6  }
0x171: {  	v4 =	vld.idx.msk [tilespmem:v5+s3+$0x0], $0xffff;
	_ =	sdelay $0x2  }
0x172: {  	vm1 =	vlt.s32 v5, $0x1000  }
0x173: {  	v6 =	vsel vm1, $0x400, v2  }
0x174: {  	v4 =	vor.u32 v4, v6  }
0x175: {  	[tilespmem:v5+s3+$0x0] =	vst.idx.msk $0xffff, v4  }
0x176: {  	v4 =	vld [tilespmem:$0x2680];
	_ =	sdelay $0x2  }
0x177: {  	s17 =	spop (v2sf)  }
0x178: {  	p0 =	slt.s32 s17, $0x1000;
	vm1 =	vmmov vm0  }
0x179: {  	vm1 =	vmneg @p0 vm1;
	vm2 =	vgt.s32 v4, $0xFFFFFFFF  }
0x17a: {  	vm2 =	vmand vm1, vm2  }
0x17b: {  	v5 =	vld [tilespmem:$0x2690];
	v4 =	vnsel vm2, $0x1000, v4;
	_ =	sdelay $0x4  }
0x17c: {  	vm2 =	vgt.s32 v5, $0xFFFFFFFF;
	v6 =	vld.idx.msk [tilespmem:v4+s0+$0x0], $0xffff  }
0x17d: {  	vm1 =	vmand vm1, vm2  }
0x17e: {  	(v2sf) =	vpush v3, $0xC;
	v5 =	vnsel vm1, $0x1000, v5  }
0x17f: {  	vm1 =	vlt.s32 v4, $0x1000  }
0x180: {  	v7 =	vsel vm1, $0x800, v2  }
0x181: {  	v6 =	vor.u32 v6, v7  }
0x182: {  	[tilespmem:v4+s0+$0x0] =	vst.idx.msk $0xffff, v6  }
0x183: {  	v4 =	vld.idx.msk [tilespmem:v5+s3+$0x0], $0xffff;
	_ =	sdelay $0x2  }
0x184: {  	vm1 =	vlt.s32 v5, $0x1000  }
0x185: {  	v6 =	vsel vm1, $0x800, v2  }
0x186: {  	v4 =	vor.u32 v4, v6  }
0x187: {  	[tilespmem:v5+s3+$0x0] =	vst.idx.msk $0xffff, v4  }
0x188: {  	v4 =	vld [tilespmem:$0x2700];
	_ =	sdelay $0x2  }
0x189: {  	s16 =	spop (v2sf)  }
0x18a: {  	p0 =	slt.s32 s16, $0x1000;
	vm1 =	vmmov vm0  }
0x18b: {  	vm1 =	vmneg @p0 vm1;
	vm2 =	vgt.s32 v4, $0xFFFFFFFF  }
0x18c: {  	vm2 =	vmand vm1, vm2  }
0x18d: {  	v5 =	vld [tilespmem:$0x2710];
	v4 =	vnsel vm2, $0x1000, v4;
	_ =	sdelay $0x4  }
0x18e: {  	vm2 =	vgt.s32 v5, $0xFFFFFFFF;
	v6 =	vld.idx.msk [tilespmem:v4+s0+$0x0], $0xffff  }
0x18f: {  	vm1 =	vmand vm1, vm2  }
0x190: {  	(v2sf) =	vpush v3, $0xD;
	v5 =	vnsel vm1, $0x1000, v5  }
0x191: {  	vm1 =	vlt.s32 v4, $0x1000  }
0x192: {  	v7 =	vsel vm1, $0x1000, v2  }
0x193: {  	v6 =	vor.u32 v6, v7  }
0x194: {  	[tilespmem:v4+s0+$0x0] =	vst.idx.msk $0xffff, v6  }
0x195: {  	v4 =	vld.idx.msk [tilespmem:v5+s3+$0x0], $0xffff;
	_ =	sdelay $0x2  }
0x196: {  	vm1 =	vlt.s32 v5, $0x1000  }
0x197: {  	v6 =	vsel vm1, $0x1000, v2  }
0x198: {  	v4 =	vor.u32 v4, v6  }
0x199: {  	[tilespmem:v5+s3+$0x0] =	vst.idx.msk $0xffff, v4  }
0x19a: {  	v4 =	vld [tilespmem:$0x2780];
	_ =	sdelay $0x2  }
0x19b: {  	s17 =	spop (v2sf)  }
0x19c: {  	p0 =	slt.s32 s17, $0x1000;
	vm1 =	vmmov vm0  }
0x19d: {  	vm1 =	vmneg @p0 vm1;
	vm2 =	vgt.s32 v4, $0xFFFFFFFF  }
0x19e: {  	vm2 =	vmand vm1, vm2  }
0x19f: {  	v5 =	vld [tilespmem:$0x2790];
	v4 =	vnsel vm2, $0x1000, v4;
	_ =	sdelay $0x4  }
0x1a0: {  	vm2 =	vgt.s32 v5, $0xFFFFFFFF;
	v6 =	vld.idx.msk [tilespmem:v4+s0+$0x0], $0xffff  }
0x1a1: {  	vm1 =	vmand vm1, vm2  }
0x1a2: {  	(v2sf) =	vpush v3, $0xE;
	v5 =	vnsel vm1, $0x1000, v5  }
0x1a3: {  	vm1 =	vlt.s32 v4, $0x1000  }
0x1a4: {  	v7 =	vsel vm1, $0x2000, v2  }
0x1a5: {  	v6 =	vor.u32 v6, v7  }
0x1a6: {  	[tilespmem:v4+s0+$0x0] =	vst.idx.msk $0xffff, v6  }
0x1a7: {  	v4 =	vld.idx.msk [tilespmem:v5+s3+$0x0], $0xffff;
	_ =	sdelay $0x2  }
0x1a8: {  	vm1 =	vlt.s32 v5, $0x1000  }
0x1a9: {  	v6 =	vsel vm1, $0x2000, v2  }
0x1aa: {  	v4 =	vor.u32 v4, v6  }
0x1ab: {  	[tilespmem:v5+s3+$0x0] =	vst.idx.msk $0xffff, v4  }
0x1ac: {  	v4 =	vld [tilespmem:$0x2800];
	_ =	sdelay $0x2  }
0x1ad: {  	s16 =	spop (v2sf)  }
0x1ae: {  	p0 =	slt.s32 s16, $0x1000;
	vm1 =	vmmov vm0  }
0x1af: {  	vm1 =	vmneg @p0 vm1;
	vm2 =	vgt.s32 v4, $0xFFFFFFFF  }
0x1b0: {  	vm2 =	vmand vm1, vm2  }
0x1b1: {  	v5 =	vld [tilespmem:$0x2810];
	v4 =	vnsel vm2, $0x1000, v4;
	_ =	sdelay $0x4  }
0x1b2: {  	vm2 =	vgt.s32 v5, $0xFFFFFFFF;
	v6 =	vld.idx.msk [tilespmem:v4+s0+$0x0], $0xffff  }
0x1b3: {  	vm1 =	vmand vm1, vm2  }
0x1b4: {  	(v2sf) =	vpush v3, $0xF;
	v5 =	vnsel vm1, $0x1000, v5  }
0x1b5: {  	vm1 =	vlt.s32 v4, $0x1000  }
0x1b6: {  	v3 =	vsel vm1, $0x4000, v2  }
0x1b7: {  	v3 =	vor.u32 v6, v3  }
0x1b8: {  	[tilespmem:v4+s0+$0x0] =	vst.idx.msk $0xffff, v3  }
0x1b9: {  	v3 =	vld.idx.msk [tilespmem:v5+s3+$0x0], $0xffff;
	_ =	sdelay $0x2  }
0x1ba: {  	vm1 =	vlt.s32 v5, $0x1000  }
0x1bb: {  	v4 =	vsel vm1, $0x4000, v2  }
0x1bc: {  	v3 =	vor.u32 v3, v4  }
0x1bd: {  	[tilespmem:v5+s3+$0x0] =	vst.idx.msk $0xffff, v3  }
0x1be: {  	v3 =	vld [tilespmem:$0x2880];
	_ =	sdelay $0x2  }
0x1bf: {  	s17 =	spop (v2sf)  }
0x1c0: {  	p0 =	slt.s32 s17, $0x1000;
	vm1 =	vmmov vm0  }
0x1c1: {  	vm1 =	vmneg @p0 vm1;
	vm2 =	vgt.s32 v3, $0xFFFFFFFF  }
0x1c2: {  	vm2 =	vmand vm1, vm2  }
0x1c3: {  	v4 =	vld [tilespmem:$0x2890];
	v3 =	vnsel vm2, $0x1000, v3;
	_ =	sdelay $0x4  }
0x1c4: {  	vm2 =	vgt.s32 v4, $0xFFFFFFFF;
	v5 =	vld.idx.msk [tilespmem:v3+s0+$0x0], $0xffff  }
0x1c5: {  	vm1 =	vmand vm1, vm2  }
0x1c6: {  	v4 =	vnsel vm1, $0x1000, v4  }
0x1c7: {  	vm1 =	vlt.s32 v3, $0x1000  }
0x1c8: {  	v6 =	vsel vm1, $0x8000, v2  }
0x1c9: {  	v5 =	vor.u32 v5, v6  }
0x1ca: {  	[tilespmem:v3+s0+$0x0] =	vst.idx.msk $0xffff, v5  }
0x1cb: {  	v3 =	vld.idx.msk [tilespmem:v4+s3+$0x0], $0xffff;
	_ =	sdelay $0x2  }
0x1cc: {  	vm1 =	vlt.s32 v4, $0x1000  }
0x1cd: {  	v5 =	vsel vm1, $0x8000, v2  }
0x1ce: {  	v3 =	vor.u32 v3, v5  }
0x1cf: {  	[tilespmem:v4+s3+$0x0] =	vst.idx.msk $0xffff, v3  }
0x1d0: {  	_ =	swait.ge [sflag:s1], $0x800  }
0x1d1: {  	[sflag:s1] =	ssyncset.done $0x0  }
0x1d2: {  	s15 =	simm.s32 $0x0;
	[sflag:s1] =	ssyncadd.s32 $0xFFFFF800  }
0x1d3: {  	v3 =	vld [tilespmem:s15+$0x4A00];
	_ =	sdelay $0x7  }
0x1d4: {  	v4 =	vld.idx.msk [tilespmem:v3+s0+$0x0], $0xffff;
	_ =	sdelay $0x3  }
0x1d5: {  	s16 =	simm.s32 $0x10;
	s17 =	simm.s32 $0x80  }
.LBB2_8:
0x1d6: {  	p0 =	sne.s32 s17, $0x1FC0;
	v5 =	vld [tilespmem:s16+$0x4A00];
	[tilespmem:s15+$0x5200] =	vst v4  }
0x1d7: {  	v4 =	vld.idx.msk [tilespmem:v3+s3+$0x0], $0xffff;
	_ =	sdelay $0x3  }
0x1d8: {  	v3 =	vmov v5;
	_ =	sdelay $0x1  }
0x1d9: {  	[tilespmem:s15+$0x5A00] =	vst v4;
	s15 =	smov.u32 s16  }
0x1da: {  	v4 =	vld.idx.msk [tilespmem:v5+s0+$0x0], $0xffff  }
.Ltmp3:
0x1db: {  	(pc) =	sbr.rel @p0 .LBB2_8-.Ltmp3, $2  }
0x1dc: {  	_ =	sdelay $0x2  }
0x1dd: {  	s16 =	sshra.s32 s17, $0x2;
	s17 =	sadd.s32 $0x40, s17  }
0x1de: {  	_ =	sdelay $0x1  }
0x1df: {  	v5 =	vld [tilespmem:s16+$0x4A00]  }
0x1e0: {  	[tilespmem:s15+$0x5200] =	vst v4  }
0x1e1: {  	v3 =	vld.idx.msk [tilespmem:v3+s3+$0x0], $0xffff;
	_ =	sdelay $0x4  }
0x1e2: {  	[tilespmem:s15+$0x5A00] =	vst v3  }
0x1e3: {  	v3 =	vld.idx.msk [tilespmem:v5+s0+$0x0], $0xffff;
	_ =	sdelay $0x4  }
0x1e4: {  	[tilespmem:s16+$0x5200] =	vst v3  }
0x1e5: {  	v3 =	vld.idx.msk [tilespmem:v5+s3+$0x0], $0xffff;
	_ =	sdelay $0x4  }
0x1e6: {  	[tilespmem:s16+$0x5A00] =	vst v3  }
0x1e7: {  	[hbm4b:s7+s4] =	stream.linear.scatter [tilespmem:s2], [sflag:$0x4], $0x800, $0x38;
	[tilespmem:$0x6200] =	vst v63  }
0x1e8: {  	s14 =	sadd.s32 $0x1, s14;
	_ =	swait.ge [sflag:s10], $0x800  }
0x1e9: {  	p0 =	sne.s32 s14, s9;
	[sflag:s10] =	ssyncset.done $0x0  }
.Ltmp4:
0x1ea: {  	[sflag:s10] =	ssyncadd.s32 $0xFFFFF800;
	(pc) =	sbr.rel @p0 .LBB2_1-.Ltmp4, $4  }
0x1eb: {  	[hbm4b:s8+s4] =	stream.linear.scatter [tilespmem:s11], [sflag:$0x4], $0x800, $0x38;
	[tilespmem:$0x6200] =	vst v63  }
0x1ec: {  	_ =	swait.ge [sflag:s10], $0x800  }
0x1ed: {  	[sflag:s10] =	ssyncset.done $0x0  }
0x1ee: {  	[sflag:s10] =	ssyncadd.s32 $0xFFFFF800  }
0x1ef: {  	_ =	sfence.sel $0x180000  }
0x1f0: {  	[bflag:$0x0] =	sbarrier.arrive $0xFFFF  }
0x1f1: {  	_ =	strace $0x90000047  }
0x1f2: {  	s0 =	stileid.u32;
	[bflag:$0x2] =	sbarrier.arrive $0xFFFF  }
0x1f3: {  	p0 =	sne.s32 s0, $0x0;
	s0 =	rddreg [dreg:$0x4]  }
0x1f4: {  	s0 =	sadd.s32 @!p0 $0x100000, s0  }
0x1f5: {  	[sflag:s0] =	ssyncadd.tile.s32 @!p0 $0x1;
	_ =	shalt  }
.Lfunc_end2:
_tile_overlayer_lowered:
.L_overlay_start_2:
0x1f6: {  	(tag) =	ssettag $0x2  }
0x1f7: {  	s0 =	rddreg [dreg:$0x0];
	s2 =	stileid.u32  }
0x1f8: {  	s1 =	rddreg [dreg:$0x1];
	p0 =	sne.s32 s2, $0x0  }
0x1f9: {  	s3 =	rddreg [dreg:$0x2];
	[bflag:$0x3] =	sbarrier.arrive $0xFFFF;
	s2 =	simm.s32 @!p0 $0x1C04  }
0x1fa: {  	[timem:s3], [sflag:s2] =	dma.local @!p0 [hbm:s0], s1  }
0x1fb: {  	s0 =	simm.s32 @!p0 $0x4  }
0x1fc: {  	_ =	swait.ge @!p0 [sflag:s0], s1  }
0x1fd: {  	s1 =	ssub.s32 @!p0 $0x0, s1;
	[sflag:s0] =	ssyncset.done @!p0 $0x0  }
0x1fe: {  	[sflag:s0] =	ssyncadd.s32 @!p0 s1  }
0x1ff: {  	[bflag:$0x3] =	sbarrier.arrive $0xFFFF  }
0x200: {  	_ =	shalt  }

</sc_bundles>
